<compile_context>
chip_gen: v7x
topology: tpu7x:2x2x1
jax: 0.10.2.dev20260603
libtpu: 0.0.44.dev20260713+nightly
codegen_flags: <defaults>
</compile_context>

<pallas_src>
import functools

import jax
import jax.numpy as jnp
from jax import lax
from jax.experimental import pallas as pl
from jax.experimental.pallas import tpu as pltpu
from jax.experimental.pallas import tpu_sc as plsc

N = 10000
E = 320000
D = 128
G = 64

NC = 2
NS = 16
NP = 10240
RW = NP // NS
EW = E // (NC * NS)
CH = 80
EWP = 10240
EPT = EWP // CH
SCC = 16
NST = EPT // SCC
BLK = 2000
TOT = float(N * D)

_mesh = plsc.VectorSubcoreMesh(
    core_axis_name="c", subcore_axis_name="s", num_cores=NC, num_subcores=NS)



@functools.partial(
    pl.kernel,
    out_type=jax.ShapeDtypeStruct((NC, NP), jnp.float32),
    mesh=_mesh,
    scratch_types=[
        pltpu.VMEM((EPT, CH), jnp.int32),
        pltpu.VMEM((CH,), jnp.float32),
        pltpu.VMEM((RW,), jnp.float32),
        pltpu.VMEM_SHARED((NP,), jnp.float32),
        pltpu.SemaphoreType.DMA,
    ],
)
def _sc_deg(dst_hbm, out_hbm, idx_v, ones_v, zero_v, deg_sh, sem):
    cid = lax.axis_index("c")
    sid = lax.axis_index("s")
    wid = cid * NS + sid

    for j in range(CH // 16):
        ones_v[pl.ds(j * 16, 16)] = jnp.full((16,), 1.0, jnp.float32)

    def zfill(i, carry):
        zero_v[pl.ds(i * 16, 16)] = jnp.zeros((16,), jnp.float32)
        return carry
    lax.fori_loop(0, RW // 16, zfill, 0)

    pltpu.sync_copy(zero_v, deg_sh.at[pl.ds(sid * RW, RW)])
    pltpu.sync_copy(dst_hbm.at[wid], idx_v)
    plsc.subcore_barrier()

    def body(k, carry):
        for t in range(4):
            pltpu.async_copy(ones_v, deg_sh.at[idx_v.at[k * 4 + t]], sem,
                             add=True)
        for t in range(4):
            pltpu.make_async_copy(
                ones_v, deg_sh.at[idx_v.at[k * 4 + t]], sem).wait()
        return carry
    lax.fori_loop(0, EPT // 4, body, 0)

    plsc.subcore_barrier()
    pltpu.sync_copy(deg_sh.at[pl.ds(sid * RW, RW)],
                    out_hbm.at[cid, pl.ds(sid * RW, RW)])



@functools.partial(
    pl.kernel,
    out_type=jax.ShapeDtypeStruct((NC, NP, D), jnp.float32),
    mesh=_mesh,
    scratch_types=[
        pltpu.VMEM((SCC, CH), jnp.int32),
        pltpu.VMEM((SCC, CH), jnp.int32),
        pltpu.VMEM((CH, D), jnp.float32),
        pltpu.VMEM((CH, D), jnp.float32),
        pltpu.VMEM((CH, D), jnp.float32),
        pltpu.VMEM((CH, D), jnp.float32),
        pltpu.VMEM_SHARED((NP, D), jnp.float32),
        pltpu.SemaphoreType.DMA,
        pltpu.SemaphoreType.DMA,
        pltpu.SemaphoreType.DMA,
        pltpu.SemaphoreType.DMA,
        pltpu.SemaphoreType.DMA,
        pltpu.SemaphoreType.DMA,
        pltpu.SemaphoreType.DMA,
        pltpu.SemaphoreType.DMA,
    ],
)
def _sc_pass(y_hbm, src_hbm, dst_hbm, out_hbm,
             src_v, dst_v, r0, r1, r2, r3, acc_sh,
             sg0, sg1, sg2, sg3, ss0, ss1, ss2, ss3):
    cid = lax.axis_index("c")
    sid = lax.axis_index("s")
    wid = cid * NS + sid
    rows = [r0, r1, r2, r3]
    sg = [sg0, sg1, sg2, sg3]
    ss = [ss0, ss1, ss2, ss3]

    def zfill(i, carry):
        for j in range(D // 16):
            r0[i, pl.ds(j * 16, 16)] = jnp.zeros((16,), jnp.float32)
        return carry
    lax.fori_loop(0, CH, zfill, 0)

    def zcopy(k, carry):
        pltpu.sync_copy(r0, acc_sh.at[pl.ds(sid * RW + k * CH, CH)])
        return carry
    lax.fori_loop(0, RW // CH, zcopy, 0)
    plsc.subcore_barrier()

    def g_start(j, b):
        pltpu.async_copy(y_hbm.at[src_v.at[j]], rows[b], sg[b])

    def g_wait(j, b):
        pltpu.make_async_copy(y_hbm.at[src_v.at[j]], rows[b], sg[b]).wait()

    def s_start(j, b):
        pltpu.async_copy(rows[b], acc_sh.at[dst_v.at[j]], ss[b], add=True)

    def s_wait(j, b):
        pltpu.make_async_copy(rows[b], acc_sh.at[dst_v.at[j]], ss[b]).wait()

    NQ = SCC // 4

    def stage(st, carry):
        pltpu.sync_copy(src_hbm.at[wid, pl.ds(st * SCC, SCC)], src_v)
        pltpu.sync_copy(dst_hbm.at[wid, pl.ds(st * SCC, SCC)], dst_v)
        g_start(0, 0)
        g_start(1, 1)
        g_start(2, 2)

        def quad(q, carry2):
            for t in range(4):
                j = 4 * q + t
                bp = (t + 3) % 4
                g_wait(j, t)
                s_start(j, t)
                if t == 0:
                    @pl.when(q > 0)
                    def _():
                        s_wait(j - 1, bp)
                    g_start(j + 3, bp)
                else:
                    s_wait(j - 1, bp)

                    @pl.when(q < NQ - 1)
                    def _():
                        g_start(j + 3, bp)
            return carry2
        lax.fori_loop(0, NQ, quad, 0)
        s_wait(SCC - 1, 3)
        return carry
    lax.fori_loop(0, NST, stage, 0)

    plsc.subcore_barrier()
    pltpu.sync_copy(acc_sh.at[pl.ds(sid * RW, RW)],
                    out_hbm.at[cid, pl.ds(sid * RW, RW)])



def _dinv_blk(deg_ref):
    return lax.rsqrt(deg_ref[:, 0:1] + deg_ref[:, 1:2] + 1.0)


def _tc_pre(x, W, deg_t):
    def body(x_ref, w_ref, deg_ref, y_ref):
        y_ref[...] = _dinv_blk(deg_ref) * jnp.dot(
            x_ref[...], w_ref[...], preferred_element_type=jnp.float32)
    return pl.pallas_call(
        body,
        grid=(N // BLK,),
        in_specs=[
            pl.BlockSpec((BLK, D), lambda i: (i, 0)),
            pl.BlockSpec((D, D), lambda i: (0, 0)),
            pl.BlockSpec((BLK, 2), lambda i: (i, 0)),
        ],
        out_specs=pl.BlockSpec((BLK, D), lambda i: (i, 0)),
        out_shape=jax.ShapeDtypeStruct((N, D), jnp.float32),
    )(x, W, deg_t)


def _tc_stats(acc2, y, deg_t, brow):
    def body(acc_ref, y_ref, deg_ref, b_ref, pre_ref, st_ref, s_scr):
        i = pl.program_id(0)

        @pl.when(i == 0)
        def _():
            s_scr[0] = 0.0
            s_scr[1] = 0.0

        pre = (_dinv_blk(deg_ref) * (acc_ref[0] + acc_ref[1] + y_ref[...])
               + b_ref[...])
        pre_ref[...] = pre
        s_scr[0] += jnp.sum(pre)
        s_scr[1] += jnp.sum(pre * pre)
        st_ref[0] = s_scr[0]
        st_ref[1] = s_scr[1]

    return pl.pallas_call(
        body,
        grid=(N // BLK,),
        in_specs=[
            pl.BlockSpec((NC, BLK, D), lambda i: (0, i, 0)),
            pl.BlockSpec((BLK, D), lambda i: (i, 0)),
            pl.BlockSpec((BLK, 2), lambda i: (i, 0)),
            pl.BlockSpec((1, D), lambda i: (0, 0)),
        ],
        out_specs=[
            pl.BlockSpec((BLK, D), lambda i: (i, 0)),
            pl.BlockSpec(memory_space=pltpu.SMEM),
        ],
        out_shape=[
            jax.ShapeDtypeStruct((N, D), jnp.float32),
            jax.ShapeDtypeStruct((2,), jnp.float32),
        ],
        scratch_shapes=[pltpu.SMEM((2,), jnp.float32)],
    )(acc2, y, deg_t, brow)


def _normed(pre_ref, st_ref, w_ref, b_ref):
    mu = st_ref[0] / TOT
    var = st_ref[1] / TOT - mu * mu
    istd = lax.rsqrt(var + 1e-5)
    h = w_ref[...] * ((pre_ref[...] - mu) * istd) + b_ref[...]
    return jnp.where(h >= 0, h, 0.01 * h)


def _tc_layer(pre, st, lnw, lnb, W2, deg_t):
    def body(pre_ref, st_ref, w_ref, b_ref, w2_ref, deg_ref, y_ref):
        h = _normed(pre_ref, st_ref, w_ref, b_ref)
        y_ref[...] = _dinv_blk(deg_ref) * jnp.dot(
            h, w2_ref[...], preferred_element_type=jnp.float32)
    return pl.pallas_call(
        body,
        grid=(N // BLK,),
        in_specs=[
            pl.BlockSpec((BLK, D), lambda i: (i, 0)),
            pl.BlockSpec(memory_space=pltpu.SMEM),
            pl.BlockSpec((1, D), lambda i: (0, 0)),
            pl.BlockSpec((1, D), lambda i: (0, 0)),
            pl.BlockSpec((D, D), lambda i: (0, 0)),
            pl.BlockSpec((BLK, 2), lambda i: (i, 0)),
        ],
        out_specs=pl.BlockSpec((BLK, D), lambda i: (i, 0)),
        out_shape=jax.ShapeDtypeStruct((N, D), jnp.float32),
    )(pre, st, lnw, lnb, W2, deg_t)


def _tc_pool(pre, st, lnw, lnb, batch_col):
    def body(pre_ref, st_ref, w_ref, b_ref, bat_ref, out_ref, s_scr, c_scr):
        i = pl.program_id(0)

        @pl.when(i == 0)
        def _():
            s_scr[...] = jnp.zeros((G, D), jnp.float32)
            c_scr[...] = jnp.zeros((G, D), jnp.float32)

        h = _normed(pre_ref, st_ref, w_ref, b_ref)
        oh = (bat_ref[...] == lax.broadcasted_iota(
            jnp.int32, (BLK, G), 1)).astype(jnp.float32)
        dn = (((0,), (0,)), ((), ()))
        s_scr[...] += lax.dot_general(
            oh, h, dn, preferred_element_type=jnp.float32)
        c_scr[...] += lax.dot_general(
            oh, jnp.ones((BLK, D), jnp.float32), dn,
            preferred_element_type=jnp.float32)

        @pl.when(i == N // BLK - 1)
        def _():
            out_ref[...] = s_scr[...] / jnp.clip(c_scr[...], 1.0, None)

    return pl.pallas_call(
        body,
        grid=(N // BLK,),
        in_specs=[
            pl.BlockSpec((BLK, D), lambda i: (i, 0)),
            pl.BlockSpec(memory_space=pltpu.SMEM),
            pl.BlockSpec((1, D), lambda i: (0, 0)),
            pl.BlockSpec((1, D), lambda i: (0, 0)),
            pl.BlockSpec((BLK, 1), lambda i: (i, 0)),
        ],
        out_specs=pl.BlockSpec((G, D), lambda i: (0, 0)),
        out_shape=jax.ShapeDtypeStruct((G, D), jnp.float32),
        scratch_shapes=[
            pltpu.VMEM((G, D), jnp.float32),
            pltpu.VMEM((G, D), jnp.float32),
        ],
    )(pre, st, lnw, lnb, batch_col)


def kernel(x, edge_index, batch, W1, b1, ln1_w, ln1_b, W2, b2, ln2_w, ln2_b):
    nt = NC * NS
    pad = EWP - EW
    src_pad = jnp.broadcast_to(jnp.arange(pad, dtype=jnp.int32), (nt, pad))
    dst_pad = jnp.broadcast_to(jnp.arange(pad, dtype=jnp.int32) + N,
                               (nt, pad))
    src = jnp.concatenate([edge_index[0].reshape(nt, EW), src_pad],
                          axis=1).reshape(nt, EPT, CH)
    dst = jnp.concatenate([edge_index[1].reshape(nt, EW), dst_pad],
                          axis=1).reshape(nt, EPT, CH)

    deg2 = _sc_deg(dst)
    deg_t = deg2.T[:N]

    y1 = _tc_pre(x, W1, deg_t)
    acc1 = _sc_pass(y1, src, dst)
    pre1, st1 = _tc_stats(acc1, y1, deg_t, b1.reshape(1, D))
    y2 = _tc_layer(pre1, st1, ln1_w.reshape(1, D), ln1_b.reshape(1, D),
                   W2, deg_t)
    acc2 = _sc_pass(y2, src, dst)
    pre2, st2 = _tc_stats(acc2, y2, deg_t, b2.reshape(1, D))
    return _tc_pool(pre2, st2, ln2_w.reshape(1, D), ln2_b.reshape(1, D),
                    batch.reshape(N, 1))

# --- scband reference (transcript-rebuilt; emitter-appended) ---
"""Pipeline reference for scband-team-gnn-61160334295458 (READ-ONLY COPY).

The authoritative reference and input builder live on the scoring server;
editing this copy changes nothing except your own understanding.
"""

import jax, jax.numpy as jnp
import numpy as np

N = 10000
E = 320000
D_IN = 128
D_H = 128
G = 64


def setup_inputs(seed: int = 0) -> dict:
    key = jax.random.key(seed)
    ks = jax.random.split(key, 8)
    x = jax.random.normal(ks[0], (N, D_IN), dtype=jnp.float32)
    edge_index = jax.random.randint(ks[1], (2, E), 0, N, dtype=jnp.int32)
    batch = jnp.sort(jax.random.randint(ks[2], (N,), 0, G, dtype=jnp.int32))
    W1 = jax.random.normal(ks[3], (D_IN, D_H), dtype=jnp.float32) * 0.05
    b1 = jnp.zeros((D_H,), dtype=jnp.float32)
    ln1_w = jnp.ones((D_H,), dtype=jnp.float32)
    ln1_b = jnp.zeros((D_H,), dtype=jnp.float32)
    W2 = jax.random.normal(ks[4], (D_H, D_H), dtype=jnp.float32) * 0.05
    b2 = jnp.zeros((D_H,), dtype=jnp.float32)
    ln2_w = jnp.ones((D_H,), dtype=jnp.float32)
    ln2_b = jnp.zeros((D_H,), dtype=jnp.float32)
    return {"x": x, "edge_index": edge_index, "batch": batch, "W1": W1, "b1": b1,
            "ln1_w": ln1_w, "ln1_b": ln1_b, "W2": W2, "b2": b2, "ln2_w": ln2_w, "ln2_b": ln2_b}


def _gcn_conv(x, edge_index, W, b):
    # PyG GCNConv: add self-loops, symmetric normalization, x @ W, scatter-add, + bias
    src = edge_index[0]
    dst = edge_index[1]
    loop = jnp.arange(N, dtype=edge_index.dtype)
    src = jnp.concatenate([src, loop])
    dst = jnp.concatenate([dst, loop])
    deg = jax.ops.segment_sum(jnp.ones(src.shape[0], dtype=x.dtype), dst, num_segments=N)
    dinv = jnp.where(deg > 0, jax.lax.rsqrt(jnp.maximum(deg, 1e-12)), 0.0)
    norm = dinv[src] * dinv[dst]
    xw = x @ W
    msg = xw[src] * norm[:, None]
    out = jax.ops.segment_sum(msg, dst, num_segments=N)
    return out + b


def _graph_layernorm(x, w, b, eps=1e-5):
    # PyG LayerNorm(mode='graph') with batch=None: normalize over all nodes+channels
    mu = x.mean()
    var = ((x - mu) ** 2).mean()
    return w * ((x - mu) / jnp.sqrt(var + eps)) + b


def _leaky_relu(x):
    return jnp.where(x >= 0, x, 0.01 * x)


def reference(x, edge_index, batch, W1, b1, ln1_w, ln1_b, W2, b2, ln2_w, ln2_b):
    h = _gcn_conv(x, edge_index, W1, b1)
    h = _graph_layernorm(h, ln1_w, ln1_b)
    h = _leaky_relu(h)
    h = _gcn_conv(h, edge_index, W2, b2)
    h = _graph_layernorm(h, ln2_w, ln2_b)
    h = _leaky_relu(h)
    s = jax.ops.segment_sum(h, batch, num_segments=G)
    cnt = jax.ops.segment_sum(jnp.ones(N, dtype=h.dtype), batch, num_segments=G)
    return s / jnp.clip(cnt, 1.0, None)[:, None]

if __name__ == "__main__":
    import jax
    _d = setup_inputs()
    print(jax.jit(kernel)(*tuple(_d.values())))

</pallas_src>

<mosaic_0001>
#map = affine_map<(d0, d1) -> (0, 0, 0)>
#map1 = affine_map<(d0, d1) -> (0, 0)>
module attributes {stable_mosaic.version = 14 : i64} {
  func.func @_sc_deg(%arg0: i32, %arg1: i32, %arg2: memref<32x128x80xi32, #tpu.memory_space<hbm>>, %arg3: memref<2x10240xf32, #tpu.memory_space<hbm>>, %arg4: memref<128x80xi32, #tpu.memory_space<vmem>>, %arg5: memref<80xf32, #tpu.memory_space<vmem>>, %arg6: memref<640xf32, #tpu.memory_space<vmem>>, %arg7: memref<10240xf32, #tpu.memory_space<vmem_shared>>, %arg8: memref<!tpu.dma_semaphore, #tpu.memory_space<semaphore_mem>>) attributes {dimension_semantics = [#tpu.dimension_semantics<core_parallel>, #tpu.dimension_semantics<subcore_parallel>], iteration_bounds = array<i64: 2, 16>, scalar_prefetch = 0 : i64, scratch_operands = 5 : i64, tpu.core_type = #tpu.core_type<sc_vector_subcore>, window_params = [{transform_indices = #map}, {transform_indices = #map1}]} {
    %mul3A = arith.constant 16 : i32
    %mul3A_0 = arith.muli %arg0, %mul3A : i32
    %add3A = arith.addi %mul3A_0, %arg1 : i32
    %broadcast_in_dim3A = arith.constant 1.000000e+00 : f32
    %broadcast_in_dim3A_1 = vector.broadcast %broadcast_in_dim3A : f32 to vector<16xf32>
    %swap3A = arith.constant 0 : index
    %swap3A_2 = tpu.vector_load %arg5[%swap3A] {strides = array<i32>} : memref<80xf32, #tpu.memory_space<vmem>>, vector<16xf32>,
    %swap3A_3 = vector.shape_cast %swap3A_2 : vector<16xf32> to vector<16xf32>
    %swap3A_4 = vector.shape_cast %broadcast_in_dim3A_1 : vector<16xf32> to vector<16xf32>
    tpu.vector_store %arg5[%swap3A], %swap3A_4 {strides = array<i32>} : memref<80xf32, #tpu.memory_space<vmem>>, vector<16xf32>,
    %broadcast_in_dim3A_5 = arith.constant 1.000000e+00 : f32
    %broadcast_in_dim3A_6 = vector.broadcast %broadcast_in_dim3A_5 : f32 to vector<16xf32>
    %swap3A_7 = arith.constant 16 : index
    %swap3A_8 = tpu.vector_load %arg5[%swap3A_7] {strides = array<i32>} : memref<80xf32, #tpu.memory_space<vmem>>, vector<16xf32>,
    %swap3A_9 = vector.shape_cast %swap3A_8 : vector<16xf32> to vector<16xf32>
    %swap3A_10 = vector.shape_cast %broadcast_in_dim3A_6 : vector<16xf32> to vector<16xf32>
    tpu.vector_store %arg5[%swap3A_7], %swap3A_10 {strides = array<i32>} : memref<80xf32, #tpu.memory_space<vmem>>, vector<16xf32>,
    %broadcast_in_dim3A_11 = arith.constant 1.000000e+00 : f32
    %broadcast_in_dim3A_12 = vector.broadcast %broadcast_in_dim3A_11 : f32 to vector<16xf32>
    %swap3A_13 = arith.constant 32 : index
    %swap3A_14 = tpu.vector_load %arg5[%swap3A_13] {strides = array<i32>} : memref<80xf32, #tpu.memory_space<vmem>>, vector<16xf32>,
    %swap3A_15 = vector.shape_cast %swap3A_14 : vector<16xf32> to vector<16xf32>
    %swap3A_16 = vector.shape_cast %broadcast_in_dim3A_12 : vector<16xf32> to vector<16xf32>
    tpu.vector_store %arg5[%swap3A_13], %swap3A_16 {strides = array<i32>} : memref<80xf32, #tpu.memory_space<vmem>>, vector<16xf32>,
    %broadcast_in_dim3A_17 = arith.constant 1.000000e+00 : f32
    %broadcast_in_dim3A_18 = vector.broadcast %broadcast_in_dim3A_17 : f32 to vector<16xf32>
    %swap3A_19 = arith.constant 48 : index
    %swap3A_20 = tpu.vector_load %arg5[%swap3A_19] {strides = array<i32>} : memref<80xf32, #tpu.memory_space<vmem>>, vector<16xf32>,
    %swap3A_21 = vector.shape_cast %swap3A_20 : vector<16xf32> to vector<16xf32>
    %swap3A_22 = vector.shape_cast %broadcast_in_dim3A_18 : vector<16xf32> to vector<16xf32>
    tpu.vector_store %arg5[%swap3A_19], %swap3A_22 {strides = array<i32>} : memref<80xf32, #tpu.memory_space<vmem>>, vector<16xf32>,
    %broadcast_in_dim3A_23 = arith.constant 1.000000e+00 : f32
    %broadcast_in_dim3A_24 = vector.broadcast %broadcast_in_dim3A_23 : f32 to vector<16xf32>
    %swap3A_25 = arith.constant 64 : index
    %swap3A_26 = tpu.vector_load %arg5[%swap3A_25] {strides = array<i32>} : memref<80xf32, #tpu.memory_space<vmem>>, vector<16xf32>,
    %swap3A_27 = vector.shape_cast %swap3A_26 : vector<16xf32> to vector<16xf32>
    %swap3A_28 = vector.shape_cast %broadcast_in_dim3A_24 : vector<16xf32> to vector<16xf32>
    tpu.vector_store %arg5[%swap3A_25], %swap3A_28 {strides = array<i32>} : memref<80xf32, #tpu.memory_space<vmem>>, vector<16xf32>,
    %scan3A = arith.constant 0 : i32
    %scan3A_29 = arith.constant 0 : i32
    %scan3A_30 = arith.constant 40 : i32
    %scan3A_31 = arith.addi %scan3A_29, %scan3A_30 : i32
    %scan3A_32 = arith.constant 1 : i32
    scf.for %scan3A_47 = %scan3A_29 to %scan3A_31 step %scan3A_32  : i32 {
      %broadcast_in_dim3A_48 = arith.constant 0.000000e+00 : f32
      %broadcast_in_dim3A_49 = vector.broadcast %broadcast_in_dim3A_48 : f32 to vector<16xf32>
      %mul3A_50 = arith.constant 16 : i32
      %mul3A_51 = arith.muli %scan3A_47, %mul3A_50 : i32
      %swap3A_52 = arith.index_cast %mul3A_51 : i32 to index
      %swap3A_53 = tpu.vector_load %arg6[%swap3A_52] {strides = array<i32>} : memref<640xf32, #tpu.memory_space<vmem>>, vector<16xf32>,
      %swap3A_54 = vector.shape_cast %swap3A_53 : vector<16xf32> to vector<16xf32>
      %swap3A_55 = vector.shape_cast %broadcast_in_dim3A_49 : vector<16xf32> to vector<16xf32>
      tpu.vector_store %arg6[%swap3A_52], %swap3A_55 {strides = array<i32>} : memref<640xf32, #tpu.memory_space<vmem>>, vector<16xf32>,
    }
    %scan3A_33 = arith.constant 40 : i32
    %mul3A_34 = arith.constant 640 : i32
    %mul3A_35 = arith.muli %arg1, %mul3A_34 : i32
    "tpu.region"() ({
      %run_scoped3A = tpu.sem_alloc : memref<!tpu.dma_semaphore, #tpu.memory_space<semaphore_mem>>
      %dma_start3A = tpu.memref_slice %arg7[%mul3A_35] : memref<10240xf32, #tpu.memory_space<vmem_shared>> -> memref<640xf32, #tpu.memory_space<vmem_shared>>
      %dma_start3A_47 = tpu.memref_slice %arg7[%mul3A_35] : memref<10240xf32, #tpu.memory_space<vmem_shared>> -> memref<640xf32, #tpu.memory_space<vmem_shared>>
      tpu.enqueue_dma source(%arg6 : memref<640xf32, #tpu.memory_space<vmem>>) target(%dma_start3A_47 : memref<640xf32, #tpu.memory_space<vmem_shared>>) target_semaphore(%run_scoped3A : memref<!tpu.dma_semaphore, #tpu.memory_space<semaphore_mem>>)
      %dma_wait3A = tpu.memref_slice %arg7[%mul3A_35] : memref<10240xf32, #tpu.memory_space<vmem_shared>> -> memref<640xf32, #tpu.memory_space<vmem_shared>>
      %dma_wait3A_48 = tpu.memref_slice %arg7[%mul3A_35] : memref<10240xf32, #tpu.memory_space<vmem_shared>> -> memref<640xf32, #tpu.memory_space<vmem_shared>>
      tpu.wait_dma2 semaphore(%run_scoped3A : memref<!tpu.dma_semaphore, #tpu.memory_space<semaphore_mem>>) src(%arg6 : memref<640xf32, #tpu.memory_space<vmem>>) dst(%dma_wait3A_48 : memref<640xf32, #tpu.memory_space<vmem_shared>>)
      tpu.yield
    }) : () -> ()
    "tpu.region"() ({
      %run_scoped3A = tpu.sem_alloc : memref<!tpu.dma_semaphore, #tpu.memory_space<semaphore_mem>>
      %dma_start3A = arith.constant 0 : i32
      %dma_start3A_47 = arith.constant 0 : i32
      %dma_start3A_48 = tpu.memref_slice %arg2[%add3A, %dma_start3A, %dma_start3A_47] : memref<32x128x80xi32, #tpu.memory_space<hbm>> -> memref<1x128x80xi32, #tpu.memory_space<hbm>>
      %dma_start3A_49 = tpu.memref_squeeze %dma_start3A_48 : memref<1x128x80xi32, #tpu.memory_space<hbm>> -> memref<128x80xi32, #tpu.memory_space<hbm>>
      %dma_start3A_50 = arith.constant 0 : i32
      %dma_start3A_51 = arith.constant 0 : i32
      %dma_start3A_52 = tpu.memref_slice %arg2[%add3A, %dma_start3A_50, %dma_start3A_51] : memref<32x128x80xi32, #tpu.memory_space<hbm>> -> memref<1x128x80xi32, #tpu.memory_space<hbm>>
      %dma_start3A_53 = tpu.memref_squeeze %dma_start3A_52 : memref<1x128x80xi32, #tpu.memory_space<hbm>> -> memref<128x80xi32, #tpu.memory_space<hbm>>
      tpu.enqueue_dma source(%dma_start3A_53 : memref<128x80xi32, #tpu.memory_space<hbm>>) target(%arg4 : memref<128x80xi32, #tpu.memory_space<vmem>>) target_semaphore(%run_scoped3A : memref<!tpu.dma_semaphore, #tpu.memory_space<semaphore_mem>>)
      %dma_wait3A = arith.constant 0 : i32
      %dma_wait3A_54 = arith.constant 0 : i32
      %dma_wait3A_55 = tpu.memref_slice %arg2[%add3A, %dma_wait3A, %dma_wait3A_54] : memref<32x128x80xi32, #tpu.memory_space<hbm>> -> memref<1x128x80xi32, #tpu.memory_space<hbm>>
      %dma_wait3A_56 = tpu.memref_squeeze %dma_wait3A_55 : memref<1x128x80xi32, #tpu.memory_space<hbm>> -> memref<128x80xi32, #tpu.memory_space<hbm>>
      %dma_wait3A_57 = arith.constant 0 : i32
      %dma_wait3A_58 = arith.constant 0 : i32
      %dma_wait3A_59 = tpu.memref_slice %arg2[%add3A, %dma_wait3A_57, %dma_wait3A_58] : memref<32x128x80xi32, #tpu.memory_space<hbm>> -> memref<1x128x80xi32, #tpu.memory_space<hbm>>
      %dma_wait3A_60 = tpu.memref_squeeze %dma_wait3A_59 : memref<1x128x80xi32, #tpu.memory_space<hbm>> -> memref<128x80xi32, #tpu.memory_space<hbm>>
      tpu.wait_dma2 semaphore(%run_scoped3A : memref<!tpu.dma_semaphore, #tpu.memory_space<semaphore_mem>>) src(%dma_wait3A_60 : memref<128x80xi32, #tpu.memory_space<hbm>>) dst(%arg4 : memref<128x80xi32, #tpu.memory_space<vmem>>)
      tpu.yield
    }) : () -> ()
    %barrier3A = arith.constant 0 : index
    tpu.barrier barrier_id(%barrier3A)
    %scan3A_36 = arith.constant 0 : i32
    %scan3A_37 = arith.constant 0 : i32
    %scan3A_38 = arith.constant 32 : i32
    %scan3A_39 = arith.addi %scan3A_37, %scan3A_38 : i32
    %scan3A_40 = arith.constant 1 : i32
    scf.for %scan3A_47 = %scan3A_37 to %scan3A_39 step %scan3A_40  : i32 {
      %mul3A_48 = arith.constant 4 : i32
      %mul3A_49 = arith.muli %scan3A_47, %mul3A_48 : i32
      %add3A_50 = arith.constant 0 : i32
      %add3A_51 = arith.addi %mul3A_49, %add3A_50 : i32
      %dma_start3A = arith.constant 0 : i32
      %dma_start3A_52 = tpu.memref_slice %arg4[%add3A_51, %dma_start3A] : memref<128x80xi32, #tpu.memory_space<vmem>> -> memref<1x80xi32, #tpu.memory_space<vmem>>
      %dma_start3A_53 = tpu.memref_squeeze %dma_start3A_52 : memref<1x80xi32, #tpu.memory_space<vmem>> -> memref<80xi32, #tpu.memory_space<vmem>>
      %dma_start3A_54 = arith.constant 0 : i32
      %dma_start3A_55 = tpu.memref_slice %arg7[%dma_start3A_54] : memref<10240xf32, #tpu.memory_space<vmem_shared>> -> memref<10240xf32, #tpu.memory_space<vmem_shared>>
      tpu.enqueue_indirect_dma source(%arg5 : memref<80xf32, #tpu.memory_space<vmem>>) target(%dma_start3A_55 : memref<10240xf32, #tpu.memory_space<vmem_shared>>) offsets(%dma_start3A_53 : memref<80xi32, #tpu.memory_space<vmem>>) semaphore(%arg8 : memref<!tpu.dma_semaphore, #tpu.memory_space<semaphore_mem>>) {add = true}
      %mul3A_56 = arith.constant 4 : i32
      %mul3A_57 = arith.muli %scan3A_47, %mul3A_56 : i32
      %add3A_58 = arith.constant 1 : i32
      %add3A_59 = arith.addi %mul3A_57, %add3A_58 : i32
      %dma_start3A_60 = arith.constant 0 : i32
      %dma_start3A_61 = tpu.memref_slice %arg4[%add3A_59, %dma_start3A_60] : memref<128x80xi32, #tpu.memory_space<vmem>> -> memref<1x80xi32, #tpu.memory_space<vmem>>
      %dma_start3A_62 = tpu.memref_squeeze %dma_start3A_61 : memref<1x80xi32, #tpu.memory_space<vmem>> -> memref<80xi32, #tpu.memory_space<vmem>>
      %dma_start3A_63 = arith.constant 0 : i32
      %dma_start3A_64 = tpu.memref_slice %arg7[%dma_start3A_63] : memref<10240xf32, #tpu.memory_space<vmem_shared>> -> memref<10240xf32, #tpu.memory_space<vmem_shared>>
      tpu.enqueue_indirect_dma source(%arg5 : memref<80xf32, #tpu.memory_space<vmem>>) target(%dma_start3A_64 : memref<10240xf32, #tpu.memory_space<vmem_shared>>) offsets(%dma_start3A_62 : memref<80xi32, #tpu.memory_space<vmem>>) semaphore(%arg8 : memref<!tpu.dma_semaphore, #tpu.memory_space<semaphore_mem>>) {add = true}
      %mul3A_65 = arith.constant 4 : i32
      %mul3A_66 = arith.muli %scan3A_47, %mul3A_65 : i32
      %add3A_67 = arith.constant 2 : i32
      %add3A_68 = arith.addi %mul3A_66, %add3A_67 : i32
      %dma_start3A_69 = arith.constant 0 : i32
      %dma_start3A_70 = tpu.memref_slice %arg4[%add3A_68, %dma_start3A_69] : memref<128x80xi32, #tpu.memory_space<vmem>> -> memref<1x80xi32, #tpu.memory_space<vmem>>
      %dma_start3A_71 = tpu.memref_squeeze %dma_start3A_70 : memref<1x80xi32, #tpu.memory_space<vmem>> -> memref<80xi32, #tpu.memory_space<vmem>>
      %dma_start3A_72 = arith.constant 0 : i32
      %dma_start3A_73 = tpu.memref_slice %arg7[%dma_start3A_72] : memref<10240xf32, #tpu.memory_space<vmem_shared>> -> memref<10240xf32, #tpu.memory_space<vmem_shared>>
      tpu.enqueue_indirect_dma source(%arg5 : memref<80xf32, #tpu.memory_space<vmem>>) target(%dma_start3A_73 : memref<10240xf32, #tpu.memory_space<vmem_shared>>) offsets(%dma_start3A_71 : memref<80xi32, #tpu.memory_space<vmem>>) semaphore(%arg8 : memref<!tpu.dma_semaphore, #tpu.memory_space<semaphore_mem>>) {add = true}
      %mul3A_74 = arith.constant 4 : i32
      %mul3A_75 = arith.muli %scan3A_47, %mul3A_74 : i32
      %add3A_76 = arith.constant 3 : i32
      %add3A_77 = arith.addi %mul3A_75, %add3A_76 : i32
      %dma_start3A_78 = arith.constant 0 : i32
      %dma_start3A_79 = tpu.memref_slice %arg4[%add3A_77, %dma_start3A_78] : memref<128x80xi32, #tpu.memory_space<vmem>> -> memref<1x80xi32, #tpu.memory_space<vmem>>
      %dma_start3A_80 = tpu.memref_squeeze %dma_start3A_79 : memref<1x80xi32, #tpu.memory_space<vmem>> -> memref<80xi32, #tpu.memory_space<vmem>>
      %dma_start3A_81 = arith.constant 0 : i32
      %dma_start3A_82 = tpu.memref_slice %arg7[%dma_start3A_81] : memref<10240xf32, #tpu.memory_space<vmem_shared>> -> memref<10240xf32, #tpu.memory_space<vmem_shared>>
      tpu.enqueue_indirect_dma source(%arg5 : memref<80xf32, #tpu.memory_space<vmem>>) target(%dma_start3A_82 : memref<10240xf32, #tpu.memory_space<vmem_shared>>) offsets(%dma_start3A_80 : memref<80xi32, #tpu.memory_space<vmem>>) semaphore(%arg8 : memref<!tpu.dma_semaphore, #tpu.memory_space<semaphore_mem>>) {add = true}
      %mul3A_83 = arith.constant 4 : i32
      %mul3A_84 = arith.muli %scan3A_47, %mul3A_83 : i32
      %add3A_85 = arith.constant 0 : i32
      %add3A_86 = arith.addi %mul3A_84, %add3A_85 : i32
      %dma_wait3A = arith.constant 0 : i32
      %dma_wait3A_87 = tpu.memref_slice %arg4[%add3A_86, %dma_wait3A] : memref<128x80xi32, #tpu.memory_space<vmem>> -> memref<1x80xi32, #tpu.memory_space<vmem>>
      %dma_wait3A_88 = tpu.memref_squeeze %dma_wait3A_87 : memref<1x80xi32, #tpu.memory_space<vmem>> -> memref<80xi32, #tpu.memory_space<vmem>>
      %dma_wait3A_89 = arith.constant 0 : i32
      %dma_wait3A_90 = tpu.memref_slice %arg7[%dma_wait3A_89] : memref<10240xf32, #tpu.memory_space<vmem_shared>> -> memref<10240xf32, #tpu.memory_space<vmem_shared>>
      tpu.wait_indirect_dma semaphore(%arg8 : memref<!tpu.dma_semaphore, #tpu.memory_space<semaphore_mem>>) src(%arg5 : memref<80xf32, #tpu.memory_space<vmem>>) dst(%dma_wait3A_90 : memref<10240xf32, #tpu.memory_space<vmem_shared>>)
      %mul3A_91 = arith.constant 4 : i32
      %mul3A_92 = arith.muli %scan3A_47, %mul3A_91 : i32
      %add3A_93 = arith.constant 1 : i32
      %add3A_94 = arith.addi %mul3A_92, %add3A_93 : i32
      %dma_wait3A_95 = arith.constant 0 : i32
      %dma_wait3A_96 = tpu.memref_slice %arg4[%add3A_94, %dma_wait3A_95] : memref<128x80xi32, #tpu.memory_space<vmem>> -> memref<1x80xi32, #tpu.memory_space<vmem>>
      %dma_wait3A_97 = tpu.memref_squeeze %dma_wait3A_96 : memref<1x80xi32, #tpu.memory_space<vmem>> -> memref<80xi32, #tpu.memory_space<vmem>>
      %dma_wait3A_98 = arith.constant 0 : i32
      %dma_wait3A_99 = tpu.memref_slice %arg7[%dma_wait3A_98] : memref<10240xf32, #tpu.memory_space<vmem_shared>> -> memref<10240xf32, #tpu.memory_space<vmem_shared>>
      tpu.wait_indirect_dma semaphore(%arg8 : memref<!tpu.dma_semaphore, #tpu.memory_space<semaphore_mem>>) src(%arg5 : memref<80xf32, #tpu.memory_space<vmem>>) dst(%dma_wait3A_99 : memref<10240xf32, #tpu.memory_space<vmem_shared>>)
      %mul3A_100 = arith.constant 4 : i32
      %mul3A_101 = arith.muli %scan3A_47, %mul3A_100 : i32
      %add3A_102 = arith.constant 2 : i32
      %add3A_103 = arith.addi %mul3A_101, %add3A_102 : i32
      %dma_wait3A_104 = arith.constant 0 : i32
      %dma_wait3A_105 = tpu.memref_slice %arg4[%add3A_103, %dma_wait3A_104] : memref<128x80xi32, #tpu.memory_space<vmem>> -> memref<1x80xi32, #tpu.memory_space<vmem>>
      %dma_wait3A_106 = tpu.memref_squeeze %dma_wait3A_105 : memref<1x80xi32, #tpu.memory_space<vmem>> -> memref<80xi32, #tpu.memory_space<vmem>>
      %dma_wait3A_107 = arith.constant 0 : i32
      %dma_wait3A_108 = tpu.memref_slice %arg7[%dma_wait3A_107] : memref<10240xf32, #tpu.memory_space<vmem_shared>> -> memref<10240xf32, #tpu.memory_space<vmem_shared>>
      tpu.wait_indirect_dma semaphore(%arg8 : memref<!tpu.dma_semaphore, #tpu.memory_space<semaphore_mem>>) src(%arg5 : memref<80xf32, #tpu.memory_space<vmem>>) dst(%dma_wait3A_108 : memref<10240xf32, #tpu.memory_space<vmem_shared>>)
      %mul3A_109 = arith.constant 4 : i32
      %mul3A_110 = arith.muli %scan3A_47, %mul3A_109 : i32
      %add3A_111 = arith.constant 3 : i32
      %add3A_112 = arith.addi %mul3A_110, %add3A_111 : i32
      %dma_wait3A_113 = arith.constant 0 : i32
      %dma_wait3A_114 = tpu.memref_slice %arg4[%add3A_112, %dma_wait3A_113] : memref<128x80xi32, #tpu.memory_space<vmem>> -> memref<1x80xi32, #tpu.memory_space<vmem>>
      %dma_wait3A_115 = tpu.memref_squeeze %dma_wait3A_114 : memref<1x80xi32, #tpu.memory_space<vmem>> -> memref<80xi32, #tpu.memory_space<vmem>>
      %dma_wait3A_116 = arith.constant 0 : i32
      %dma_wait3A_117 = tpu.memref_slice %arg7[%dma_wait3A_116] : memref<10240xf32, #tpu.memory_space<vmem_shared>> -> memref<10240xf32, #tpu.memory_space<vmem_shared>>
      tpu.wait_indirect_dma semaphore(%arg8 : memref<!tpu.dma_semaphore, #tpu.memory_space<semaphore_mem>>) src(%arg5 : memref<80xf32, #tpu.memory_space<vmem>>) dst(%dma_wait3A_117 : memref<10240xf32, #tpu.memory_space<vmem_shared>>)
    }
    %scan3A_41 = arith.constant 32 : i32
    %barrier3A_42 = arith.constant 0 : index
    tpu.barrier barrier_id(%barrier3A_42)
    %mul3A_43 = arith.constant 640 : i32
    %mul3A_44 = arith.muli %arg1, %mul3A_43 : i32
    %mul3A_45 = arith.constant 640 : i32
    %mul3A_46 = arith.muli %arg1, %mul3A_45 : i32
    "tpu.region"() ({
      %run_scoped3A = tpu.sem_alloc : memref<!tpu.dma_semaphore, #tpu.memory_space<semaphore_mem>>
      %dma_start3A = tpu.memref_slice %arg3[%arg0, %mul3A_46] : memref<2x10240xf32, #tpu.memory_space<hbm>> -> memref<1x640xf32, #tpu.memory_space<hbm>>
      %dma_start3A_47 = tpu.memref_squeeze %dma_start3A : memref<1x640xf32, #tpu.memory_space<hbm>> -> memref<640xf32, #tpu.memory_space<hbm>>
      %dma_start3A_48 = tpu.memref_slice %arg7[%mul3A_44] : memref<10240xf32, #tpu.memory_space<vmem_shared>> -> memref<640xf32, #tpu.memory_space<vmem_shared>>
      tpu.enqueue_dma source(%dma_start3A_48 : memref<640xf32, #tpu.memory_space<vmem_shared>>) target(%dma_start3A_47 : memref<640xf32, #tpu.memory_space<hbm>>) target_semaphore(%run_scoped3A : memref<!tpu.dma_semaphore, #tpu.memory_space<semaphore_mem>>)
      %dma_wait3A = tpu.memref_slice %arg3[%arg0, %mul3A_46] : memref<2x10240xf32, #tpu.memory_space<hbm>> -> memref<1x640xf32, #tpu.memory_space<hbm>>
      %dma_wait3A_49 = tpu.memref_squeeze %dma_wait3A : memref<1x640xf32, #tpu.memory_space<hbm>> -> memref<640xf32, #tpu.memory_space<hbm>>
      %dma_wait3A_50 = tpu.memref_slice %arg7[%mul3A_44] : memref<10240xf32, #tpu.memory_space<vmem_shared>> -> memref<640xf32, #tpu.memory_space<vmem_shared>>
      tpu.wait_dma2 semaphore(%run_scoped3A : memref<!tpu.dma_semaphore, #tpu.memory_space<semaphore_mem>>) src(%dma_wait3A_50 : memref<640xf32, #tpu.memory_space<vmem_shared>>) dst(%dma_wait3A_49 : memref<640xf32, #tpu.memory_space<hbm>>)
      tpu.yield
    }) : () -> ()
    return
  }
}

#map = affine_map<(d0, d1) -> (0, 0)>
#map1 = affine_map<(d0, d1) -> (0, 0, 0)>
module attributes {stable_mosaic.version = 14 : i64} {
  func.func @_sc_pass(%arg0: i32, %arg1: i32, %arg2: memref<10000x128xf32, #tpu.memory_space<hbm>>, %arg3: memref<32x128x80xi32, #tpu.memory_space<hbm>>, %arg4: memref<32x128x80xi32, #tpu.memory_space<hbm>>, %arg5: memref<2x10240x128xf32, #tpu.memory_space<hbm>>, %arg6: memref<16x80xi32, #tpu.memory_space<vmem>>, %arg7: memref<16x80xi32, #tpu.memory_space<vmem>>, %arg8: memref<80x128xf32, #tpu.memory_space<vmem>>, %arg9: memref<80x128xf32, #tpu.memory_space<vmem>>, %arg10: memref<80x128xf32, #tpu.memory_space<vmem>>, %arg11: memref<80x128xf32, #tpu.memory_space<vmem>>, %arg12: memref<10240x128xf32, #tpu.memory_space<vmem_shared>>, %arg13: memref<!tpu.dma_semaphore, #tpu.memory_space<semaphore_mem>>, %arg14: memref<!tpu.dma_semaphore, #tpu.memory_space<semaphore_mem>>, %arg15: memref<!tpu.dma_semaphore, #tpu.memory_space<semaphore_mem>>, %arg16: memref<!tpu.dma_semaphore, #tpu.memory_space<semaphore_mem>>, %arg17: memref<!tpu.dma_semaphore, #tpu.memory_space<semaphore_mem>>, %arg18: memref<!tpu.dma_semaphore, #tpu.memory_space<semaphore_mem>>, %arg19: memref<!tpu.dma_semaphore, #tpu.memory_space<semaphore_mem>>, %arg20: memref<!tpu.dma_semaphore, #tpu.memory_space<semaphore_mem>>) attributes {dimension_semantics = [#tpu.dimension_semantics<core_parallel>, #tpu.dimension_semantics<subcore_parallel>], iteration_bounds = array<i64: 2, 16>, scalar_prefetch = 0 : i64, scratch_operands = 15 : i64, tpu.core_type = #tpu.core_type<sc_vector_subcore>, window_params = [{transform_indices = #map}, {transform_indices = #map1}, {transform_indices = #map1}, {transform_indices = #map1}]} {
    %mul3A = arith.constant 16 : i32
    %mul3A_0 = arith.muli %arg0, %mul3A : i32
    %add3A = arith.addi %mul3A_0, %arg1 : i32
    %scan3A = arith.constant 0 : i32
    %scan3A_1 = arith.constant 0 : i32
    %scan3A_2 = arith.constant 80 : i32
    %scan3A_3 = arith.addi %scan3A_1, %scan3A_2 : i32
    %scan3A_4 = arith.constant 1 : i32
    scf.for %scan3A_23 = %scan3A_1 to %scan3A_3 step %scan3A_4  : i32 {
      %broadcast_in_dim3A = arith.constant 0.000000e+00 : f32
      %broadcast_in_dim3A_24 = vector.broadcast %broadcast_in_dim3A : f32 to vector<16xf32>
      %swap3A = arith.index_cast %scan3A_23 : i32 to index
      %swap3A_25 = arith.constant 0 : index
      %swap3A_26 = tpu.vector_load %arg8[%swap3A, %swap3A_25] {strides = array<i32>} : memref<80x128xf32, #tpu.memory_space<vmem>>, vector<1x16xf32>,
      %swap3A_27 = vector.shape_cast %swap3A_26 : vector<1x16xf32> to vector<16xf32>
      %swap3A_28 = vector.shape_cast %broadcast_in_dim3A_24 : vector<16xf32> to vector<1x16xf32>
      tpu.vector_store %arg8[%swap3A, %swap3A_25], %swap3A_28 {strides = array<i32>} : memref<80x128xf32, #tpu.memory_space<vmem>>, vector<1x16xf32>,
      %broadcast_in_dim3A_29 = arith.constant 0.000000e+00 : f32
      %broadcast_in_dim3A_30 = vector.broadcast %broadcast_in_dim3A_29 : f32 to vector<16xf32>
      %swap3A_31 = arith.index_cast %scan3A_23 : i32 to index
      %swap3A_32 = arith.constant 16 : index
      %swap3A_33 = tpu.vector_load %arg8[%swap3A_31, %swap3A_32] {strides = array<i32>} : memref<80x128xf32, #tpu.memory_space<vmem>>, vector<1x16xf32>,
      %swap3A_34 = vector.shape_cast %swap3A_33 : vector<1x16xf32> to vector<16xf32>
      %swap3A_35 = vector.shape_cast %broadcast_in_dim3A_30 : vector<16xf32> to vector<1x16xf32>
      tpu.vector_store %arg8[%swap3A_31, %swap3A_32], %swap3A_35 {strides = array<i32>} : memref<80x128xf32, #tpu.memory_space<vmem>>, vector<1x16xf32>,
      %broadcast_in_dim3A_36 = arith.constant 0.000000e+00 : f32
      %broadcast_in_dim3A_37 = vector.broadcast %broadcast_in_dim3A_36 : f32 to vector<16xf32>
      %swap3A_38 = arith.index_cast %scan3A_23 : i32 to index
      %swap3A_39 = arith.constant 32 : index
      %swap3A_40 = tpu.vector_load %arg8[%swap3A_38, %swap3A_39] {strides = array<i32>} : memref<80x128xf32, #tpu.memory_space<vmem>>, vector<1x16xf32>,
      %swap3A_41 = vector.shape_cast %swap3A_40 : vector<1x16xf32> to vector<16xf32>
      %swap3A_42 = vector.shape_cast %broadcast_in_dim3A_37 : vector<16xf32> to vector<1x16xf32>
      tpu.vector_store %arg8[%swap3A_38, %swap3A_39], %swap3A_42 {strides = array<i32>} : memref<80x128xf32, #tpu.memory_space<vmem>>, vector<1x16xf32>,
      %broadcast_in_dim3A_43 = arith.constant 0.000000e+00 : f32
      %broadcast_in_dim3A_44 = vector.broadcast %broadcast_in_dim3A_43 : f32 to vector<16xf32>
      %swap3A_45 = arith.index_cast %scan3A_23 : i32 to index
      %swap3A_46 = arith.constant 48 : index
      %swap3A_47 = tpu.vector_load %arg8[%swap3A_45, %swap3A_46] {strides = array<i32>} : memref<80x128xf32, #tpu.memory_space<vmem>>, vector<1x16xf32>,
      %swap3A_48 = vector.shape_cast %swap3A_47 : vector<1x16xf32> to vector<16xf32>
      %swap3A_49 = vector.shape_cast %broadcast_in_dim3A_44 : vector<16xf32> to vector<1x16xf32>
      tpu.vector_store %arg8[%swap3A_45, %swap3A_46], %swap3A_49 {strides = array<i32>} : memref<80x128xf32, #tpu.memory_space<vmem>>, vector<1x16xf32>,
      %broadcast_in_dim3A_50 = arith.constant 0.000000e+00 : f32
      %broadcast_in_dim3A_51 = vector.broadcast %broadcast_in_dim3A_50 : f32 to vector<16xf32>
      %swap3A_52 = arith.index_cast %scan3A_23 : i32 to index
      %swap3A_53 = arith.constant 64 : index
      %swap3A_54 = tpu.vector_load %arg8[%swap3A_52, %swap3A_53] {strides = array<i32>} : memref<80x128xf32, #tpu.memory_space<vmem>>, vector<1x16xf32>,
      %swap3A_55 = vector.shape_cast %swap3A_54 : vector<1x16xf32> to vector<16xf32>
      %swap3A_56 = vector.shape_cast %broadcast_in_dim3A_51 : vector<16xf32> to vector<1x16xf32>
      tpu.vector_store %arg8[%swap3A_52, %swap3A_53], %swap3A_56 {strides = array<i32>} : memref<80x128xf32, #tpu.memory_space<vmem>>, vector<1x16xf32>,
      %broadcast_in_dim3A_57 = arith.constant 0.000000e+00 : f32
      %broadcast_in_dim3A_58 = vector.broadcast %broadcast_in_dim3A_57 : f32 to vector<16xf32>
      %swap3A_59 = arith.index_cast %scan3A_23 : i32 to index
      %swap3A_60 = arith.constant 80 : index
      %swap3A_61 = tpu.vector_load %arg8[%swap3A_59, %swap3A_60] {strides = array<i32>} : memref<80x128xf32, #tpu.memory_space<vmem>>, vector<1x16xf32>,
      %swap3A_62 = vector.shape_cast %swap3A_61 : vector<1x16xf32> to vector<16xf32>
      %swap3A_63 = vector.shape_cast %broadcast_in_dim3A_58 : vector<16xf32> to vector<1x16xf32>
      tpu.vector_store %arg8[%swap3A_59, %swap3A_60], %swap3A_63 {strides = array<i32>} : memref<80x128xf32, #tpu.memory_space<vmem>>, vector<1x16xf32>,
      %broadcast_in_dim3A_64 = arith.constant 0.000000e+00 : f32
      %broadcast_in_dim3A_65 = vector.broadcast %broadcast_in_dim3A_64 : f32 to vector<16xf32>
      %swap3A_66 = arith.index_cast %scan3A_23 : i32 to index
      %swap3A_67 = arith.constant 96 : index
      %swap3A_68 = tpu.vector_load %arg8[%swap3A_66, %swap3A_67] {strides = array<i32>} : memref<80x128xf32, #tpu.memory_space<vmem>>, vector<1x16xf32>,
      %swap3A_69 = vector.shape_cast %swap3A_68 : vector<1x16xf32> to vector<16xf32>
      %swap3A_70 = vector.shape_cast %broadcast_in_dim3A_65 : vector<16xf32> to vector<1x16xf32>
      tpu.vector_store %arg8[%swap3A_66, %swap3A_67], %swap3A_70 {strides = array<i32>} : memref<80x128xf32, #tpu.memory_space<vmem>>, vector<1x16xf32>,
      %broadcast_in_dim3A_71 = arith.constant 0.000000e+00 : f32
      %broadcast_in_dim3A_72 = vector.broadcast %broadcast_in_dim3A_71 : f32 to vector<16xf32>
      %swap3A_73 = arith.index_cast %scan3A_23 : i32 to index
      %swap3A_74 = arith.constant 112 : index
      %swap3A_75 = tpu.vector_load %arg8[%swap3A_73, %swap3A_74] {strides = array<i32>} : memref<80x128xf32, #tpu.memory_space<vmem>>, vector<1x16xf32>,
      %swap3A_76 = vector.shape_cast %swap3A_75 : vector<1x16xf32> to vector<16xf32>
      %swap3A_77 = vector.shape_cast %broadcast_in_dim3A_72 : vector<16xf32> to vector<1x16xf32>
      tpu.vector_store %arg8[%swap3A_73, %swap3A_74], %swap3A_77 {strides = array<i32>} : memref<80x128xf32, #tpu.memory_space<vmem>>, vector<1x16xf32>,
    }
    %scan3A_5 = arith.constant 80 : i32
    %scan3A_6 = arith.constant 0 : i32
    %scan3A_7 = arith.constant 0 : i32
    %scan3A_8 = arith.constant 8 : i32
    %scan3A_9 = arith.addi %scan3A_7, %scan3A_8 : i32
    %scan3A_10 = arith.constant 1 : i32
    scf.for %scan3A_23 = %scan3A_7 to %scan3A_9 step %scan3A_10  : i32 {
      %mul3A_24 = arith.constant 640 : i32
      %mul3A_25 = arith.muli %arg1, %mul3A_24 : i32
      %mul3A_26 = arith.constant 80 : i32
      %mul3A_27 = arith.muli %scan3A_23, %mul3A_26 : i32
      %add3A_28 = arith.addi %mul3A_25, %mul3A_27 : i32
      "tpu.region"() ({
        %run_scoped3A = tpu.sem_alloc : memref<!tpu.dma_semaphore, #tpu.memory_space<semaphore_mem>>
        %dma_start3A = arith.constant 0 : i32
        %dma_start3A_29 = tpu.memref_slice %arg12[%add3A_28, %dma_start3A] : memref<10240x128xf32, #tpu.memory_space<vmem_shared>> -> memref<80x128xf32, #tpu.memory_space<vmem_shared>>
        %dma_start3A_30 = arith.constant 0 : i32
        %dma_start3A_31 = tpu.memref_slice %arg12[%add3A_28, %dma_start3A_30] : memref<10240x128xf32, #tpu.memory_space<vmem_shared>> -> memref<80x128xf32, #tpu.memory_space<vmem_shared>>
        tpu.enqueue_dma source(%arg8 : memref<80x128xf32, #tpu.memory_space<vmem>>) target(%dma_start3A_31 : memref<80x128xf32, #tpu.memory_space<vmem_shared>>) target_semaphore(%run_scoped3A : memref<!tpu.dma_semaphore, #tpu.memory_space<semaphore_mem>>)
        %dma_wait3A = arith.constant 0 : i32
        %dma_wait3A_32 = tpu.memref_slice %arg12[%add3A_28, %dma_wait3A] : memref<10240x128xf32, #tpu.memory_space<vmem_shared>> -> memref<80x128xf32, #tpu.memory_space<vmem_shared>>
        %dma_wait3A_33 = arith.constant 0 : i32
        %dma_wait3A_34 = tpu.memref_slice %arg12[%add3A_28, %dma_wait3A_33] : memref<10240x128xf32, #tpu.memory_space<vmem_shared>> -> memref<80x128xf32, #tpu.memory_space<vmem_shared>>
        tpu.wait_dma2 semaphore(%run_scoped3A : memref<!tpu.dma_semaphore, #tpu.memory_space<semaphore_mem>>) src(%arg8 : memref<80x128xf32, #tpu.memory_space<vmem>>) dst(%dma_wait3A_34 : memref<80x128xf32, #tpu.memory_space<vmem_shared>>)
        tpu.yield
      }) : () -> ()
    }
    %scan3A_11 = arith.constant 8 : i32
    %barrier3A = arith.constant 0 : index
    tpu.barrier barrier_id(%barrier3A)
    %scan3A_12 = arith.constant 0 : i32
    %scan3A_13 = arith.constant 0 : i32
    %scan3A_14 = arith.constant 8 : i32
    %scan3A_15 = arith.addi %scan3A_13, %scan3A_14 : i32
    %scan3A_16 = arith.constant 1 : i32
    scf.for %scan3A_23 = %scan3A_13 to %scan3A_15 step %scan3A_16  : i32 {
      %mul3A_24 = arith.constant 16 : i32
      %mul3A_25 = arith.muli %scan3A_23, %mul3A_24 : i32
      "tpu.region"() ({
        %run_scoped3A = tpu.sem_alloc : memref<!tpu.dma_semaphore, #tpu.memory_space<semaphore_mem>>
        %dma_start3A_60 = arith.constant 0 : i32
        %dma_start3A_61 = tpu.memref_slice %arg3[%add3A, %mul3A_25, %dma_start3A_60] : memref<32x128x80xi32, #tpu.memory_space<hbm>> -> memref<1x16x80xi32, #tpu.memory_space<hbm>>
        %dma_start3A_62 = tpu.memref_squeeze %dma_start3A_61 : memref<1x16x80xi32, #tpu.memory_space<hbm>> -> memref<16x80xi32, #tpu.memory_space<hbm>>
        %dma_start3A_63 = arith.constant 0 : i32
        %dma_start3A_64 = tpu.memref_slice %arg3[%add3A, %mul3A_25, %dma_start3A_63] : memref<32x128x80xi32, #tpu.memory_space<hbm>> -> memref<1x16x80xi32, #tpu.memory_space<hbm>>
        %dma_start3A_65 = tpu.memref_squeeze %dma_start3A_64 : memref<1x16x80xi32, #tpu.memory_space<hbm>> -> memref<16x80xi32, #tpu.memory_space<hbm>>
        tpu.enqueue_dma source(%dma_start3A_65 : memref<16x80xi32, #tpu.memory_space<hbm>>) target(%arg6 : memref<16x80xi32, #tpu.memory_space<vmem>>) target_semaphore(%run_scoped3A : memref<!tpu.dma_semaphore, #tpu.memory_space<semaphore_mem>>)
        %dma_wait3A_66 = arith.constant 0 : i32
        %dma_wait3A_67 = tpu.memref_slice %arg3[%add3A, %mul3A_25, %dma_wait3A_66] : memref<32x128x80xi32, #tpu.memory_space<hbm>> -> memref<1x16x80xi32, #tpu.memory_space<hbm>>
        %dma_wait3A_68 = tpu.memref_squeeze %dma_wait3A_67 : memref<1x16x80xi32, #tpu.memory_space<hbm>> -> memref<16x80xi32, #tpu.memory_space<hbm>>
        %dma_wait3A_69 = arith.constant 0 : i32
        %dma_wait3A_70 = tpu.memref_slice %arg3[%add3A, %mul3A_25, %dma_wait3A_69] : memref<32x128x80xi32, #tpu.memory_space<hbm>> -> memref<1x16x80xi32, #tpu.memory_space<hbm>>
        %dma_wait3A_71 = tpu.memref_squeeze %dma_wait3A_70 : memref<1x16x80xi32, #tpu.memory_space<hbm>> -> memref<16x80xi32, #tpu.memory_space<hbm>>
        tpu.wait_dma2 semaphore(%run_scoped3A : memref<!tpu.dma_semaphore, #tpu.memory_space<semaphore_mem>>) src(%dma_wait3A_71 : memref<16x80xi32, #tpu.memory_space<hbm>>) dst(%arg6 : memref<16x80xi32, #tpu.memory_space<vmem>>)
        tpu.yield
      }) : () -> ()
      %mul3A_26 = arith.constant 16 : i32
      %mul3A_27 = arith.muli %scan3A_23, %mul3A_26 : i32
      "tpu.region"() ({
        %run_scoped3A = tpu.sem_alloc : memref<!tpu.dma_semaphore, #tpu.memory_space<semaphore_mem>>
        %dma_start3A_60 = arith.constant 0 : i32
        %dma_start3A_61 = tpu.memref_slice %arg4[%add3A, %mul3A_27, %dma_start3A_60] : memref<32x128x80xi32, #tpu.memory_space<hbm>> -> memref<1x16x80xi32, #tpu.memory_space<hbm>>
        %dma_start3A_62 = tpu.memref_squeeze %dma_start3A_61 : memref<1x16x80xi32, #tpu.memory_space<hbm>> -> memref<16x80xi32, #tpu.memory_space<hbm>>
        %dma_start3A_63 = arith.constant 0 : i32
        %dma_start3A_64 = tpu.memref_slice %arg4[%add3A, %mul3A_27, %dma_start3A_63] : memref<32x128x80xi32, #tpu.memory_space<hbm>> -> memref<1x16x80xi32, #tpu.memory_space<hbm>>
        %dma_start3A_65 = tpu.memref_squeeze %dma_start3A_64 : memref<1x16x80xi32, #tpu.memory_space<hbm>> -> memref<16x80xi32, #tpu.memory_space<hbm>>
        tpu.enqueue_dma source(%dma_start3A_65 : memref<16x80xi32, #tpu.memory_space<hbm>>) target(%arg7 : memref<16x80xi32, #tpu.memory_space<vmem>>) target_semaphore(%run_scoped3A : memref<!tpu.dma_semaphore, #tpu.memory_space<semaphore_mem>>)
        %dma_wait3A_66 = arith.constant 0 : i32
        %dma_wait3A_67 = tpu.memref_slice %arg4[%add3A, %mul3A_27, %dma_wait3A_66] : memref<32x128x80xi32, #tpu.memory_space<hbm>> -> memref<1x16x80xi32, #tpu.memory_space<hbm>>
        %dma_wait3A_68 = tpu.memref_squeeze %dma_wait3A_67 : memref<1x16x80xi32, #tpu.memory_space<hbm>> -> memref<16x80xi32, #tpu.memory_space<hbm>>
        %dma_wait3A_69 = arith.constant 0 : i32
        %dma_wait3A_70 = tpu.memref_slice %arg4[%add3A, %mul3A_27, %dma_wait3A_69] : memref<32x128x80xi32, #tpu.memory_space<hbm>> -> memref<1x16x80xi32, #tpu.memory_space<hbm>>
        %dma_wait3A_71 = tpu.memref_squeeze %dma_wait3A_70 : memref<1x16x80xi32, #tpu.memory_space<hbm>> -> memref<16x80xi32, #tpu.memory_space<hbm>>
        tpu.wait_dma2 semaphore(%run_scoped3A : memref<!tpu.dma_semaphore, #tpu.memory_space<semaphore_mem>>) src(%dma_wait3A_71 : memref<16x80xi32, #tpu.memory_space<hbm>>) dst(%arg7 : memref<16x80xi32, #tpu.memory_space<vmem>>)
        tpu.yield
      }) : () -> ()
      %dma_start3A = arith.constant 0 : i32
      %dma_start3A_28 = arith.constant 0 : i32
      %dma_start3A_29 = tpu.memref_slice %arg6[%dma_start3A, %dma_start3A_28] : memref<16x80xi32, #tpu.memory_space<vmem>> -> memref<1x80xi32, #tpu.memory_space<vmem>>
      %dma_start3A_30 = tpu.memref_squeeze %dma_start3A_29 : memref<1x80xi32, #tpu.memory_space<vmem>> -> memref<80xi32, #tpu.memory_space<vmem>>
      %dma_start3A_31 = arith.constant 0 : i32
      %dma_start3A_32 = arith.constant 0 : i32
      %dma_start3A_33 = tpu.memref_slice %arg2[%dma_start3A_31, %dma_start3A_32] : memref<10000x128xf32, #tpu.memory_space<hbm>> -> memref<10000x128xf32, #tpu.memory_space<hbm>>
      tpu.enqueue_indirect_dma source(%dma_start3A_33 : memref<10000x128xf32, #tpu.memory_space<hbm>>) target(%arg8 : memref<80x128xf32, #tpu.memory_space<vmem>>) offsets(%dma_start3A_30 : memref<80xi32, #tpu.memory_space<vmem>>) semaphore(%arg13 : memref<!tpu.dma_semaphore, #tpu.memory_space<semaphore_mem>>)
      %dma_start3A_34 = arith.constant 1 : i32
      %dma_start3A_35 = arith.constant 0 : i32
      %dma_start3A_36 = tpu.memref_slice %arg6[%dma_start3A_34, %dma_start3A_35] : memref<16x80xi32, #tpu.memory_space<vmem>> -> memref<1x80xi32, #tpu.memory_space<vmem>>
      %dma_start3A_37 = tpu.memref_squeeze %dma_start3A_36 : memref<1x80xi32, #tpu.memory_space<vmem>> -> memref<80xi32, #tpu.memory_space<vmem>>
      %dma_start3A_38 = arith.constant 0 : i32
      %dma_start3A_39 = arith.constant 0 : i32
      %dma_start3A_40 = tpu.memref_slice %arg2[%dma_start3A_38, %dma_start3A_39] : memref<10000x128xf32, #tpu.memory_space<hbm>> -> memref<10000x128xf32, #tpu.memory_space<hbm>>
      tpu.enqueue_indirect_dma source(%dma_start3A_40 : memref<10000x128xf32, #tpu.memory_space<hbm>>) target(%arg9 : memref<80x128xf32, #tpu.memory_space<vmem>>) offsets(%dma_start3A_37 : memref<80xi32, #tpu.memory_space<vmem>>) semaphore(%arg14 : memref<!tpu.dma_semaphore, #tpu.memory_space<semaphore_mem>>)
      %dma_start3A_41 = arith.constant 2 : i32
      %dma_start3A_42 = arith.constant 0 : i32
      %dma_start3A_43 = tpu.memref_slice %arg6[%dma_start3A_41, %dma_start3A_42] : memref<16x80xi32, #tpu.memory_space<vmem>> -> memref<1x80xi32, #tpu.memory_space<vmem>>
      %dma_start3A_44 = tpu.memref_squeeze %dma_start3A_43 : memref<1x80xi32, #tpu.memory_space<vmem>> -> memref<80xi32, #tpu.memory_space<vmem>>
      %dma_start3A_45 = arith.constant 0 : i32
      %dma_start3A_46 = arith.constant 0 : i32
      %dma_start3A_47 = tpu.memref_slice %arg2[%dma_start3A_45, %dma_start3A_46] : memref<10000x128xf32, #tpu.memory_space<hbm>> -> memref<10000x128xf32, #tpu.memory_space<hbm>>
      tpu.enqueue_indirect_dma source(%dma_start3A_47 : memref<10000x128xf32, #tpu.memory_space<hbm>>) target(%arg10 : memref<80x128xf32, #tpu.memory_space<vmem>>) offsets(%dma_start3A_44 : memref<80xi32, #tpu.memory_space<vmem>>) semaphore(%arg15 : memref<!tpu.dma_semaphore, #tpu.memory_space<semaphore_mem>>)
      %scan3A_48 = arith.constant 0 : i32
      %scan3A_49 = arith.constant 0 : i32
      %scan3A_50 = arith.constant 4 : i32
      %scan3A_51 = arith.addi %scan3A_49, %scan3A_50 : i32
      %scan3A_52 = arith.constant 1 : i32
      scf.for %scan3A_60 = %scan3A_49 to %scan3A_51 step %scan3A_52  : i32 {
        %mul3A_61 = arith.constant 4 : i32
        %mul3A_62 = arith.muli %mul3A_61, %scan3A_60 : i32
        %add3A_63 = arith.constant 0 : i32
        %add3A_64 = arith.addi %mul3A_62, %add3A_63 : i32
        %dma_wait3A_65 = arith.constant 0 : i32
        %dma_wait3A_66 = tpu.memref_slice %arg6[%add3A_64, %dma_wait3A_65] : memref<16x80xi32, #tpu.memory_space<vmem>> -> memref<1x80xi32, #tpu.memory_space<vmem>>
        %dma_wait3A_67 = tpu.memref_squeeze %dma_wait3A_66 : memref<1x80xi32, #tpu.memory_space<vmem>> -> memref<80xi32, #tpu.memory_space<vmem>>
        %dma_wait3A_68 = arith.constant 0 : i32
        %dma_wait3A_69 = arith.constant 0 : i32
        %dma_wait3A_70 = tpu.memref_slice %arg2[%dma_wait3A_68, %dma_wait3A_69] : memref<10000x128xf32, #tpu.memory_space<hbm>> -> memref<10000x128xf32, #tpu.memory_space<hbm>>
        tpu.wait_indirect_dma semaphore(%arg13 : memref<!tpu.dma_semaphore, #tpu.memory_space<semaphore_mem>>) src(%dma_wait3A_70 : memref<10000x128xf32, #tpu.memory_space<hbm>>) dst(%arg8 : memref<80x128xf32, #tpu.memory_space<vmem>>)
        %dma_start3A_71 = arith.constant 0 : i32
        %dma_start3A_72 = tpu.memref_slice %arg7[%add3A_64, %dma_start3A_71] : memref<16x80xi32, #tpu.memory_space<vmem>> -> memref<1x80xi32, #tpu.memory_space<vmem>>
        %dma_start3A_73 = tpu.memref_squeeze %dma_start3A_72 : memref<1x80xi32, #tpu.memory_space<vmem>> -> memref<80xi32, #tpu.memory_space<vmem>>
        %dma_start3A_74 = arith.constant 0 : i32
        %dma_start3A_75 = arith.constant 0 : i32
        %dma_start3A_76 = tpu.memref_slice %arg12[%dma_start3A_74, %dma_start3A_75] : memref<10240x128xf32, #tpu.memory_space<vmem_shared>> -> memref<10240x128xf32, #tpu.memory_space<vmem_shared>>
        tpu.enqueue_indirect_dma source(%arg8 : memref<80x128xf32, #tpu.memory_space<vmem>>) target(%dma_start3A_76 : memref<10240x128xf32, #tpu.memory_space<vmem_shared>>) offsets(%dma_start3A_73 : memref<80xi32, #tpu.memory_space<vmem>>) semaphore(%arg17 : memref<!tpu.dma_semaphore, #tpu.memory_space<semaphore_mem>>) {add = true}
        %gt3A = arith.constant 0 : i32
        %gt3A_77 = arith.cmpi sgt, %scan3A_60, %gt3A : i32
        %convert_element_type3A = arith.extui %gt3A_77 : i1 to i32
        %cond3A = arith.constant 0 : i32
        %cond3A_78 = arith.cmpi ne, %convert_element_type3A, %cond3A : i32
        scf.if %cond3A_78 {
          %sub3A_172 = arith.constant 1 : i32
          %sub3A_173 = arith.subi %add3A_64, %sub3A_172 : i32
          %dma_wait3A_174 = arith.constant 0 : i32
          %dma_wait3A_175 = tpu.memref_slice %arg7[%sub3A_173, %dma_wait3A_174] : memref<16x80xi32, #tpu.memory_space<vmem>> -> memref<1x80xi32, #tpu.memory_space<vmem>>
          %dma_wait3A_176 = tpu.memref_squeeze %dma_wait3A_175 : memref<1x80xi32, #tpu.memory_space<vmem>> -> memref<80xi32, #tpu.memory_space<vmem>>
          %dma_wait3A_177 = arith.constant 0 : i32
          %dma_wait3A_178 = arith.constant 0 : i32
          %dma_wait3A_179 = tpu.memref_slice %arg12[%dma_wait3A_177, %dma_wait3A_178] : memref<10240x128xf32, #tpu.memory_space<vmem_shared>> -> memref<10240x128xf32, #tpu.memory_space<vmem_shared>>
          tpu.wait_indirect_dma semaphore(%arg20 : memref<!tpu.dma_semaphore, #tpu.memory_space<semaphore_mem>>) src(%arg11 : memref<80x128xf32, #tpu.memory_space<vmem>>) dst(%dma_wait3A_179 : memref<10240x128xf32, #tpu.memory_space<vmem_shared>>)
        } else {
        }
        %add3A_79 = arith.constant 3 : i32
        %add3A_80 = arith.addi %add3A_64, %add3A_79 : i32
        %dma_start3A_81 = arith.constant 0 : i32
        %dma_start3A_82 = tpu.memref_slice %arg6[%add3A_80, %dma_start3A_81] : memref<16x80xi32, #tpu.memory_space<vmem>> -> memref<1x80xi32, #tpu.memory_space<vmem>>
        %dma_start3A_83 = tpu.memref_squeeze %dma_start3A_82 : memref<1x80xi32, #tpu.memory_space<vmem>> -> memref<80xi32, #tpu.memory_space<vmem>>
        %dma_start3A_84 = arith.constant 0 : i32
        %dma_start3A_85 = arith.constant 0 : i32
        %dma_start3A_86 = tpu.memref_slice %arg2[%dma_start3A_84, %dma_start3A_85] : memref<10000x128xf32, #tpu.memory_space<hbm>> -> memref<10000x128xf32, #tpu.memory_space<hbm>>
        tpu.enqueue_indirect_dma source(%dma_start3A_86 : memref<10000x128xf32, #tpu.memory_space<hbm>>) target(%arg11 : memref<80x128xf32, #tpu.memory_space<vmem>>) offsets(%dma_start3A_83 : memref<80xi32, #tpu.memory_space<vmem>>) semaphore(%arg16 : memref<!tpu.dma_semaphore, #tpu.memory_space<semaphore_mem>>)
        %mul3A_87 = arith.constant 4 : i32
        %mul3A_88 = arith.muli %mul3A_87, %scan3A_60 : i32
        %add3A_89 = arith.constant 1 : i32
        %add3A_90 = arith.addi %mul3A_88, %add3A_89 : i32
        %dma_wait3A_91 = arith.constant 0 : i32
        %dma_wait3A_92 = tpu.memref_slice %arg6[%add3A_90, %dma_wait3A_91] : memref<16x80xi32, #tpu.memory_space<vmem>> -> memref<1x80xi32, #tpu.memory_space<vmem>>
        %dma_wait3A_93 = tpu.memref_squeeze %dma_wait3A_92 : memref<1x80xi32, #tpu.memory_space<vmem>> -> memref<80xi32, #tpu.memory_space<vmem>>
        %dma_wait3A_94 = arith.constant 0 : i32
        %dma_wait3A_95 = arith.constant 0 : i32
        %dma_wait3A_96 = tpu.memref_slice %arg2[%dma_wait3A_94, %dma_wait3A_95] : memref<10000x128xf32, #tpu.memory_space<hbm>> -> memref<10000x128xf32, #tpu.memory_space<hbm>>
        tpu.wait_indirect_dma semaphore(%arg14 : memref<!tpu.dma_semaphore, #tpu.memory_space<semaphore_mem>>) src(%dma_wait3A_96 : memref<10000x128xf32, #tpu.memory_space<hbm>>) dst(%arg9 : memref<80x128xf32, #tpu.memory_space<vmem>>)
        %dma_start3A_97 = arith.constant 0 : i32
        %dma_start3A_98 = tpu.memref_slice %arg7[%add3A_90, %dma_start3A_97] : memref<16x80xi32, #tpu.memory_space<vmem>> -> memref<1x80xi32, #tpu.memory_space<vmem>>
        %dma_start3A_99 = tpu.memref_squeeze %dma_start3A_98 : memref<1x80xi32, #tpu.memory_space<vmem>> -> memref<80xi32, #tpu.memory_space<vmem>>
        %dma_start3A_100 = arith.constant 0 : i32
        %dma_start3A_101 = arith.constant 0 : i32
        %dma_start3A_102 = tpu.memref_slice %arg12[%dma_start3A_100, %dma_start3A_101] : memref<10240x128xf32, #tpu.memory_space<vmem_shared>> -> memref<10240x128xf32, #tpu.memory_space<vmem_shared>>
        tpu.enqueue_indirect_dma source(%arg9 : memref<80x128xf32, #tpu.memory_space<vmem>>) target(%dma_start3A_102 : memref<10240x128xf32, #tpu.memory_space<vmem_shared>>) offsets(%dma_start3A_99 : memref<80xi32, #tpu.memory_space<vmem>>) semaphore(%arg18 : memref<!tpu.dma_semaphore, #tpu.memory_space<semaphore_mem>>) {add = true}
        %sub3A = arith.constant 1 : i32
        %sub3A_103 = arith.subi %add3A_90, %sub3A : i32
        %dma_wait3A_104 = arith.constant 0 : i32
        %dma_wait3A_105 = tpu.memref_slice %arg7[%sub3A_103, %dma_wait3A_104] : memref<16x80xi32, #tpu.memory_space<vmem>> -> memref<1x80xi32, #tpu.memory_space<vmem>>
        %dma_wait3A_106 = tpu.memref_squeeze %dma_wait3A_105 : memref<1x80xi32, #tpu.memory_space<vmem>> -> memref<80xi32, #tpu.memory_space<vmem>>
        %dma_wait3A_107 = arith.constant 0 : i32
        %dma_wait3A_108 = arith.constant 0 : i32
        %dma_wait3A_109 = tpu.memref_slice %arg12[%dma_wait3A_107, %dma_wait3A_108] : memref<10240x128xf32, #tpu.memory_space<vmem_shared>> -> memref<10240x128xf32, #tpu.memory_space<vmem_shared>>
        tpu.wait_indirect_dma semaphore(%arg17 : memref<!tpu.dma_semaphore, #tpu.memory_space<semaphore_mem>>) src(%arg8 : memref<80x128xf32, #tpu.memory_space<vmem>>) dst(%dma_wait3A_109 : memref<10240x128xf32, #tpu.memory_space<vmem_shared>>)
        %lt3A = arith.constant 3 : i32
        %lt3A_110 = arith.cmpi slt, %scan3A_60, %lt3A : i32
        %convert_element_type3A_111 = arith.extui %lt3A_110 : i1 to i32
        %cond3A_112 = arith.constant 0 : i32
        %cond3A_113 = arith.cmpi ne, %convert_element_type3A_111, %cond3A_112 : i32
        scf.if %cond3A_113 {
          %add3A_172 = arith.constant 3 : i32
          %add3A_173 = arith.addi %add3A_90, %add3A_172 : i32
          %dma_start3A_174 = arith.constant 0 : i32
          %dma_start3A_175 = tpu.memref_slice %arg6[%add3A_173, %dma_start3A_174] : memref<16x80xi32, #tpu.memory_space<vmem>> -> memref<1x80xi32, #tpu.memory_space<vmem>>
          %dma_start3A_176 = tpu.memref_squeeze %dma_start3A_175 : memref<1x80xi32, #tpu.memory_space<vmem>> -> memref<80xi32, #tpu.memory_space<vmem>>
          %dma_start3A_177 = arith.constant 0 : i32
          %dma_start3A_178 = arith.constant 0 : i32
          %dma_start3A_179 = tpu.memref_slice %arg2[%dma_start3A_177, %dma_start3A_178] : memref<10000x128xf32, #tpu.memory_space<hbm>> -> memref<10000x128xf32, #tpu.memory_space<hbm>>
          tpu.enqueue_indirect_dma source(%dma_start3A_179 : memref<10000x128xf32, #tpu.memory_space<hbm>>) target(%arg8 : memref<80x128xf32, #tpu.memory_space<vmem>>) offsets(%dma_start3A_176 : memref<80xi32, #tpu.memory_space<vmem>>) semaphore(%arg13 : memref<!tpu.dma_semaphore, #tpu.memory_space<semaphore_mem>>)
        } else {
        }
        %mul3A_114 = arith.constant 4 : i32
        %mul3A_115 = arith.muli %mul3A_114, %scan3A_60 : i32
        %add3A_116 = arith.constant 2 : i32
        %add3A_117 = arith.addi %mul3A_115, %add3A_116 : i32
        %dma_wait3A_118 = arith.constant 0 : i32
        %dma_wait3A_119 = tpu.memref_slice %arg6[%add3A_117, %dma_wait3A_118] : memref<16x80xi32, #tpu.memory_space<vmem>> -> memref<1x80xi32, #tpu.memory_space<vmem>>
        %dma_wait3A_120 = tpu.memref_squeeze %dma_wait3A_119 : memref<1x80xi32, #tpu.memory_space<vmem>> -> memref<80xi32, #tpu.memory_space<vmem>>
        %dma_wait3A_121 = arith.constant 0 : i32
        %dma_wait3A_122 = arith.constant 0 : i32
        %dma_wait3A_123 = tpu.memref_slice %arg2[%dma_wait3A_121, %dma_wait3A_122] : memref<10000x128xf32, #tpu.memory_space<hbm>> -> memref<10000x128xf32, #tpu.memory_space<hbm>>
        tpu.wait_indirect_dma semaphore(%arg15 : memref<!tpu.dma_semaphore, #tpu.memory_space<semaphore_mem>>) src(%dma_wait3A_123 : memref<10000x128xf32, #tpu.memory_space<hbm>>) dst(%arg10 : memref<80x128xf32, #tpu.memory_space<vmem>>)
        %dma_start3A_124 = arith.constant 0 : i32
        %dma_start3A_125 = tpu.memref_slice %arg7[%add3A_117, %dma_start3A_124] : memref<16x80xi32, #tpu.memory_space<vmem>> -> memref<1x80xi32, #tpu.memory_space<vmem>>
        %dma_start3A_126 = tpu.memref_squeeze %dma_start3A_125 : memref<1x80xi32, #tpu.memory_space<vmem>> -> memref<80xi32, #tpu.memory_space<vmem>>
        %dma_start3A_127 = arith.constant 0 : i32
        %dma_start3A_128 = arith.constant 0 : i32
        %dma_start3A_129 = tpu.memref_slice %arg12[%dma_start3A_127, %dma_start3A_128] : memref<10240x128xf32, #tpu.memory_space<vmem_shared>> -> memref<10240x128xf32, #tpu.memory_space<vmem_shared>>
        tpu.enqueue_indirect_dma source(%arg10 : memref<80x128xf32, #tpu.memory_space<vmem>>) target(%dma_start3A_129 : memref<10240x128xf32, #tpu.memory_space<vmem_shared>>) offsets(%dma_start3A_126 : memref<80xi32, #tpu.memory_space<vmem>>) semaphore(%arg19 : memref<!tpu.dma_semaphore, #tpu.memory_space<semaphore_mem>>) {add = true}
        %sub3A_130 = arith.constant 1 : i32
        %sub3A_131 = arith.subi %add3A_117, %sub3A_130 : i32
        %dma_wait3A_132 = arith.constant 0 : i32
        %dma_wait3A_133 = tpu.memref_slice %arg7[%sub3A_131, %dma_wait3A_132] : memref<16x80xi32, #tpu.memory_space<vmem>> -> memref<1x80xi32, #tpu.memory_space<vmem>>
        %dma_wait3A_134 = tpu.memref_squeeze %dma_wait3A_133 : memref<1x80xi32, #tpu.memory_space<vmem>> -> memref<80xi32, #tpu.memory_space<vmem>>
        %dma_wait3A_135 = arith.constant 0 : i32
        %dma_wait3A_136 = arith.constant 0 : i32
        %dma_wait3A_137 = tpu.memref_slice %arg12[%dma_wait3A_135, %dma_wait3A_136] : memref<10240x128xf32, #tpu.memory_space<vmem_shared>> -> memref<10240x128xf32, #tpu.memory_space<vmem_shared>>
        tpu.wait_indirect_dma semaphore(%arg18 : memref<!tpu.dma_semaphore, #tpu.memory_space<semaphore_mem>>) src(%arg9 : memref<80x128xf32, #tpu.memory_space<vmem>>) dst(%dma_wait3A_137 : memref<10240x128xf32, #tpu.memory_space<vmem_shared>>)
        %lt3A_138 = arith.constant 3 : i32
        %lt3A_139 = arith.cmpi slt, %scan3A_60, %lt3A_138 : i32
        %convert_element_type3A_140 = arith.extui %lt3A_139 : i1 to i32
        %cond3A_141 = arith.constant 0 : i32
        %cond3A_142 = arith.cmpi ne, %convert_element_type3A_140, %cond3A_141 : i32
        scf.if %cond3A_142 {
          %add3A_172 = arith.constant 3 : i32
          %add3A_173 = arith.addi %add3A_117, %add3A_172 : i32
          %dma_start3A_174 = arith.constant 0 : i32
          %dma_start3A_175 = tpu.memref_slice %arg6[%add3A_173, %dma_start3A_174] : memref<16x80xi32, #tpu.memory_space<vmem>> -> memref<1x80xi32, #tpu.memory_space<vmem>>
          %dma_start3A_176 = tpu.memref_squeeze %dma_start3A_175 : memref<1x80xi32, #tpu.memory_space<vmem>> -> memref<80xi32, #tpu.memory_space<vmem>>
          %dma_start3A_177 = arith.constant 0 : i32
          %dma_start3A_178 = arith.constant 0 : i32
          %dma_start3A_179 = tpu.memref_slice %arg2[%dma_start3A_177, %dma_start3A_178] : memref<10000x128xf32, #tpu.memory_space<hbm>> -> memref<10000x128xf32, #tpu.memory_space<hbm>>
          tpu.enqueue_indirect_dma source(%dma_start3A_179 : memref<10000x128xf32, #tpu.memory_space<hbm>>) target(%arg9 : memref<80x128xf32, #tpu.memory_space<vmem>>) offsets(%dma_start3A_176 : memref<80xi32, #tpu.memory_space<vmem>>) semaphore(%arg14 : memref<!tpu.dma_semaphore, #tpu.memory_space<semaphore_mem>>)
        } else {
        }
        %mul3A_143 = arith.constant 4 : i32
        %mul3A_144 = arith.muli %mul3A_143, %scan3A_60 : i32
        %add3A_145 = arith.constant 3 : i32
        %add3A_146 = arith.addi %mul3A_144, %add3A_145 : i32
        %dma_wait3A_147 = arith.constant 0 : i32
        %dma_wait3A_148 = tpu.memref_slice %arg6[%add3A_146, %dma_wait3A_147] : memref<16x80xi32, #tpu.memory_space<vmem>> -> memref<1x80xi32, #tpu.memory_space<vmem>>
        %dma_wait3A_149 = tpu.memref_squeeze %dma_wait3A_148 : memref<1x80xi32, #tpu.memory_space<vmem>> -> memref<80xi32, #tpu.memory_space<vmem>>
        %dma_wait3A_150 = arith.constant 0 : i32
        %dma_wait3A_151 = arith.constant 0 : i32
        %dma_wait3A_152 = tpu.memref_slice %arg2[%dma_wait3A_150, %dma_wait3A_151] : memref<10000x128xf32, #tpu.memory_space<hbm>> -> memref<10000x128xf32, #tpu.memory_space<hbm>>
        tpu.wait_indirect_dma semaphore(%arg16 : memref<!tpu.dma_semaphore, #tpu.memory_space<semaphore_mem>>) src(%dma_wait3A_152 : memref<10000x128xf32, #tpu.memory_space<hbm>>) dst(%arg11 : memref<80x128xf32, #tpu.memory_space<vmem>>)
        %dma_start3A_153 = arith.constant 0 : i32
        %dma_start3A_154 = tpu.memref_slice %arg7[%add3A_146, %dma_start3A_153] : memref<16x80xi32, #tpu.memory_space<vmem>> -> memref<1x80xi32, #tpu.memory_space<vmem>>
        %dma_start3A_155 = tpu.memref_squeeze %dma_start3A_154 : memref<1x80xi32, #tpu.memory_space<vmem>> -> memref<80xi32, #tpu.memory_space<vmem>>
        %dma_start3A_156 = arith.constant 0 : i32
        %dma_start3A_157 = arith.constant 0 : i32
        %dma_start3A_158 = tpu.memref_slice %arg12[%dma_start3A_156, %dma_start3A_157] : memref<10240x128xf32, #tpu.memory_space<vmem_shared>> -> memref<10240x128xf32, #tpu.memory_space<vmem_shared>>
        tpu.enqueue_indirect_dma source(%arg11 : memref<80x128xf32, #tpu.memory_space<vmem>>) target(%dma_start3A_158 : memref<10240x128xf32, #tpu.memory_space<vmem_shared>>) offsets(%dma_start3A_155 : memref<80xi32, #tpu.memory_space<vmem>>) semaphore(%arg20 : memref<!tpu.dma_semaphore, #tpu.memory_space<semaphore_mem>>) {add = true}
        %sub3A_159 = arith.constant 1 : i32
        %sub3A_160 = arith.subi %add3A_146, %sub3A_159 : i32
        %dma_wait3A_161 = arith.constant 0 : i32
        %dma_wait3A_162 = tpu.memref_slice %arg7[%sub3A_160, %dma_wait3A_161] : memref<16x80xi32, #tpu.memory_space<vmem>> -> memref<1x80xi32, #tpu.memory_space<vmem>>
        %dma_wait3A_163 = tpu.memref_squeeze %dma_wait3A_162 : memref<1x80xi32, #tpu.memory_space<vmem>> -> memref<80xi32, #tpu.memory_space<vmem>>
        %dma_wait3A_164 = arith.constant 0 : i32
        %dma_wait3A_165 = arith.constant 0 : i32
        %dma_wait3A_166 = tpu.memref_slice %arg12[%dma_wait3A_164, %dma_wait3A_165] : memref<10240x128xf32, #tpu.memory_space<vmem_shared>> -> memref<10240x128xf32, #tpu.memory_space<vmem_shared>>
        tpu.wait_indirect_dma semaphore(%arg19 : memref<!tpu.dma_semaphore, #tpu.memory_space<semaphore_mem>>) src(%arg10 : memref<80x128xf32, #tpu.memory_space<vmem>>) dst(%dma_wait3A_166 : memref<10240x128xf32, #tpu.memory_space<vmem_shared>>)
        %lt3A_167 = arith.constant 3 : i32
        %lt3A_168 = arith.cmpi slt, %scan3A_60, %lt3A_167 : i32
        %convert_element_type3A_169 = arith.extui %lt3A_168 : i1 to i32
        %cond3A_170 = arith.constant 0 : i32
        %cond3A_171 = arith.cmpi ne, %convert_element_type3A_169, %cond3A_170 : i32
        scf.if %cond3A_171 {
          %add3A_172 = arith.constant 3 : i32
          %add3A_173 = arith.addi %add3A_146, %add3A_172 : i32
          %dma_start3A_174 = arith.constant 0 : i32
          %dma_start3A_175 = tpu.memref_slice %arg6[%add3A_173, %dma_start3A_174] : memref<16x80xi32, #tpu.memory_space<vmem>> -> memref<1x80xi32, #tpu.memory_space<vmem>>
          %dma_start3A_176 = tpu.memref_squeeze %dma_start3A_175 : memref<1x80xi32, #tpu.memory_space<vmem>> -> memref<80xi32, #tpu.memory_space<vmem>>
          %dma_start3A_177 = arith.constant 0 : i32
          %dma_start3A_178 = arith.constant 0 : i32
          %dma_start3A_179 = tpu.memref_slice %arg2[%dma_start3A_177, %dma_start3A_178] : memref<10000x128xf32, #tpu.memory_space<hbm>> -> memref<10000x128xf32, #tpu.memory_space<hbm>>
          tpu.enqueue_indirect_dma source(%dma_start3A_179 : memref<10000x128xf32, #tpu.memory_space<hbm>>) target(%arg10 : memref<80x128xf32, #tpu.memory_space<vmem>>) offsets(%dma_start3A_176 : memref<80xi32, #tpu.memory_space<vmem>>) semaphore(%arg15 : memref<!tpu.dma_semaphore, #tpu.memory_space<semaphore_mem>>)
        } else {
        }
      }
      %scan3A_53 = arith.constant 4 : i32
      %dma_wait3A = arith.constant 15 : i32
      %dma_wait3A_54 = arith.constant 0 : i32
      %dma_wait3A_55 = tpu.memref_slice %arg7[%dma_wait3A, %dma_wait3A_54] : memref<16x80xi32, #tpu.memory_space<vmem>> -> memref<1x80xi32, #tpu.memory_space<vmem>>
      %dma_wait3A_56 = tpu.memref_squeeze %dma_wait3A_55 : memref<1x80xi32, #tpu.memory_space<vmem>> -> memref<80xi32, #tpu.memory_space<vmem>>
      %dma_wait3A_57 = arith.constant 0 : i32
      %dma_wait3A_58 = arith.constant 0 : i32
      %dma_wait3A_59 = tpu.memref_slice %arg12[%dma_wait3A_57, %dma_wait3A_58] : memref<10240x128xf32, #tpu.memory_space<vmem_shared>> -> memref<10240x128xf32, #tpu.memory_space<vmem_shared>>
      tpu.wait_indirect_dma semaphore(%arg20 : memref<!tpu.dma_semaphore, #tpu.memory_space<semaphore_mem>>) src(%arg11 : memref<80x128xf32, #tpu.memory_space<vmem>>) dst(%dma_wait3A_59 : memref<10240x128xf32, #tpu.memory_space<vmem_shared>>)
    }
    %scan3A_17 = arith.constant 8 : i32
    %barrier3A_18 = arith.constant 0 : index
    tpu.barrier barrier_id(%barrier3A_18)
    %mul3A_19 = arith.constant 640 : i32
    %mul3A_20 = arith.muli %arg1, %mul3A_19 : i32
    %mul3A_21 = arith.constant 640 : i32
    %mul3A_22 = arith.muli %arg1, %mul3A_21 : i32
    "tpu.region"() ({
      %run_scoped3A = tpu.sem_alloc : memref<!tpu.dma_semaphore, #tpu.memory_space<semaphore_mem>>
      %dma_start3A = arith.constant 0 : i32
      %dma_start3A_23 = tpu.memref_slice %arg5[%arg0, %mul3A_22, %dma_start3A] : memref<2x10240x128xf32, #tpu.memory_space<hbm>> -> memref<1x640x128xf32, #tpu.memory_space<hbm>>
      %dma_start3A_24 = tpu.memref_squeeze %dma_start3A_23 : memref<1x640x128xf32, #tpu.memory_space<hbm>> -> memref<640x128xf32, #tpu.memory_space<hbm>>
      %dma_start3A_25 = arith.constant 0 : i32
      %dma_start3A_26 = tpu.memref_slice %arg12[%mul3A_20, %dma_start3A_25] : memref<10240x128xf32, #tpu.memory_space<vmem_shared>> -> memref<640x128xf32, #tpu.memory_space<vmem_shared>>
      tpu.enqueue_dma source(%dma_start3A_26 : memref<640x128xf32, #tpu.memory_space<vmem_shared>>) target(%dma_start3A_24 : memref<640x128xf32, #tpu.memory_space<hbm>>) target_semaphore(%run_scoped3A : memref<!tpu.dma_semaphore, #tpu.memory_space<semaphore_mem>>)
      %dma_wait3A = arith.constant 0 : i32
      %dma_wait3A_27 = tpu.memref_slice %arg5[%arg0, %mul3A_22, %dma_wait3A] : memref<2x10240x128xf32, #tpu.memory_space<hbm>> -> memref<1x640x128xf32, #tpu.memory_space<hbm>>
      %dma_wait3A_28 = tpu.memref_squeeze %dma_wait3A_27 : memref<1x640x128xf32, #tpu.memory_space<hbm>> -> memref<640x128xf32, #tpu.memory_space<hbm>>
      %dma_wait3A_29 = arith.constant 0 : i32
      %dma_wait3A_30 = tpu.memref_slice %arg12[%mul3A_20, %dma_wait3A_29] : memref<10240x128xf32, #tpu.memory_space<vmem_shared>> -> memref<640x128xf32, #tpu.memory_space<vmem_shared>>
      tpu.wait_dma2 semaphore(%run_scoped3A : memref<!tpu.dma_semaphore, #tpu.memory_space<semaphore_mem>>) src(%dma_wait3A_30 : memref<640x128xf32, #tpu.memory_space<vmem_shared>>) dst(%dma_wait3A_28 : memref<640x128xf32, #tpu.memory_space<hbm>>)
      tpu.yield
    }) : () -> ()
    return
  }
}

#map = affine_map<(d0, d1) -> (0, 0)>
#map1 = affine_map<(d0, d1) -> (0, 0, 0)>
module attributes {stable_mosaic.version = 14 : i64} {
  func.func @_sc_pass(%arg0: i32, %arg1: i32, %arg2: memref<10000x128xf32, #tpu.memory_space<hbm>>, %arg3: memref<32x128x80xi32, #tpu.memory_space<hbm>>, %arg4: memref<32x128x80xi32, #tpu.memory_space<hbm>>, %arg5: memref<2x10240x128xf32, #tpu.memory_space<hbm>>, %arg6: memref<16x80xi32, #tpu.memory_space<vmem>>, %arg7: memref<16x80xi32, #tpu.memory_space<vmem>>, %arg8: memref<80x128xf32, #tpu.memory_space<vmem>>, %arg9: memref<80x128xf32, #tpu.memory_space<vmem>>, %arg10: memref<80x128xf32, #tpu.memory_space<vmem>>, %arg11: memref<80x128xf32, #tpu.memory_space<vmem>>, %arg12: memref<10240x128xf32, #tpu.memory_space<vmem_shared>>, %arg13: memref<!tpu.dma_semaphore, #tpu.memory_space<semaphore_mem>>, %arg14: memref<!tpu.dma_semaphore, #tpu.memory_space<semaphore_mem>>, %arg15: memref<!tpu.dma_semaphore, #tpu.memory_space<semaphore_mem>>, %arg16: memref<!tpu.dma_semaphore, #tpu.memory_space<semaphore_mem>>, %arg17: memref<!tpu.dma_semaphore, #tpu.memory_space<semaphore_mem>>, %arg18: memref<!tpu.dma_semaphore, #tpu.memory_space<semaphore_mem>>, %arg19: memref<!tpu.dma_semaphore, #tpu.memory_space<semaphore_mem>>, %arg20: memref<!tpu.dma_semaphore, #tpu.memory_space<semaphore_mem>>) attributes {dimension_semantics = [#tpu.dimension_semantics<core_parallel>, #tpu.dimension_semantics<subcore_parallel>], iteration_bounds = array<i64: 2, 16>, scalar_prefetch = 0 : i64, scratch_operands = 15 : i64, tpu.core_type = #tpu.core_type<sc_vector_subcore>, window_params = [{transform_indices = #map}, {transform_indices = #map1}, {transform_indices = #map1}, {transform_indices = #map1}]} {
    %mul3A = arith.constant 16 : i32
    %mul3A_0 = arith.muli %arg0, %mul3A : i32
    %add3A = arith.addi %mul3A_0, %arg1 : i32
    %scan3A = arith.constant 0 : i32
    %scan3A_1 = arith.constant 0 : i32
    %scan3A_2 = arith.constant 80 : i32
    %scan3A_3 = arith.addi %scan3A_1, %scan3A_2 : i32
    %scan3A_4 = arith.constant 1 : i32
    scf.for %scan3A_23 = %scan3A_1 to %scan3A_3 step %scan3A_4  : i32 {
      %broadcast_in_dim3A = arith.constant 0.000000e+00 : f32
      %broadcast_in_dim3A_24 = vector.broadcast %broadcast_in_dim3A : f32 to vector<16xf32>
      %swap3A = arith.index_cast %scan3A_23 : i32 to index
      %swap3A_25 = arith.constant 0 : index
      %swap3A_26 = tpu.vector_load %arg8[%swap3A, %swap3A_25] {strides = array<i32>} : memref<80x128xf32, #tpu.memory_space<vmem>>, vector<1x16xf32>,
      %swap3A_27 = vector.shape_cast %swap3A_26 : vector<1x16xf32> to vector<16xf32>
      %swap3A_28 = vector.shape_cast %broadcast_in_dim3A_24 : vector<16xf32> to vector<1x16xf32>
      tpu.vector_store %arg8[%swap3A, %swap3A_25], %swap3A_28 {strides = array<i32>} : memref<80x128xf32, #tpu.memory_space<vmem>>, vector<1x16xf32>,
      %broadcast_in_dim3A_29 = arith.constant 0.000000e+00 : f32
      %broadcast_in_dim3A_30 = vector.broadcast %broadcast_in_dim3A_29 : f32 to vector<16xf32>
      %swap3A_31 = arith.index_cast %scan3A_23 : i32 to index
      %swap3A_32 = arith.constant 16 : index
      %swap3A_33 = tpu.vector_load %arg8[%swap3A_31, %swap3A_32] {strides = array<i32>} : memref<80x128xf32, #tpu.memory_space<vmem>>, vector<1x16xf32>,
      %swap3A_34 = vector.shape_cast %swap3A_33 : vector<1x16xf32> to vector<16xf32>
      %swap3A_35 = vector.shape_cast %broadcast_in_dim3A_30 : vector<16xf32> to vector<1x16xf32>
      tpu.vector_store %arg8[%swap3A_31, %swap3A_32], %swap3A_35 {strides = array<i32>} : memref<80x128xf32, #tpu.memory_space<vmem>>, vector<1x16xf32>,
      %broadcast_in_dim3A_36 = arith.constant 0.000000e+00 : f32
      %broadcast_in_dim3A_37 = vector.broadcast %broadcast_in_dim3A_36 : f32 to vector<16xf32>
      %swap3A_38 = arith.index_cast %scan3A_23 : i32 to index
      %swap3A_39 = arith.constant 32 : index
      %swap3A_40 = tpu.vector_load %arg8[%swap3A_38, %swap3A_39] {strides = array<i32>} : memref<80x128xf32, #tpu.memory_space<vmem>>, vector<1x16xf32>,
      %swap3A_41 = vector.shape_cast %swap3A_40 : vector<1x16xf32> to vector<16xf32>
      %swap3A_42 = vector.shape_cast %broadcast_in_dim3A_37 : vector<16xf32> to vector<1x16xf32>
      tpu.vector_store %arg8[%swap3A_38, %swap3A_39], %swap3A_42 {strides = array<i32>} : memref<80x128xf32, #tpu.memory_space<vmem>>, vector<1x16xf32>,
      %broadcast_in_dim3A_43 = arith.constant 0.000000e+00 : f32
      %broadcast_in_dim3A_44 = vector.broadcast %broadcast_in_dim3A_43 : f32 to vector<16xf32>
      %swap3A_45 = arith.index_cast %scan3A_23 : i32 to index
      %swap3A_46 = arith.constant 48 : index
      %swap3A_47 = tpu.vector_load %arg8[%swap3A_45, %swap3A_46] {strides = array<i32>} : memref<80x128xf32, #tpu.memory_space<vmem>>, vector<1x16xf32>,
      %swap3A_48 = vector.shape_cast %swap3A_47 : vector<1x16xf32> to vector<16xf32>
      %swap3A_49 = vector.shape_cast %broadcast_in_dim3A_44 : vector<16xf32> to vector<1x16xf32>
      tpu.vector_store %arg8[%swap3A_45, %swap3A_46], %swap3A_49 {strides = array<i32>} : memref<80x128xf32, #tpu.memory_space<vmem>>, vector<1x16xf32>,
      %broadcast_in_dim3A_50 = arith.constant 0.000000e+00 : f32
      %broadcast_in_dim3A_51 = vector.broadcast %broadcast_in_dim3A_50 : f32 to vector<16xf32>
      %swap3A_52 = arith.index_cast %scan3A_23 : i32 to index
      %swap3A_53 = arith.constant 64 : index
      %swap3A_54 = tpu.vector_load %arg8[%swap3A_52, %swap3A_53] {strides = array<i32>} : memref<80x128xf32, #tpu.memory_space<vmem>>, vector<1x16xf32>,
      %swap3A_55 = vector.shape_cast %swap3A_54 : vector<1x16xf32> to vector<16xf32>
      %swap3A_56 = vector.shape_cast %broadcast_in_dim3A_51 : vector<16xf32> to vector<1x16xf32>
      tpu.vector_store %arg8[%swap3A_52, %swap3A_53], %swap3A_56 {strides = array<i32>} : memref<80x128xf32, #tpu.memory_space<vmem>>, vector<1x16xf32>,
      %broadcast_in_dim3A_57 = arith.constant 0.000000e+00 : f32
      %broadcast_in_dim3A_58 = vector.broadcast %broadcast_in_dim3A_57 : f32 to vector<16xf32>
      %swap3A_59 = arith.index_cast %scan3A_23 : i32 to index
      %swap3A_60 = arith.constant 80 : index
      %swap3A_61 = tpu.vector_load %arg8[%swap3A_59, %swap3A_60] {strides = array<i32>} : memref<80x128xf32, #tpu.memory_space<vmem>>, vector<1x16xf32>,
      %swap3A_62 = vector.shape_cast %swap3A_61 : vector<1x16xf32> to vector<16xf32>
      %swap3A_63 = vector.shape_cast %broadcast_in_dim3A_58 : vector<16xf32> to vector<1x16xf32>
      tpu.vector_store %arg8[%swap3A_59, %swap3A_60], %swap3A_63 {strides = array<i32>} : memref<80x128xf32, #tpu.memory_space<vmem>>, vector<1x16xf32>,
      %broadcast_in_dim3A_64 = arith.constant 0.000000e+00 : f32
      %broadcast_in_dim3A_65 = vector.broadcast %broadcast_in_dim3A_64 : f32 to vector<16xf32>
      %swap3A_66 = arith.index_cast %scan3A_23 : i32 to index
      %swap3A_67 = arith.constant 96 : index
      %swap3A_68 = tpu.vector_load %arg8[%swap3A_66, %swap3A_67] {strides = array<i32>} : memref<80x128xf32, #tpu.memory_space<vmem>>, vector<1x16xf32>,
      %swap3A_69 = vector.shape_cast %swap3A_68 : vector<1x16xf32> to vector<16xf32>
      %swap3A_70 = vector.shape_cast %broadcast_in_dim3A_65 : vector<16xf32> to vector<1x16xf32>
      tpu.vector_store %arg8[%swap3A_66, %swap3A_67], %swap3A_70 {strides = array<i32>} : memref<80x128xf32, #tpu.memory_space<vmem>>, vector<1x16xf32>,
      %broadcast_in_dim3A_71 = arith.constant 0.000000e+00 : f32
      %broadcast_in_dim3A_72 = vector.broadcast %broadcast_in_dim3A_71 : f32 to vector<16xf32>
      %swap3A_73 = arith.index_cast %scan3A_23 : i32 to index
      %swap3A_74 = arith.constant 112 : index
      %swap3A_75 = tpu.vector_load %arg8[%swap3A_73, %swap3A_74] {strides = array<i32>} : memref<80x128xf32, #tpu.memory_space<vmem>>, vector<1x16xf32>,
      %swap3A_76 = vector.shape_cast %swap3A_75 : vector<1x16xf32> to vector<16xf32>
      %swap3A_77 = vector.shape_cast %broadcast_in_dim3A_72 : vector<16xf32> to vector<1x16xf32>
      tpu.vector_store %arg8[%swap3A_73, %swap3A_74], %swap3A_77 {strides = array<i32>} : memref<80x128xf32, #tpu.memory_space<vmem>>, vector<1x16xf32>,
    }
    %scan3A_5 = arith.constant 80 : i32
    %scan3A_6 = arith.constant 0 : i32
    %scan3A_7 = arith.constant 0 : i32
    %scan3A_8 = arith.constant 8 : i32
    %scan3A_9 = arith.addi %scan3A_7, %scan3A_8 : i32
    %scan3A_10 = arith.constant 1 : i32
    scf.for %scan3A_23 = %scan3A_7 to %scan3A_9 step %scan3A_10  : i32 {
      %mul3A_24 = arith.constant 640 : i32
      %mul3A_25 = arith.muli %arg1, %mul3A_24 : i32
      %mul3A_26 = arith.constant 80 : i32
      %mul3A_27 = arith.muli %scan3A_23, %mul3A_26 : i32
      %add3A_28 = arith.addi %mul3A_25, %mul3A_27 : i32
      "tpu.region"() ({
        %run_scoped3A = tpu.sem_alloc : memref<!tpu.dma_semaphore, #tpu.memory_space<semaphore_mem>>
        %dma_start3A = arith.constant 0 : i32
        %dma_start3A_29 = tpu.memref_slice %arg12[%add3A_28, %dma_start3A] : memref<10240x128xf32, #tpu.memory_space<vmem_shared>> -> memref<80x128xf32, #tpu.memory_space<vmem_shared>>
        %dma_start3A_30 = arith.constant 0 : i32
        %dma_start3A_31 = tpu.memref_slice %arg12[%add3A_28, %dma_start3A_30] : memref<10240x128xf32, #tpu.memory_space<vmem_shared>> -> memref<80x128xf32, #tpu.memory_space<vmem_shared>>
        tpu.enqueue_dma source(%arg8 : memref<80x128xf32, #tpu.memory_space<vmem>>) target(%dma_start3A_31 : memref<80x128xf32, #tpu.memory_space<vmem_shared>>) target_semaphore(%run_scoped3A : memref<!tpu.dma_semaphore, #tpu.memory_space<semaphore_mem>>)
        %dma_wait3A = arith.constant 0 : i32
        %dma_wait3A_32 = tpu.memref_slice %arg12[%add3A_28, %dma_wait3A] : memref<10240x128xf32, #tpu.memory_space<vmem_shared>> -> memref<80x128xf32, #tpu.memory_space<vmem_shared>>
        %dma_wait3A_33 = arith.constant 0 : i32
        %dma_wait3A_34 = tpu.memref_slice %arg12[%add3A_28, %dma_wait3A_33] : memref<10240x128xf32, #tpu.memory_space<vmem_shared>> -> memref<80x128xf32, #tpu.memory_space<vmem_shared>>
        tpu.wait_dma2 semaphore(%run_scoped3A : memref<!tpu.dma_semaphore, #tpu.memory_space<semaphore_mem>>) src(%arg8 : memref<80x128xf32, #tpu.memory_space<vmem>>) dst(%dma_wait3A_34 : memref<80x128xf32, #tpu.memory_space<vmem_shared>>)
        tpu.yield
      }) : () -> ()
    }
    %scan3A_11 = arith.constant 8 : i32
    %barrier3A = arith.constant 0 : index
    tpu.barrier barrier_id(%barrier3A)
    %scan3A_12 = arith.constant 0 : i32
    %scan3A_13 = arith.constant 0 : i32
    %scan3A_14 = arith.constant 8 : i32
    %scan3A_15 = arith.addi %scan3A_13, %scan3A_14 : i32
    %scan3A_16 = arith.constant 1 : i32
    scf.for %scan3A_23 = %scan3A_13 to %scan3A_15 step %scan3A_16  : i32 {
      %mul3A_24 = arith.constant 16 : i32
      %mul3A_25 = arith.muli %scan3A_23, %mul3A_24 : i32
      "tpu.region"() ({
        %run_scoped3A = tpu.sem_alloc : memref<!tpu.dma_semaphore, #tpu.memory_space<semaphore_mem>>
        %dma_start3A_60 = arith.constant 0 : i32
        %dma_start3A_61 = tpu.memref_slice %arg3[%add3A, %mul3A_25, %dma_start3A_60] : memref<32x128x80xi32, #tpu.memory_space<hbm>> -> memref<1x16x80xi32, #tpu.memory_space<hbm>>
        %dma_start3A_62 = tpu.memref_squeeze %dma_start3A_61 : memref<1x16x80xi32, #tpu.memory_space<hbm>> -> memref<16x80xi32, #tpu.memory_space<hbm>>
        %dma_start3A_63 = arith.constant 0 : i32
        %dma_start3A_64 = tpu.memref_slice %arg3[%add3A, %mul3A_25, %dma_start3A_63] : memref<32x128x80xi32, #tpu.memory_space<hbm>> -> memref<1x16x80xi32, #tpu.memory_space<hbm>>
        %dma_start3A_65 = tpu.memref_squeeze %dma_start3A_64 : memref<1x16x80xi32, #tpu.memory_space<hbm>> -> memref<16x80xi32, #tpu.memory_space<hbm>>
        tpu.enqueue_dma source(%dma_start3A_65 : memref<16x80xi32, #tpu.memory_space<hbm>>) target(%arg6 : memref<16x80xi32, #tpu.memory_space<vmem>>) target_semaphore(%run_scoped3A : memref<!tpu.dma_semaphore, #tpu.memory_space<semaphore_mem>>)
        %dma_wait3A_66 = arith.constant 0 : i32
        %dma_wait3A_67 = tpu.memref_slice %arg3[%add3A, %mul3A_25, %dma_wait3A_66] : memref<32x128x80xi32, #tpu.memory_space<hbm>> -> memref<1x16x80xi32, #tpu.memory_space<hbm>>
        %dma_wait3A_68 = tpu.memref_squeeze %dma_wait3A_67 : memref<1x16x80xi32, #tpu.memory_space<hbm>> -> memref<16x80xi32, #tpu.memory_space<hbm>>
        %dma_wait3A_69 = arith.constant 0 : i32
        %dma_wait3A_70 = tpu.memref_slice %arg3[%add3A, %mul3A_25, %dma_wait3A_69] : memref<32x128x80xi32, #tpu.memory_space<hbm>> -> memref<1x16x80xi32, #tpu.memory_space<hbm>>
        %dma_wait3A_71 = tpu.memref_squeeze %dma_wait3A_70 : memref<1x16x80xi32, #tpu.memory_space<hbm>> -> memref<16x80xi32, #tpu.memory_space<hbm>>
        tpu.wait_dma2 semaphore(%run_scoped3A : memref<!tpu.dma_semaphore, #tpu.memory_space<semaphore_mem>>) src(%dma_wait3A_71 : memref<16x80xi32, #tpu.memory_space<hbm>>) dst(%arg6 : memref<16x80xi32, #tpu.memory_space<vmem>>)
        tpu.yield
      }) : () -> ()
      %mul3A_26 = arith.constant 16 : i32
      %mul3A_27 = arith.muli %scan3A_23, %mul3A_26 : i32
      "tpu.region"() ({
        %run_scoped3A = tpu.sem_alloc : memref<!tpu.dma_semaphore, #tpu.memory_space<semaphore_mem>>
        %dma_start3A_60 = arith.constant 0 : i32
        %dma_start3A_61 = tpu.memref_slice %arg4[%add3A, %mul3A_27, %dma_start3A_60] : memref<32x128x80xi32, #tpu.memory_space<hbm>> -> memref<1x16x80xi32, #tpu.memory_space<hbm>>
        %dma_start3A_62 = tpu.memref_squeeze %dma_start3A_61 : memref<1x16x80xi32, #tpu.memory_space<hbm>> -> memref<16x80xi32, #tpu.memory_space<hbm>>
        %dma_start3A_63 = arith.constant 0 : i32
        %dma_start3A_64 = tpu.memref_slice %arg4[%add3A, %mul3A_27, %dma_start3A_63] : memref<32x128x80xi32, #tpu.memory_space<hbm>> -> memref<1x16x80xi32, #tpu.memory_space<hbm>>
        %dma_start3A_65 = tpu.memref_squeeze %dma_start3A_64 : memref<1x16x80xi32, #tpu.memory_space<hbm>> -> memref<16x80xi32, #tpu.memory_space<hbm>>
        tpu.enqueue_dma source(%dma_start3A_65 : memref<16x80xi32, #tpu.memory_space<hbm>>) target(%arg7 : memref<16x80xi32, #tpu.memory_space<vmem>>) target_semaphore(%run_scoped3A : memref<!tpu.dma_semaphore, #tpu.memory_space<semaphore_mem>>)
        %dma_wait3A_66 = arith.constant 0 : i32
        %dma_wait3A_67 = tpu.memref_slice %arg4[%add3A, %mul3A_27, %dma_wait3A_66] : memref<32x128x80xi32, #tpu.memory_space<hbm>> -> memref<1x16x80xi32, #tpu.memory_space<hbm>>
        %dma_wait3A_68 = tpu.memref_squeeze %dma_wait3A_67 : memref<1x16x80xi32, #tpu.memory_space<hbm>> -> memref<16x80xi32, #tpu.memory_space<hbm>>
        %dma_wait3A_69 = arith.constant 0 : i32
        %dma_wait3A_70 = tpu.memref_slice %arg4[%add3A, %mul3A_27, %dma_wait3A_69] : memref<32x128x80xi32, #tpu.memory_space<hbm>> -> memref<1x16x80xi32, #tpu.memory_space<hbm>>
        %dma_wait3A_71 = tpu.memref_squeeze %dma_wait3A_70 : memref<1x16x80xi32, #tpu.memory_space<hbm>> -> memref<16x80xi32, #tpu.memory_space<hbm>>
        tpu.wait_dma2 semaphore(%run_scoped3A : memref<!tpu.dma_semaphore, #tpu.memory_space<semaphore_mem>>) src(%dma_wait3A_71 : memref<16x80xi32, #tpu.memory_space<hbm>>) dst(%arg7 : memref<16x80xi32, #tpu.memory_space<vmem>>)
        tpu.yield
      }) : () -> ()
      %dma_start3A = arith.constant 0 : i32
      %dma_start3A_28 = arith.constant 0 : i32
      %dma_start3A_29 = tpu.memref_slice %arg6[%dma_start3A, %dma_start3A_28] : memref<16x80xi32, #tpu.memory_space<vmem>> -> memref<1x80xi32, #tpu.memory_space<vmem>>
      %dma_start3A_30 = tpu.memref_squeeze %dma_start3A_29 : memref<1x80xi32, #tpu.memory_space<vmem>> -> memref<80xi32, #tpu.memory_space<vmem>>
      %dma_start3A_31 = arith.constant 0 : i32
      %dma_start3A_32 = arith.constant 0 : i32
      %dma_start3A_33 = tpu.memref_slice %arg2[%dma_start3A_31, %dma_start3A_32] : memref<10000x128xf32, #tpu.memory_space<hbm>> -> memref<10000x128xf32, #tpu.memory_space<hbm>>
      tpu.enqueue_indirect_dma source(%dma_start3A_33 : memref<10000x128xf32, #tpu.memory_space<hbm>>) target(%arg8 : memref<80x128xf32, #tpu.memory_space<vmem>>) offsets(%dma_start3A_30 : memref<80xi32, #tpu.memory_space<vmem>>) semaphore(%arg13 : memref<!tpu.dma_semaphore, #tpu.memory_space<semaphore_mem>>)
      %dma_start3A_34 = arith.constant 1 : i32
      %dma_start3A_35 = arith.constant 0 : i32
      %dma_start3A_36 = tpu.memref_slice %arg6[%dma_start3A_34, %dma_start3A_35] : memref<16x80xi32, #tpu.memory_space<vmem>> -> memref<1x80xi32, #tpu.memory_space<vmem>>
      %dma_start3A_37 = tpu.memref_squeeze %dma_start3A_36 : memref<1x80xi32, #tpu.memory_space<vmem>> -> memref<80xi32, #tpu.memory_space<vmem>>
      %dma_start3A_38 = arith.constant 0 : i32
      %dma_start3A_39 = arith.constant 0 : i32
      %dma_start3A_40 = tpu.memref_slice %arg2[%dma_start3A_38, %dma_start3A_39] : memref<10000x128xf32, #tpu.memory_space<hbm>> -> memref<10000x128xf32, #tpu.memory_space<hbm>>
      tpu.enqueue_indirect_dma source(%dma_start3A_40 : memref<10000x128xf32, #tpu.memory_space<hbm>>) target(%arg9 : memref<80x128xf32, #tpu.memory_space<vmem>>) offsets(%dma_start3A_37 : memref<80xi32, #tpu.memory_space<vmem>>) semaphore(%arg14 : memref<!tpu.dma_semaphore, #tpu.memory_space<semaphore_mem>>)
      %dma_start3A_41 = arith.constant 2 : i32
      %dma_start3A_42 = arith.constant 0 : i32
      %dma_start3A_43 = tpu.memref_slice %arg6[%dma_start3A_41, %dma_start3A_42] : memref<16x80xi32, #tpu.memory_space<vmem>> -> memref<1x80xi32, #tpu.memory_space<vmem>>
      %dma_start3A_44 = tpu.memref_squeeze %dma_start3A_43 : memref<1x80xi32, #tpu.memory_space<vmem>> -> memref<80xi32, #tpu.memory_space<vmem>>
      %dma_start3A_45 = arith.constant 0 : i32
      %dma_start3A_46 = arith.constant 0 : i32
      %dma_start3A_47 = tpu.memref_slice %arg2[%dma_start3A_45, %dma_start3A_46] : memref<10000x128xf32, #tpu.memory_space<hbm>> -> memref<10000x128xf32, #tpu.memory_space<hbm>>
      tpu.enqueue_indirect_dma source(%dma_start3A_47 : memref<10000x128xf32, #tpu.memory_space<hbm>>) target(%arg10 : memref<80x128xf32, #tpu.memory_space<vmem>>) offsets(%dma_start3A_44 : memref<80xi32, #tpu.memory_space<vmem>>) semaphore(%arg15 : memref<!tpu.dma_semaphore, #tpu.memory_space<semaphore_mem>>)
      %scan3A_48 = arith.constant 0 : i32
      %scan3A_49 = arith.constant 0 : i32
      %scan3A_50 = arith.constant 4 : i32
      %scan3A_51 = arith.addi %scan3A_49, %scan3A_50 : i32
      %scan3A_52 = arith.constant 1 : i32
      scf.for %scan3A_60 = %scan3A_49 to %scan3A_51 step %scan3A_52  : i32 {
        %mul3A_61 = arith.constant 4 : i32
        %mul3A_62 = arith.muli %mul3A_61, %scan3A_60 : i32
        %add3A_63 = arith.constant 0 : i32
        %add3A_64 = arith.addi %mul3A_62, %add3A_63 : i32
        %dma_wait3A_65 = arith.constant 0 : i32
        %dma_wait3A_66 = tpu.memref_slice %arg6[%add3A_64, %dma_wait3A_65] : memref<16x80xi32, #tpu.memory_space<vmem>> -> memref<1x80xi32, #tpu.memory_space<vmem>>
        %dma_wait3A_67 = tpu.memref_squeeze %dma_wait3A_66 : memref<1x80xi32, #tpu.memory_space<vmem>> -> memref<80xi32, #tpu.memory_space<vmem>>
        %dma_wait3A_68 = arith.constant 0 : i32
        %dma_wait3A_69 = arith.constant 0 : i32
        %dma_wait3A_70 = tpu.memref_slice %arg2[%dma_wait3A_68, %dma_wait3A_69] : memref<10000x128xf32, #tpu.memory_space<hbm>> -> memref<10000x128xf32, #tpu.memory_space<hbm>>
        tpu.wait_indirect_dma semaphore(%arg13 : memref<!tpu.dma_semaphore, #tpu.memory_space<semaphore_mem>>) src(%dma_wait3A_70 : memref<10000x128xf32, #tpu.memory_space<hbm>>) dst(%arg8 : memref<80x128xf32, #tpu.memory_space<vmem>>)
        %dma_start3A_71 = arith.constant 0 : i32
        %dma_start3A_72 = tpu.memref_slice %arg7[%add3A_64, %dma_start3A_71] : memref<16x80xi32, #tpu.memory_space<vmem>> -> memref<1x80xi32, #tpu.memory_space<vmem>>
        %dma_start3A_73 = tpu.memref_squeeze %dma_start3A_72 : memref<1x80xi32, #tpu.memory_space<vmem>> -> memref<80xi32, #tpu.memory_space<vmem>>
        %dma_start3A_74 = arith.constant 0 : i32
        %dma_start3A_75 = arith.constant 0 : i32
        %dma_start3A_76 = tpu.memref_slice %arg12[%dma_start3A_74, %dma_start3A_75] : memref<10240x128xf32, #tpu.memory_space<vmem_shared>> -> memref<10240x128xf32, #tpu.memory_space<vmem_shared>>
        tpu.enqueue_indirect_dma source(%arg8 : memref<80x128xf32, #tpu.memory_space<vmem>>) target(%dma_start3A_76 : memref<10240x128xf32, #tpu.memory_space<vmem_shared>>) offsets(%dma_start3A_73 : memref<80xi32, #tpu.memory_space<vmem>>) semaphore(%arg17 : memref<!tpu.dma_semaphore, #tpu.memory_space<semaphore_mem>>) {add = true}
        %gt3A = arith.constant 0 : i32
        %gt3A_77 = arith.cmpi sgt, %scan3A_60, %gt3A : i32
        %convert_element_type3A = arith.extui %gt3A_77 : i1 to i32
        %cond3A = arith.constant 0 : i32
        %cond3A_78 = arith.cmpi ne, %convert_element_type3A, %cond3A : i32
        scf.if %cond3A_78 {
          %sub3A_172 = arith.constant 1 : i32
          %sub3A_173 = arith.subi %add3A_64, %sub3A_172 : i32
          %dma_wait3A_174 = arith.constant 0 : i32
          %dma_wait3A_175 = tpu.memref_slice %arg7[%sub3A_173, %dma_wait3A_174] : memref<16x80xi32, #tpu.memory_space<vmem>> -> memref<1x80xi32, #tpu.memory_space<vmem>>
          %dma_wait3A_176 = tpu.memref_squeeze %dma_wait3A_175 : memref<1x80xi32, #tpu.memory_space<vmem>> -> memref<80xi32, #tpu.memory_space<vmem>>
          %dma_wait3A_177 = arith.constant 0 : i32
          %dma_wait3A_178 = arith.constant 0 : i32
          %dma_wait3A_179 = tpu.memref_slice %arg12[%dma_wait3A_177, %dma_wait3A_178] : memref<10240x128xf32, #tpu.memory_space<vmem_shared>> -> memref<10240x128xf32, #tpu.memory_space<vmem_shared>>
          tpu.wait_indirect_dma semaphore(%arg20 : memref<!tpu.dma_semaphore, #tpu.memory_space<semaphore_mem>>) src(%arg11 : memref<80x128xf32, #tpu.memory_space<vmem>>) dst(%dma_wait3A_179 : memref<10240x128xf32, #tpu.memory_space<vmem_shared>>)
        } else {
        }
        %add3A_79 = arith.constant 3 : i32
        %add3A_80 = arith.addi %add3A_64, %add3A_79 : i32
        %dma_start3A_81 = arith.constant 0 : i32
        %dma_start3A_82 = tpu.memref_slice %arg6[%add3A_80, %dma_start3A_81] : memref<16x80xi32, #tpu.memory_space<vmem>> -> memref<1x80xi32, #tpu.memory_space<vmem>>
        %dma_start3A_83 = tpu.memref_squeeze %dma_start3A_82 : memref<1x80xi32, #tpu.memory_space<vmem>> -> memref<80xi32, #tpu.memory_space<vmem>>
        %dma_start3A_84 = arith.constant 0 : i32
        %dma_start3A_85 = arith.constant 0 : i32
        %dma_start3A_86 = tpu.memref_slice %arg2[%dma_start3A_84, %dma_start3A_85] : memref<10000x128xf32, #tpu.memory_space<hbm>> -> memref<10000x128xf32, #tpu.memory_space<hbm>>
        tpu.enqueue_indirect_dma source(%dma_start3A_86 : memref<10000x128xf32, #tpu.memory_space<hbm>>) target(%arg11 : memref<80x128xf32, #tpu.memory_space<vmem>>) offsets(%dma_start3A_83 : memref<80xi32, #tpu.memory_space<vmem>>) semaphore(%arg16 : memref<!tpu.dma_semaphore, #tpu.memory_space<semaphore_mem>>)
        %mul3A_87 = arith.constant 4 : i32
        %mul3A_88 = arith.muli %mul3A_87, %scan3A_60 : i32
        %add3A_89 = arith.constant 1 : i32
        %add3A_90 = arith.addi %mul3A_88, %add3A_89 : i32
        %dma_wait3A_91 = arith.constant 0 : i32
        %dma_wait3A_92 = tpu.memref_slice %arg6[%add3A_90, %dma_wait3A_91] : memref<16x80xi32, #tpu.memory_space<vmem>> -> memref<1x80xi32, #tpu.memory_space<vmem>>
        %dma_wait3A_93 = tpu.memref_squeeze %dma_wait3A_92 : memref<1x80xi32, #tpu.memory_space<vmem>> -> memref<80xi32, #tpu.memory_space<vmem>>
        %dma_wait3A_94 = arith.constant 0 : i32
        %dma_wait3A_95 = arith.constant 0 : i32
        %dma_wait3A_96 = tpu.memref_slice %arg2[%dma_wait3A_94, %dma_wait3A_95] : memref<10000x128xf32, #tpu.memory_space<hbm>> -> memref<10000x128xf32, #tpu.memory_space<hbm>>
        tpu.wait_indirect_dma semaphore(%arg14 : memref<!tpu.dma_semaphore, #tpu.memory_space<semaphore_mem>>) src(%dma_wait3A_96 : memref<10000x128xf32, #tpu.memory_space<hbm>>) dst(%arg9 : memref<80x128xf32, #tpu.memory_space<vmem>>)
        %dma_start3A_97 = arith.constant 0 : i32
        %dma_start3A_98 = tpu.memref_slice %arg7[%add3A_90, %dma_start3A_97] : memref<16x80xi32, #tpu.memory_space<vmem>> -> memref<1x80xi32, #tpu.memory_space<vmem>>
        %dma_start3A_99 = tpu.memref_squeeze %dma_start3A_98 : memref<1x80xi32, #tpu.memory_space<vmem>> -> memref<80xi32, #tpu.memory_space<vmem>>
        %dma_start3A_100 = arith.constant 0 : i32
        %dma_start3A_101 = arith.constant 0 : i32
        %dma_start3A_102 = tpu.memref_slice %arg12[%dma_start3A_100, %dma_start3A_101] : memref<10240x128xf32, #tpu.memory_space<vmem_shared>> -> memref<10240x128xf32, #tpu.memory_space<vmem_shared>>
        tpu.enqueue_indirect_dma source(%arg9 : memref<80x128xf32, #tpu.memory_space<vmem>>) target(%dma_start3A_102 : memref<10240x128xf32, #tpu.memory_space<vmem_shared>>) offsets(%dma_start3A_99 : memref<80xi32, #tpu.memory_space<vmem>>) semaphore(%arg18 : memref<!tpu.dma_semaphore, #tpu.memory_space<semaphore_mem>>) {add = true}
        %sub3A = arith.constant 1 : i32
        %sub3A_103 = arith.subi %add3A_90, %sub3A : i32
        %dma_wait3A_104 = arith.constant 0 : i32
        %dma_wait3A_105 = tpu.memref_slice %arg7[%sub3A_103, %dma_wait3A_104] : memref<16x80xi32, #tpu.memory_space<vmem>> -> memref<1x80xi32, #tpu.memory_space<vmem>>
        %dma_wait3A_106 = tpu.memref_squeeze %dma_wait3A_105 : memref<1x80xi32, #tpu.memory_space<vmem>> -> memref<80xi32, #tpu.memory_space<vmem>>
        %dma_wait3A_107 = arith.constant 0 : i32
        %dma_wait3A_108 = arith.constant 0 : i32
        %dma_wait3A_109 = tpu.memref_slice %arg12[%dma_wait3A_107, %dma_wait3A_108] : memref<10240x128xf32, #tpu.memory_space<vmem_shared>> -> memref<10240x128xf32, #tpu.memory_space<vmem_shared>>
        tpu.wait_indirect_dma semaphore(%arg17 : memref<!tpu.dma_semaphore, #tpu.memory_space<semaphore_mem>>) src(%arg8 : memref<80x128xf32, #tpu.memory_space<vmem>>) dst(%dma_wait3A_109 : memref<10240x128xf32, #tpu.memory_space<vmem_shared>>)
        %lt3A = arith.constant 3 : i32
        %lt3A_110 = arith.cmpi slt, %scan3A_60, %lt3A : i32
        %convert_element_type3A_111 = arith.extui %lt3A_110 : i1 to i32
        %cond3A_112 = arith.constant 0 : i32
        %cond3A_113 = arith.cmpi ne, %convert_element_type3A_111, %cond3A_112 : i32
        scf.if %cond3A_113 {
          %add3A_172 = arith.constant 3 : i32
          %add3A_173 = arith.addi %add3A_90, %add3A_172 : i32
          %dma_start3A_174 = arith.constant 0 : i32
          %dma_start3A_175 = tpu.memref_slice %arg6[%add3A_173, %dma_start3A_174] : memref<16x80xi32, #tpu.memory_space<vmem>> -> memref<1x80xi32, #tpu.memory_space<vmem>>
          %dma_start3A_176 = tpu.memref_squeeze %dma_start3A_175 : memref<1x80xi32, #tpu.memory_space<vmem>> -> memref<80xi32, #tpu.memory_space<vmem>>
          %dma_start3A_177 = arith.constant 0 : i32
          %dma_start3A_178 = arith.constant 0 : i32
          %dma_start3A_179 = tpu.memref_slice %arg2[%dma_start3A_177, %dma_start3A_178] : memref<10000x128xf32, #tpu.memory_space<hbm>> -> memref<10000x128xf32, #tpu.memory_space<hbm>>
          tpu.enqueue_indirect_dma source(%dma_start3A_179 : memref<10000x128xf32, #tpu.memory_space<hbm>>) target(%arg8 : memref<80x128xf32, #tpu.memory_space<vmem>>) offsets(%dma_start3A_176 : memref<80xi32, #tpu.memory_space<vmem>>) semaphore(%arg13 : memref<!tpu.dma_semaphore, #tpu.memory_space<semaphore_mem>>)
        } else {
        }
        %mul3A_114 = arith.constant 4 : i32
        %mul3A_115 = arith.muli %mul3A_114, %scan3A_60 : i32
        %add3A_116 = arith.constant 2 : i32
        %add3A_117 = arith.addi %mul3A_115, %add3A_116 : i32
        %dma_wait3A_118 = arith.constant 0 : i32
        %dma_wait3A_119 = tpu.memref_slice %arg6[%add3A_117, %dma_wait3A_118] : memref<16x80xi32, #tpu.memory_space<vmem>> -> memref<1x80xi32, #tpu.memory_space<vmem>>
        %dma_wait3A_120 = tpu.memref_squeeze %dma_wait3A_119 : memref<1x80xi32, #tpu.memory_space<vmem>> -> memref<80xi32, #tpu.memory_space<vmem>>
        %dma_wait3A_121 = arith.constant 0 : i32
        %dma_wait3A_122 = arith.constant 0 : i32
        %dma_wait3A_123 = tpu.memref_slice %arg2[%dma_wait3A_121, %dma_wait3A_122] : memref<10000x128xf32, #tpu.memory_space<hbm>> -> memref<10000x128xf32, #tpu.memory_space<hbm>>
        tpu.wait_indirect_dma semaphore(%arg15 : memref<!tpu.dma_semaphore, #tpu.memory_space<semaphore_mem>>) src(%dma_wait3A_123 : memref<10000x128xf32, #tpu.memory_space<hbm>>) dst(%arg10 : memref<80x128xf32, #tpu.memory_space<vmem>>)
        %dma_start3A_124 = arith.constant 0 : i32
        %dma_start3A_125 = tpu.memref_slice %arg7[%add3A_117, %dma_start3A_124] : memref<16x80xi32, #tpu.memory_space<vmem>> -> memref<1x80xi32, #tpu.memory_space<vmem>>
        %dma_start3A_126 = tpu.memref_squeeze %dma_start3A_125 : memref<1x80xi32, #tpu.memory_space<vmem>> -> memref<80xi32, #tpu.memory_space<vmem>>
        %dma_start3A_127 = arith.constant 0 : i32
        %dma_start3A_128 = arith.constant 0 : i32
        %dma_start3A_129 = tpu.memref_slice %arg12[%dma_start3A_127, %dma_start3A_128] : memref<10240x128xf32, #tpu.memory_space<vmem_shared>> -> memref<10240x128xf32, #tpu.memory_space<vmem_shared>>
        tpu.enqueue_indirect_dma source(%arg10 : memref<80x128xf32, #tpu.memory_space<vmem>>) target(%dma_start3A_129 : memref<10240x128xf32, #tpu.memory_space<vmem_shared>>) offsets(%dma_start3A_126 : memref<80xi32, #tpu.memory_space<vmem>>) semaphore(%arg19 : memref<!tpu.dma_semaphore, #tpu.memory_space<semaphore_mem>>) {add = true}
        %sub3A_130 = arith.constant 1 : i32
        %sub3A_131 = arith.subi %add3A_117, %sub3A_130 : i32
        %dma_wait3A_132 = arith.constant 0 : i32
        %dma_wait3A_133 = tpu.memref_slice %arg7[%sub3A_131, %dma_wait3A_132] : memref<16x80xi32, #tpu.memory_space<vmem>> -> memref<1x80xi32, #tpu.memory_space<vmem>>
        %dma_wait3A_134 = tpu.memref_squeeze %dma_wait3A_133 : memref<1x80xi32, #tpu.memory_space<vmem>> -> memref<80xi32, #tpu.memory_space<vmem>>
        %dma_wait3A_135 = arith.constant 0 : i32
        %dma_wait3A_136 = arith.constant 0 : i32
        %dma_wait3A_137 = tpu.memref_slice %arg12[%dma_wait3A_135, %dma_wait3A_136] : memref<10240x128xf32, #tpu.memory_space<vmem_shared>> -> memref<10240x128xf32, #tpu.memory_space<vmem_shared>>
        tpu.wait_indirect_dma semaphore(%arg18 : memref<!tpu.dma_semaphore, #tpu.memory_space<semaphore_mem>>) src(%arg9 : memref<80x128xf32, #tpu.memory_space<vmem>>) dst(%dma_wait3A_137 : memref<10240x128xf32, #tpu.memory_space<vmem_shared>>)
        %lt3A_138 = arith.constant 3 : i32
        %lt3A_139 = arith.cmpi slt, %scan3A_60, %lt3A_138 : i32
        %convert_element_type3A_140 = arith.extui %lt3A_139 : i1 to i32
        %cond3A_141 = arith.constant 0 : i32
        %cond3A_142 = arith.cmpi ne, %convert_element_type3A_140, %cond3A_141 : i32
        scf.if %cond3A_142 {
          %add3A_172 = arith.constant 3 : i32
          %add3A_173 = arith.addi %add3A_117, %add3A_172 : i32
          %dma_start3A_174 = arith.constant 0 : i32
          %dma_start3A_175 = tpu.memref_slice %arg6[%add3A_173, %dma_start3A_174] : memref<16x80xi32, #tpu.memory_space<vmem>> -> memref<1x80xi32, #tpu.memory_space<vmem>>
          %dma_start3A_176 = tpu.memref_squeeze %dma_start3A_175 : memref<1x80xi32, #tpu.memory_space<vmem>> -> memref<80xi32, #tpu.memory_space<vmem>>
          %dma_start3A_177 = arith.constant 0 : i32
          %dma_start3A_178 = arith.constant 0 : i32
          %dma_start3A_179 = tpu.memref_slice %arg2[%dma_start3A_177, %dma_start3A_178] : memref<10000x128xf32, #tpu.memory_space<hbm>> -> memref<10000x128xf32, #tpu.memory_space<hbm>>
          tpu.enqueue_indirect_dma source(%dma_start3A_179 : memref<10000x128xf32, #tpu.memory_space<hbm>>) target(%arg9 : memref<80x128xf32, #tpu.memory_space<vmem>>) offsets(%dma_start3A_176 : memref<80xi32, #tpu.memory_space<vmem>>) semaphore(%arg14 : memref<!tpu.dma_semaphore, #tpu.memory_space<semaphore_mem>>)
        } else {
        }
        %mul3A_143 = arith.constant 4 : i32
        %mul3A_144 = arith.muli %mul3A_143, %scan3A_60 : i32
        %add3A_145 = arith.constant 3 : i32
        %add3A_146 = arith.addi %mul3A_144, %add3A_145 : i32
        %dma_wait3A_147 = arith.constant 0 : i32
        %dma_wait3A_148 = tpu.memref_slice %arg6[%add3A_146, %dma_wait3A_147] : memref<16x80xi32, #tpu.memory_space<vmem>> -> memref<1x80xi32, #tpu.memory_space<vmem>>
        %dma_wait3A_149 = tpu.memref_squeeze %dma_wait3A_148 : memref<1x80xi32, #tpu.memory_space<vmem>> -> memref<80xi32, #tpu.memory_space<vmem>>
        %dma_wait3A_150 = arith.constant 0 : i32
        %dma_wait3A_151 = arith.constant 0 : i32
        %dma_wait3A_152 = tpu.memref_slice %arg2[%dma_wait3A_150, %dma_wait3A_151] : memref<10000x128xf32, #tpu.memory_space<hbm>> -> memref<10000x128xf32, #tpu.memory_space<hbm>>
        tpu.wait_indirect_dma semaphore(%arg16 : memref<!tpu.dma_semaphore, #tpu.memory_space<semaphore_mem>>) src(%dma_wait3A_152 : memref<10000x128xf32, #tpu.memory_space<hbm>>) dst(%arg11 : memref<80x128xf32, #tpu.memory_space<vmem>>)
        %dma_start3A_153 = arith.constant 0 : i32
        %dma_start3A_154 = tpu.memref_slice %arg7[%add3A_146, %dma_start3A_153] : memref<16x80xi32, #tpu.memory_space<vmem>> -> memref<1x80xi32, #tpu.memory_space<vmem>>
        %dma_start3A_155 = tpu.memref_squeeze %dma_start3A_154 : memref<1x80xi32, #tpu.memory_space<vmem>> -> memref<80xi32, #tpu.memory_space<vmem>>
        %dma_start3A_156 = arith.constant 0 : i32
        %dma_start3A_157 = arith.constant 0 : i32
        %dma_start3A_158 = tpu.memref_slice %arg12[%dma_start3A_156, %dma_start3A_157] : memref<10240x128xf32, #tpu.memory_space<vmem_shared>> -> memref<10240x128xf32, #tpu.memory_space<vmem_shared>>
        tpu.enqueue_indirect_dma source(%arg11 : memref<80x128xf32, #tpu.memory_space<vmem>>) target(%dma_start3A_158 : memref<10240x128xf32, #tpu.memory_space<vmem_shared>>) offsets(%dma_start3A_155 : memref<80xi32, #tpu.memory_space<vmem>>) semaphore(%arg20 : memref<!tpu.dma_semaphore, #tpu.memory_space<semaphore_mem>>) {add = true}
        %sub3A_159 = arith.constant 1 : i32
        %sub3A_160 = arith.subi %add3A_146, %sub3A_159 : i32
        %dma_wait3A_161 = arith.constant 0 : i32
        %dma_wait3A_162 = tpu.memref_slice %arg7[%sub3A_160, %dma_wait3A_161] : memref<16x80xi32, #tpu.memory_space<vmem>> -> memref<1x80xi32, #tpu.memory_space<vmem>>
        %dma_wait3A_163 = tpu.memref_squeeze %dma_wait3A_162 : memref<1x80xi32, #tpu.memory_space<vmem>> -> memref<80xi32, #tpu.memory_space<vmem>>
        %dma_wait3A_164 = arith.constant 0 : i32
        %dma_wait3A_165 = arith.constant 0 : i32
        %dma_wait3A_166 = tpu.memref_slice %arg12[%dma_wait3A_164, %dma_wait3A_165] : memref<10240x128xf32, #tpu.memory_space<vmem_shared>> -> memref<10240x128xf32, #tpu.memory_space<vmem_shared>>
        tpu.wait_indirect_dma semaphore(%arg19 : memref<!tpu.dma_semaphore, #tpu.memory_space<semaphore_mem>>) src(%arg10 : memref<80x128xf32, #tpu.memory_space<vmem>>) dst(%dma_wait3A_166 : memref<10240x128xf32, #tpu.memory_space<vmem_shared>>)
        %lt3A_167 = arith.constant 3 : i32
        %lt3A_168 = arith.cmpi slt, %scan3A_60, %lt3A_167 : i32
        %convert_element_type3A_169 = arith.extui %lt3A_168 : i1 to i32
        %cond3A_170 = arith.constant 0 : i32
        %cond3A_171 = arith.cmpi ne, %convert_element_type3A_169, %cond3A_170 : i32
        scf.if %cond3A_171 {
          %add3A_172 = arith.constant 3 : i32
          %add3A_173 = arith.addi %add3A_146, %add3A_172 : i32
          %dma_start3A_174 = arith.constant 0 : i32
          %dma_start3A_175 = tpu.memref_slice %arg6[%add3A_173, %dma_start3A_174] : memref<16x80xi32, #tpu.memory_space<vmem>> -> memref<1x80xi32, #tpu.memory_space<vmem>>
          %dma_start3A_176 = tpu.memref_squeeze %dma_start3A_175 : memref<1x80xi32, #tpu.memory_space<vmem>> -> memref<80xi32, #tpu.memory_space<vmem>>
          %dma_start3A_177 = arith.constant 0 : i32
          %dma_start3A_178 = arith.constant 0 : i32
          %dma_start3A_179 = tpu.memref_slice %arg2[%dma_start3A_177, %dma_start3A_178] : memref<10000x128xf32, #tpu.memory_space<hbm>> -> memref<10000x128xf32, #tpu.memory_space<hbm>>
          tpu.enqueue_indirect_dma source(%dma_start3A_179 : memref<10000x128xf32, #tpu.memory_space<hbm>>) target(%arg10 : memref<80x128xf32, #tpu.memory_space<vmem>>) offsets(%dma_start3A_176 : memref<80xi32, #tpu.memory_space<vmem>>) semaphore(%arg15 : memref<!tpu.dma_semaphore, #tpu.memory_space<semaphore_mem>>)
        } else {
        }
      }
      %scan3A_53 = arith.constant 4 : i32
      %dma_wait3A = arith.constant 15 : i32
      %dma_wait3A_54 = arith.constant 0 : i32
      %dma_wait3A_55 = tpu.memref_slice %arg7[%dma_wait3A, %dma_wait3A_54] : memref<16x80xi32, #tpu.memory_space<vmem>> -> memref<1x80xi32, #tpu.memory_space<vmem>>
      %dma_wait3A_56 = tpu.memref_squeeze %dma_wait3A_55 : memref<1x80xi32, #tpu.memory_space<vmem>> -> memref<80xi32, #tpu.memory_space<vmem>>
      %dma_wait3A_57 = arith.constant 0 : i32
      %dma_wait3A_58 = arith.constant 0 : i32
      %dma_wait3A_59 = tpu.memref_slice %arg12[%dma_wait3A_57, %dma_wait3A_58] : memref<10240x128xf32, #tpu.memory_space<vmem_shared>> -> memref<10240x128xf32, #tpu.memory_space<vmem_shared>>
      tpu.wait_indirect_dma semaphore(%arg20 : memref<!tpu.dma_semaphore, #tpu.memory_space<semaphore_mem>>) src(%arg11 : memref<80x128xf32, #tpu.memory_space<vmem>>) dst(%dma_wait3A_59 : memref<10240x128xf32, #tpu.memory_space<vmem_shared>>)
    }
    %scan3A_17 = arith.constant 8 : i32
    %barrier3A_18 = arith.constant 0 : index
    tpu.barrier barrier_id(%barrier3A_18)
    %mul3A_19 = arith.constant 640 : i32
    %mul3A_20 = arith.muli %arg1, %mul3A_19 : i32
    %mul3A_21 = arith.constant 640 : i32
    %mul3A_22 = arith.muli %arg1, %mul3A_21 : i32
    "tpu.region"() ({
      %run_scoped3A = tpu.sem_alloc : memref<!tpu.dma_semaphore, #tpu.memory_space<semaphore_mem>>
      %dma_start3A = arith.constant 0 : i32
      %dma_start3A_23 = tpu.memref_slice %arg5[%arg0, %mul3A_22, %dma_start3A] : memref<2x10240x128xf32, #tpu.memory_space<hbm>> -> memref<1x640x128xf32, #tpu.memory_space<hbm>>
      %dma_start3A_24 = tpu.memref_squeeze %dma_start3A_23 : memref<1x640x128xf32, #tpu.memory_space<hbm>> -> memref<640x128xf32, #tpu.memory_space<hbm>>
      %dma_start3A_25 = arith.constant 0 : i32
      %dma_start3A_26 = tpu.memref_slice %arg12[%mul3A_20, %dma_start3A_25] : memref<10240x128xf32, #tpu.memory_space<vmem_shared>> -> memref<640x128xf32, #tpu.memory_space<vmem_shared>>
      tpu.enqueue_dma source(%dma_start3A_26 : memref<640x128xf32, #tpu.memory_space<vmem_shared>>) target(%dma_start3A_24 : memref<640x128xf32, #tpu.memory_space<hbm>>) target_semaphore(%run_scoped3A : memref<!tpu.dma_semaphore, #tpu.memory_space<semaphore_mem>>)
      %dma_wait3A = arith.constant 0 : i32
      %dma_wait3A_27 = tpu.memref_slice %arg5[%arg0, %mul3A_22, %dma_wait3A] : memref<2x10240x128xf32, #tpu.memory_space<hbm>> -> memref<1x640x128xf32, #tpu.memory_space<hbm>>
      %dma_wait3A_28 = tpu.memref_squeeze %dma_wait3A_27 : memref<1x640x128xf32, #tpu.memory_space<hbm>> -> memref<640x128xf32, #tpu.memory_space<hbm>>
      %dma_wait3A_29 = arith.constant 0 : i32
      %dma_wait3A_30 = tpu.memref_slice %arg12[%mul3A_20, %dma_wait3A_29] : memref<10240x128xf32, #tpu.memory_space<vmem_shared>> -> memref<640x128xf32, #tpu.memory_space<vmem_shared>>
      tpu.wait_dma2 semaphore(%run_scoped3A : memref<!tpu.dma_semaphore, #tpu.memory_space<semaphore_mem>>) src(%dma_wait3A_30 : memref<640x128xf32, #tpu.memory_space<vmem_shared>>) dst(%dma_wait3A_28 : memref<640x128xf32, #tpu.memory_space<hbm>>)
      tpu.yield
    }) : () -> ()
    return
  }
}

module attributes {stable_mosaic.version = 14 : i64} {
  func.func @body(%arg0: i32, %arg1: memref<2000x128xf32, #tpu.memory_space<vmem>>, %arg2: memref<128x128xf32, #tpu.memory_space<vmem>>, %arg3: memref<2000x2xf32, #tpu.memory_space<vmem>>, %arg4: memref<2000x128xf32, #tpu.memory_space<vmem>>) attributes {dimension_semantics = [#tpu.dimension_semantics<arbitrary>], iteration_bounds = array<i64: 5>, scalar_prefetch = 0 : i64, scratch_operands = 0 : i64, tpu.core_type = #tpu.core_type<tc>, window_params = [{transform_indices = @transform_0, window_bounds = array<i64: 2000, 128>}, {pipeline_mode = #tpu.pipeline_mode<synchronous>, transform_indices = @transform_1, window_bounds = array<i64: 128, 128>}, {transform_indices = @transform_2, window_bounds = array<i64: 2000, 2>}, {transform_indices = @transform_3, window_bounds = array<i64: 2000, 128>}]} {
    %get3A = arith.constant 0 : index
    %get3A_0 = arith.constant 0 : index
    %get3A_1 = vector.load %arg3[%get3A, %get3A_0] : memref<2000x2xf32, #tpu.memory_space<vmem>>, vector<2000x1xf32>
    %get3A_2 = arith.constant 0 : index
    %get3A_3 = arith.constant 1 : index
    %get3A_4 = vector.load %arg3[%get3A_2, %get3A_3] : memref<2000x2xf32, #tpu.memory_space<vmem>>, vector<2000x1xf32>
    %add3A = arith.addf %get3A_1, %get3A_4 : vector<2000x1xf32>
    %add3A_5 = arith.constant 1.000000e+00 : f32
    %add3A_6 = vector.broadcast %add3A_5 : f32 to vector<2000x1xf32>
    %add3A_7 = arith.addf %add3A, %add3A_6 : vector<2000x1xf32>
    %rsqrt3A = math.rsqrt %add3A_7 : vector<2000x1xf32>
    %get3A_8 = arith.constant 0 : index
    %get3A_9 = arith.constant 0 : index
    %get3A_10 = vector.load %arg1[%get3A_8, %get3A_9] : memref<2000x128xf32, #tpu.memory_space<vmem>>, vector<2000x128xf32>
    %get3A_11 = arith.constant 0 : index
    %get3A_12 = arith.constant 0 : index
    %get3A_13 = vector.load %arg2[%get3A_11, %get3A_12] : memref<128x128xf32, #tpu.memory_space<vmem>>, vector<128x128xf32>
    %dot_general3A = arith.constant dense<0.000000e+00> : vector<2000x128xf32>
    %dot_general3A_14 = tpu.matmul %get3A_10, %get3A_13, %dot_general3A {dimension_numbers = #tpu.dot_dimension_numbers<[1], [0], [0], [1], [0, 0, 1, 1], [], []>, transpose_lhs_hint = false} : vector<2000x128xf32>, vector<128x128xf32>, vector<2000x128xf32> -> vector<2000x128xf32>
    %mul3A = vector.broadcast %rsqrt3A : vector<2000x1xf32> to vector<2000x128xf32>
    %mul3A_15 = arith.mulf %mul3A, %dot_general3A_14 : vector<2000x128xf32>
    %swap3A = arith.constant 0 : index
    %swap3A_16 = arith.constant 0 : index
    %swap3A_17 = vector.load %arg4[%swap3A, %swap3A_16] : memref<2000x128xf32, #tpu.memory_space<vmem>>, vector<2000x128xf32>
    tpu.vector_store %arg4[%swap3A, %swap3A_16], %mul3A_15 {strides = array<i32>} : memref<2000x128xf32, #tpu.memory_space<vmem>>, vector<2000x128xf32>,
    return
  }
  func.func @transform_0(%arg0: i32) -> (i32, i32) {
    %c0_i32 = arith.constant 0 : i32
    %c0_i32_0 = arith.constant 0 : i32
    return %arg0, %c0_i32 : i32, i32
  }
  func.func @transform_1(%arg0: i32) -> (i32, i32) {
    %c0_i32 = arith.constant 0 : i32
    %c0_i32_0 = arith.constant 0 : i32
    %c0_i32_1 = arith.constant 0 : i32
    return %c0_i32, %c0_i32_0 : i32, i32
  }
  func.func @transform_2(%arg0: i32) -> (i32, i32) {
    %c0_i32 = arith.constant 0 : i32
    %c0_i32_0 = arith.constant 0 : i32
    return %arg0, %c0_i32 : i32, i32
  }
  func.func @transform_3(%arg0: i32) -> (i32, i32) {
    %c0_i32 = arith.constant 0 : i32
    %c0_i32_0 = arith.constant 0 : i32
    return %arg0, %c0_i32 : i32, i32
  }
}

module attributes {stable_mosaic.version = 14 : i64} {
  func.func @body(%arg0: i32, %arg1: memref<2x2000x128xf32, #tpu.memory_space<vmem>>, %arg2: memref<2000x128xf32, #tpu.memory_space<vmem>>, %arg3: memref<2000x2xf32, #tpu.memory_space<vmem>>, %arg4: memref<1x128xf32, #tpu.memory_space<vmem>>, %arg5: memref<2000x128xf32, #tpu.memory_space<vmem>>, %arg6: memref<2xf32, #tpu.memory_space<smem>>, %arg7: memref<2xf32, #tpu.memory_space<smem>>) attributes {dimension_semantics = [#tpu.dimension_semantics<arbitrary>], iteration_bounds = array<i64: 5>, scalar_prefetch = 0 : i64, scratch_operands = 1 : i64, tpu.core_type = #tpu.core_type<tc>, window_params = [{transform_indices = @transform_0, window_bounds = array<i64: 2, 2000, 128>}, {transform_indices = @transform_1, window_bounds = array<i64: 2000, 128>}, {transform_indices = @transform_2, window_bounds = array<i64: 2000, 2>}, {pipeline_mode = #tpu.pipeline_mode<synchronous>, transform_indices = @transform_3, window_bounds = array<i64: 1, 128>}, {transform_indices = @transform_4, window_bounds = array<i64: 2000, 128>}, {transform_indices = @transform_5, window_bounds = array<i64: 2>}]} {
    %eq3A = arith.constant 0 : i32
    %eq3A_0 = arith.cmpi eq, %arg0, %eq3A : i32
    %convert_element_type3A = arith.extui %eq3A_0 : i1 to i32
    %cond3A = arith.constant 0 : i32
    %cond3A_1 = arith.cmpi ne, %convert_element_type3A, %cond3A : i32
    scf.if %cond3A_1 {
      %swap3A_61 = arith.constant 0.000000e+00 : f32
      %swap3A_62 = arith.constant 0 : index
      %swap3A_63 = memref.load %arg7[%swap3A_62] : memref<2xf32, #tpu.memory_space<smem>>
      memref.store %swap3A_61, %arg7[%swap3A_62] : memref<2xf32, #tpu.memory_space<smem>>
      %swap3A_64 = arith.constant 0.000000e+00 : f32
      %swap3A_65 = arith.constant 1 : index
      %swap3A_66 = memref.load %arg7[%swap3A_65] : memref<2xf32, #tpu.memory_space<smem>>
      memref.store %swap3A_64, %arg7[%swap3A_65] : memref<2xf32, #tpu.memory_space<smem>>
    } else {
    }
    %get3A = arith.constant 0 : index
    %get3A_2 = arith.constant 0 : index
    %get3A_3 = vector.load %arg3[%get3A, %get3A_2] : memref<2000x2xf32, #tpu.memory_space<vmem>>, vector<2000x1xf32>
    %get3A_4 = arith.constant 0 : index
    %get3A_5 = arith.constant 1 : index
    %get3A_6 = vector.load %arg3[%get3A_4, %get3A_5] : memref<2000x2xf32, #tpu.memory_space<vmem>>, vector<2000x1xf32>
    %add3A = arith.addf %get3A_3, %get3A_6 : vector<2000x1xf32>
    %add3A_7 = arith.constant 1.000000e+00 : f32
    %add3A_8 = vector.broadcast %add3A_7 : f32 to vector<2000x1xf32>
    %add3A_9 = arith.addf %add3A, %add3A_8 : vector<2000x1xf32>
    %rsqrt3A = math.rsqrt %add3A_9 : vector<2000x1xf32>
    %get3A_10 = arith.constant 0 : index
    %get3A_11 = arith.constant 0 : index
    %get3A_12 = arith.constant 0 : index
    %get3A_13 = vector.load %arg1[%get3A_10, %get3A_11, %get3A_12] : memref<2x2000x128xf32, #tpu.memory_space<vmem>>, vector<1x2000x128xf32>
    %get3A_14 = vector.shape_cast %get3A_13 : vector<1x2000x128xf32> to vector<2000x128xf32>
    %get3A_15 = arith.constant 1 : index
    %get3A_16 = arith.constant 0 : index
    %get3A_17 = arith.constant 0 : index
    %get3A_18 = vector.load %arg1[%get3A_15, %get3A_16, %get3A_17] : memref<2x2000x128xf32, #tpu.memory_space<vmem>>, vector<1x2000x128xf32>
    %get3A_19 = vector.shape_cast %get3A_18 : vector<1x2000x128xf32> to vector<2000x128xf32>
    %add3A_20 = arith.addf %get3A_14, %get3A_19 : vector<2000x128xf32>
    %get3A_21 = arith.constant 0 : index
    %get3A_22 = arith.constant 0 : index
    %get3A_23 = vector.load %arg2[%get3A_21, %get3A_22] : memref<2000x128xf32, #tpu.memory_space<vmem>>, vector<2000x128xf32>
    %add3A_24 = arith.addf %add3A_20, %get3A_23 : vector<2000x128xf32>
    %mul3A = vector.broadcast %rsqrt3A : vector<2000x1xf32> to vector<2000x128xf32>
    %mul3A_25 = arith.mulf %mul3A, %add3A_24 : vector<2000x128xf32>
    %get3A_26 = arith.constant 0 : index
    %get3A_27 = arith.constant 0 : index
    %get3A_28 = vector.load %arg4[%get3A_26, %get3A_27] : memref<1x128xf32, #tpu.memory_space<vmem>>, vector<1x128xf32>
    %add3A_29 = vector.broadcast %get3A_28 : vector<1x128xf32> to vector<2000x128xf32>
    %add3A_30 = arith.addf %mul3A_25, %add3A_29 : vector<2000x128xf32>
    %swap3A = arith.constant 0 : index
    %swap3A_31 = arith.constant 0 : index
    %swap3A_32 = vector.load %arg5[%swap3A, %swap3A_31] : memref<2000x128xf32, #tpu.memory_space<vmem>>, vector<2000x128xf32>
    tpu.vector_store %arg5[%swap3A, %swap3A_31], %add3A_30 {strides = array<i32>} : memref<2000x128xf32, #tpu.memory_space<vmem>>, vector<2000x128xf32>,
    %get3A_33 = arith.constant 0 : index
    %get3A_34 = memref.load %arg7[%get3A_33] : memref<2xf32, #tpu.memory_space<smem>>
    %reduce_sum3A = vector.shape_cast %add3A_30 : vector<2000x128xf32> to vector<1x2000x128xf32>
    %reduce_sum3A_35 = arith.constant dense<0.000000e+00> : vector<1xf32>
    %reduce_sum3A_36 = vector.multi_reduction <add>, %reduce_sum3A, %reduce_sum3A_35 [1, 2] : vector<1x2000x128xf32> to vector<1xf32>
    %reduce_sum3A_37 = vector.shape_cast %reduce_sum3A_36 : vector<1xf32> to vector<1x1x1xf32>
    %reduce_sum3A_38 = vector.extract %reduce_sum3A_37[0, 0, 0] : f32 from vector<1x1x1xf32>
    %add3A_39 = arith.addf %get3A_34, %reduce_sum3A_38 : f32
    %swap3A_40 = arith.constant 0 : index
    %swap3A_41 = memref.load %arg7[%swap3A_40] : memref<2xf32, #tpu.memory_space<smem>>
    memref.store %add3A_39, %arg7[%swap3A_40] : memref<2xf32, #tpu.memory_space<smem>>
    %get3A_42 = arith.constant 1 : index
    %get3A_43 = memref.load %arg7[%get3A_42] : memref<2xf32, #tpu.memory_space<smem>>
    %mul3A_44 = arith.mulf %add3A_30, %add3A_30 : vector<2000x128xf32>
    %reduce_sum3A_45 = vector.shape_cast %mul3A_44 : vector<2000x128xf32> to vector<1x2000x128xf32>
    %reduce_sum3A_46 = arith.constant dense<0.000000e+00> : vector<1xf32>
    %reduce_sum3A_47 = vector.multi_reduction <add>, %reduce_sum3A_45, %reduce_sum3A_46 [1, 2] : vector<1x2000x128xf32> to vector<1xf32>
    %reduce_sum3A_48 = vector.shape_cast %reduce_sum3A_47 : vector<1xf32> to vector<1x1x1xf32>
    %reduce_sum3A_49 = vector.extract %reduce_sum3A_48[0, 0, 0] : f32 from vector<1x1x1xf32>
    %add3A_50 = arith.addf %get3A_43, %reduce_sum3A_49 : f32
    %swap3A_51 = arith.constant 1 : index
    %swap3A_52 = memref.load %arg7[%swap3A_51] : memref<2xf32, #tpu.memory_space<smem>>
    memref.store %add3A_50, %arg7[%swap3A_51] : memref<2xf32, #tpu.memory_space<smem>>
    %get3A_53 = arith.constant 0 : index
    %get3A_54 = memref.load %arg7[%get3A_53] : memref<2xf32, #tpu.memory_space<smem>>
    %swap3A_55 = arith.constant 0 : index
    %swap3A_56 = memref.load %arg6[%swap3A_55] : memref<2xf32, #tpu.memory_space<smem>>
    memref.store %get3A_54, %arg6[%swap3A_55] : memref<2xf32, #tpu.memory_space<smem>>
    %get3A_57 = arith.constant 1 : index
    %get3A_58 = memref.load %arg7[%get3A_57] : memref<2xf32, #tpu.memory_space<smem>>
    %swap3A_59 = arith.constant 1 : index
    %swap3A_60 = memref.load %arg6[%swap3A_59] : memref<2xf32, #tpu.memory_space<smem>>
    memref.store %get3A_58, %arg6[%swap3A_59] : memref<2xf32, #tpu.memory_space<smem>>
    return
  }
  func.func @transform_0(%arg0: i32) -> (i32, i32, i32) {
    %c0_i32 = arith.constant 0 : i32
    %c0_i32_0 = arith.constant 0 : i32
    %c0_i32_1 = arith.constant 0 : i32
    return %c0_i32, %arg0, %c0_i32_0 : i32, i32, i32
  }
  func.func @transform_1(%arg0: i32) -> (i32, i32) {
    %c0_i32 = arith.constant 0 : i32
    %c0_i32_0 = arith.constant 0 : i32
    return %arg0, %c0_i32 : i32, i32
  }
  func.func @transform_2(%arg0: i32) -> (i32, i32) {
    %c0_i32 = arith.constant 0 : i32
    %c0_i32_0 = arith.constant 0 : i32
    return %arg0, %c0_i32 : i32, i32
  }
  func.func @transform_3(%arg0: i32) -> (i32, i32) {
    %c0_i32 = arith.constant 0 : i32
    %c0_i32_0 = arith.constant 0 : i32
    %c0_i32_1 = arith.constant 0 : i32
    return %c0_i32, %c0_i32_0 : i32, i32
  }
  func.func @transform_4(%arg0: i32) -> (i32, i32) {
    %c0_i32 = arith.constant 0 : i32
    %c0_i32_0 = arith.constant 0 : i32
    return %arg0, %c0_i32 : i32, i32
  }
  func.func @transform_5(%arg0: i32) -> i32 {
    %c0_i32 = arith.constant 0 : i32
    %c0_i32_0 = arith.constant 0 : i32
    return %c0_i32 : i32
  }
}

module attributes {stable_mosaic.version = 14 : i64} {
  func.func @body(%arg0: i32, %arg1: memref<2000x128xf32, #tpu.memory_space<vmem>>, %arg2: memref<2xf32, #tpu.memory_space<smem>>, %arg3: memref<1x128xf32, #tpu.memory_space<vmem>>, %arg4: memref<1x128xf32, #tpu.memory_space<vmem>>, %arg5: memref<128x128xf32, #tpu.memory_space<vmem>>, %arg6: memref<2000x2xf32, #tpu.memory_space<vmem>>, %arg7: memref<2000x128xf32, #tpu.memory_space<vmem>>) attributes {dimension_semantics = [#tpu.dimension_semantics<arbitrary>], iteration_bounds = array<i64: 5>, scalar_prefetch = 0 : i64, scratch_operands = 0 : i64, tpu.core_type = #tpu.core_type<tc>, window_params = [{transform_indices = @transform_0, window_bounds = array<i64: 2000, 128>}, {transform_indices = @transform_1, window_bounds = array<i64: 2>}, {pipeline_mode = #tpu.pipeline_mode<synchronous>, transform_indices = @transform_2, window_bounds = array<i64: 1, 128>}, {pipeline_mode = #tpu.pipeline_mode<synchronous>, transform_indices = @transform_3, window_bounds = array<i64: 1, 128>}, {pipeline_mode = #tpu.pipeline_mode<synchronous>, transform_indices = @transform_4, window_bounds = array<i64: 128, 128>}, {transform_indices = @transform_5, window_bounds = array<i64: 2000, 2>}, {transform_indices = @transform_6, window_bounds = array<i64: 2000, 128>}]} {
    %get3A = arith.constant 0 : index
    %get3A_0 = memref.load %arg2[%get3A] : memref<2xf32, #tpu.memory_space<smem>>
    %div3A = arith.constant 1.280000e+06 : f32
    %div3A_1 = arith.divf %get3A_0, %div3A : f32
    %get3A_2 = arith.constant 1 : index
    %get3A_3 = memref.load %arg2[%get3A_2] : memref<2xf32, #tpu.memory_space<smem>>
    %div3A_4 = arith.constant 1.280000e+06 : f32
    %div3A_5 = arith.divf %get3A_3, %div3A_4 : f32
    %mul3A = arith.mulf %div3A_1, %div3A_1 : f32
    %sub3A = arith.subf %div3A_5, %mul3A : f32
    %add3A = arith.constant 9.99999974E-6 : f32
    %add3A_6 = arith.addf %sub3A, %add3A : f32
    %rsqrt3A = math.rsqrt %add3A_6 : f32
    %get3A_7 = arith.constant 0 : index
    %get3A_8 = arith.constant 0 : index
    %get3A_9 = vector.load %arg3[%get3A_7, %get3A_8] : memref<1x128xf32, #tpu.memory_space<vmem>>, vector<1x128xf32>
    %get3A_10 = arith.constant 0 : index
    %get3A_11 = arith.constant 0 : index
    %get3A_12 = vector.load %arg1[%get3A_10, %get3A_11] : memref<2000x128xf32, #tpu.memory_space<vmem>>, vector<2000x128xf32>
    %sub3A_13 = vector.broadcast %div3A_1 : f32 to vector<2000x128xf32>
    %sub3A_14 = arith.subf %get3A_12, %sub3A_13 : vector<2000x128xf32>
    %mul3A_15 = vector.broadcast %rsqrt3A : f32 to vector<2000x128xf32>
    %mul3A_16 = arith.mulf %sub3A_14, %mul3A_15 : vector<2000x128xf32>
    %mul3A_17 = vector.broadcast %get3A_9 : vector<1x128xf32> to vector<2000x128xf32>
    %mul3A_18 = arith.mulf %mul3A_17, %mul3A_16 : vector<2000x128xf32>
    %get3A_19 = arith.constant 0 : index
    %get3A_20 = arith.constant 0 : index
    %get3A_21 = vector.load %arg4[%get3A_19, %get3A_20] : memref<1x128xf32, #tpu.memory_space<vmem>>, vector<1x128xf32>
    %add3A_22 = vector.broadcast %get3A_21 : vector<1x128xf32> to vector<2000x128xf32>
    %add3A_23 = arith.addf %mul3A_18, %add3A_22 : vector<2000x128xf32>
    %ge3A = arith.constant 0.000000e+00 : f32
    %ge3A_24 = vector.broadcast %ge3A : f32 to vector<2000x128xf32>
    %ge3A_25 = arith.cmpf oge, %add3A_23, %ge3A_24 : vector<2000x128xf32>
    %mul3A_26 = arith.constant 0.00999999977 : f32
    %mul3A_27 = vector.broadcast %mul3A_26 : f32 to vector<2000x128xf32>
    %mul3A_28 = arith.mulf %mul3A_27, %add3A_23 : vector<2000x128xf32>
    %select_n3A = arith.select %ge3A_25, %add3A_23, %mul3A_28 : vector<2000x128xi1>, vector<2000x128xf32>
    %get3A_29 = arith.constant 0 : index
    %get3A_30 = arith.constant 0 : index
    %get3A_31 = vector.load %arg6[%get3A_29, %get3A_30] : memref<2000x2xf32, #tpu.memory_space<vmem>>, vector<2000x1xf32>
    %get3A_32 = arith.constant 0 : index
    %get3A_33 = arith.constant 1 : index
    %get3A_34 = vector.load %arg6[%get3A_32, %get3A_33] : memref<2000x2xf32, #tpu.memory_space<vmem>>, vector<2000x1xf32>
    %add3A_35 = arith.addf %get3A_31, %get3A_34 : vector<2000x1xf32>
    %add3A_36 = arith.constant 1.000000e+00 : f32
    %add3A_37 = vector.broadcast %add3A_36 : f32 to vector<2000x1xf32>
    %add3A_38 = arith.addf %add3A_35, %add3A_37 : vector<2000x1xf32>
    %rsqrt3A_39 = math.rsqrt %add3A_38 : vector<2000x1xf32>
    %get3A_40 = arith.constant 0 : index
    %get3A_41 = arith.constant 0 : index
    %get3A_42 = vector.load %arg5[%get3A_40, %get3A_41] : memref<128x128xf32, #tpu.memory_space<vmem>>, vector<128x128xf32>
    %dot_general3A = arith.constant dense<0.000000e+00> : vector<2000x128xf32>
    %dot_general3A_43 = tpu.matmul %select_n3A, %get3A_42, %dot_general3A {dimension_numbers = #tpu.dot_dimension_numbers<[1], [0], [0], [1], [0, 0, 1, 1], [], []>, transpose_lhs_hint = false} : vector<2000x128xf32>, vector<128x128xf32>, vector<2000x128xf32> -> vector<2000x128xf32>
    %mul3A_44 = vector.broadcast %rsqrt3A_39 : vector<2000x1xf32> to vector<2000x128xf32>
    %mul3A_45 = arith.mulf %mul3A_44, %dot_general3A_43 : vector<2000x128xf32>
    %swap3A = arith.constant 0 : index
    %swap3A_46 = arith.constant 0 : index
    %swap3A_47 = vector.load %arg7[%swap3A, %swap3A_46] : memref<2000x128xf32, #tpu.memory_space<vmem>>, vector<2000x128xf32>
    tpu.vector_store %arg7[%swap3A, %swap3A_46], %mul3A_45 {strides = array<i32>} : memref<2000x128xf32, #tpu.memory_space<vmem>>, vector<2000x128xf32>,
    return
  }
  func.func @transform_0(%arg0: i32) -> (i32, i32) {
    %c0_i32 = arith.constant 0 : i32
    %c0_i32_0 = arith.constant 0 : i32
    return %arg0, %c0_i32 : i32, i32
  }
  func.func @transform_1(%arg0: i32) -> i32 {
    %c0_i32 = arith.constant 0 : i32
    %c0_i32_0 = arith.constant 0 : i32
    return %c0_i32 : i32
  }
  func.func @transform_2(%arg0: i32) -> (i32, i32) {
    %c0_i32 = arith.constant 0 : i32
    %c0_i32_0 = arith.constant 0 : i32
    %c0_i32_1 = arith.constant 0 : i32
    return %c0_i32, %c0_i32_0 : i32, i32
  }
  func.func @transform_3(%arg0: i32) -> (i32, i32) {
    %c0_i32 = arith.constant 0 : i32
    %c0_i32_0 = arith.constant 0 : i32
    %c0_i32_1 = arith.constant 0 : i32
    return %c0_i32, %c0_i32_0 : i32, i32
  }
  func.func @transform_4(%arg0: i32) -> (i32, i32) {
    %c0_i32 = arith.constant 0 : i32
    %c0_i32_0 = arith.constant 0 : i32
    %c0_i32_1 = arith.constant 0 : i32
    return %c0_i32, %c0_i32_0 : i32, i32
  }
  func.func @transform_5(%arg0: i32) -> (i32, i32) {
    %c0_i32 = arith.constant 0 : i32
    %c0_i32_0 = arith.constant 0 : i32
    return %arg0, %c0_i32 : i32, i32
  }
  func.func @transform_6(%arg0: i32) -> (i32, i32) {
    %c0_i32 = arith.constant 0 : i32
    %c0_i32_0 = arith.constant 0 : i32
    return %arg0, %c0_i32 : i32, i32
  }
}

module attributes {stable_mosaic.version = 14 : i64} {
  func.func @body(%arg0: i32, %arg1: memref<2000x128xf32, #tpu.memory_space<vmem>>, %arg2: memref<2xf32, #tpu.memory_space<smem>>, %arg3: memref<1x128xf32, #tpu.memory_space<vmem>>, %arg4: memref<1x128xf32, #tpu.memory_space<vmem>>, %arg5: memref<2000x1xi32, #tpu.memory_space<vmem>>, %arg6: memref<64x128xf32, #tpu.memory_space<vmem>>, %arg7: memref<64x128xf32, #tpu.memory_space<vmem>>, %arg8: memref<64x128xf32, #tpu.memory_space<vmem>>) attributes {dimension_semantics = [#tpu.dimension_semantics<arbitrary>], iteration_bounds = array<i64: 5>, scalar_prefetch = 0 : i64, scratch_operands = 2 : i64, tpu.core_type = #tpu.core_type<tc>, window_params = [{transform_indices = @transform_0, window_bounds = array<i64: 2000, 128>}, {transform_indices = @transform_1, window_bounds = array<i64: 2>}, {pipeline_mode = #tpu.pipeline_mode<synchronous>, transform_indices = @transform_2, window_bounds = array<i64: 1, 128>}, {pipeline_mode = #tpu.pipeline_mode<synchronous>, transform_indices = @transform_3, window_bounds = array<i64: 1, 128>}, {transform_indices = @transform_4, window_bounds = array<i64: 2000, 1>}, {pipeline_mode = #tpu.pipeline_mode<synchronous>, transform_indices = @transform_5, window_bounds = array<i64: 64, 128>}]} {
    %eq3A = arith.constant 0 : i32
    %eq3A_0 = arith.cmpi eq, %arg0, %eq3A : i32
    %convert_element_type3A = arith.extui %eq3A_0 : i1 to i32
    %cond3A = arith.constant 0 : i32
    %cond3A_1 = arith.cmpi ne, %convert_element_type3A, %cond3A : i32
    scf.if %cond3A_1 {
      %broadcast_in_dim3A_60 = arith.constant 0.000000e+00 : f32
      %broadcast_in_dim3A_61 = vector.broadcast %broadcast_in_dim3A_60 : f32 to vector<64x128xf32>
      %swap3A_62 = arith.constant 0 : index
      %swap3A_63 = arith.constant 0 : index
      %swap3A_64 = vector.load %arg7[%swap3A_62, %swap3A_63] : memref<64x128xf32, #tpu.memory_space<vmem>>, vector<64x128xf32>
      tpu.vector_store %arg7[%swap3A_62, %swap3A_63], %broadcast_in_dim3A_61 {strides = array<i32>} : memref<64x128xf32, #tpu.memory_space<vmem>>, vector<64x128xf32>,
      %broadcast_in_dim3A_65 = arith.constant 0.000000e+00 : f32
      %broadcast_in_dim3A_66 = vector.broadcast %broadcast_in_dim3A_65 : f32 to vector<64x128xf32>
      %swap3A_67 = arith.constant 0 : index
      %swap3A_68 = arith.constant 0 : index
      %swap3A_69 = vector.load %arg8[%swap3A_67, %swap3A_68] : memref<64x128xf32, #tpu.memory_space<vmem>>, vector<64x128xf32>
      tpu.vector_store %arg8[%swap3A_67, %swap3A_68], %broadcast_in_dim3A_66 {strides = array<i32>} : memref<64x128xf32, #tpu.memory_space<vmem>>, vector<64x128xf32>,
    } else {
    }
    %get3A = arith.constant 0 : index
    %get3A_2 = memref.load %arg2[%get3A] : memref<2xf32, #tpu.memory_space<smem>>
    %div3A = arith.constant 1.280000e+06 : f32
    %div3A_3 = arith.divf %get3A_2, %div3A : f32
    %get3A_4 = arith.constant 1 : index
    %get3A_5 = memref.load %arg2[%get3A_4] : memref<2xf32, #tpu.memory_space<smem>>
    %div3A_6 = arith.constant 1.280000e+06 : f32
    %div3A_7 = arith.divf %get3A_5, %div3A_6 : f32
    %mul3A = arith.mulf %div3A_3, %div3A_3 : f32
    %sub3A = arith.subf %div3A_7, %mul3A : f32
    %add3A = arith.constant 9.99999974E-6 : f32
    %add3A_8 = arith.addf %sub3A, %add3A : f32
    %rsqrt3A = math.rsqrt %add3A_8 : f32
    %get3A_9 = arith.constant 0 : index
    %get3A_10 = arith.constant 0 : index
    %get3A_11 = vector.load %arg3[%get3A_9, %get3A_10] : memref<1x128xf32, #tpu.memory_space<vmem>>, vector<1x128xf32>
    %get3A_12 = arith.constant 0 : index
    %get3A_13 = arith.constant 0 : index
    %get3A_14 = vector.load %arg1[%get3A_12, %get3A_13] : memref<2000x128xf32, #tpu.memory_space<vmem>>, vector<2000x128xf32>
    %sub3A_15 = vector.broadcast %div3A_3 : f32 to vector<2000x128xf32>
    %sub3A_16 = arith.subf %get3A_14, %sub3A_15 : vector<2000x128xf32>
    %mul3A_17 = vector.broadcast %rsqrt3A : f32 to vector<2000x128xf32>
    %mul3A_18 = arith.mulf %sub3A_16, %mul3A_17 : vector<2000x128xf32>
    %mul3A_19 = vector.broadcast %get3A_11 : vector<1x128xf32> to vector<2000x128xf32>
    %mul3A_20 = arith.mulf %mul3A_19, %mul3A_18 : vector<2000x128xf32>
    %get3A_21 = arith.constant 0 : index
    %get3A_22 = arith.constant 0 : index
    %get3A_23 = vector.load %arg4[%get3A_21, %get3A_22] : memref<1x128xf32, #tpu.memory_space<vmem>>, vector<1x128xf32>
    %add3A_24 = vector.broadcast %get3A_23 : vector<1x128xf32> to vector<2000x128xf32>
    %add3A_25 = arith.addf %mul3A_20, %add3A_24 : vector<2000x128xf32>
    %ge3A = arith.constant 0.000000e+00 : f32
    %ge3A_26 = vector.broadcast %ge3A : f32 to vector<2000x128xf32>
    %ge3A_27 = arith.cmpf oge, %add3A_25, %ge3A_26 : vector<2000x128xf32>
    %mul3A_28 = arith.constant 0.00999999977 : f32
    %mul3A_29 = vector.broadcast %mul3A_28 : f32 to vector<2000x128xf32>
    %mul3A_30 = arith.mulf %mul3A_29, %add3A_25 : vector<2000x128xf32>
    %select_n3A = arith.select %ge3A_27, %add3A_25, %mul3A_30 : vector<2000x128xi1>, vector<2000x128xf32>
    %get3A_31 = arith.constant 0 : index
    %get3A_32 = arith.constant 0 : index
    %get3A_33 = vector.load %arg5[%get3A_31, %get3A_32] : memref<2000x1xi32, #tpu.memory_space<vmem>>, vector<2000x1xi32>
    %iota3A = tpu.iota {dimensions = array<i32: 1>} : vector<2000x64xi32>
    %eq3A_34 = vector.broadcast %get3A_33 : vector<2000x1xi32> to vector<2000x64xi32>
    %eq3A_35 = arith.cmpi eq, %eq3A_34, %iota3A : vector<2000x64xi32>
    %convert_element_type3A_36 = arith.extui %eq3A_35 : vector<2000x64xi1> to vector<2000x64xi32>
    %convert_element_type3A_37 = arith.sitofp %convert_element_type3A_36 : vector<2000x64xi32> to vector<2000x64xf32>
    %get3A_38 = arith.constant 0 : index
    %get3A_39 = arith.constant 0 : index
    %get3A_40 = vector.load %arg7[%get3A_38, %get3A_39] : memref<64x128xf32, #tpu.memory_space<vmem>>, vector<64x128xf32>
    %dot_general3A = arith.constant dense<0.000000e+00> : vector<64x128xf32>
    %dot_general3A_41 = tpu.matmul %convert_element_type3A_37, %select_n3A, %dot_general3A {dimension_numbers = #tpu.dot_dimension_numbers<[0], [0], [1], [1], [0, 1, 1, 1], [], []>, transpose_lhs_hint = false} : vector<2000x64xf32>, vector<2000x128xf32>, vector<64x128xf32> -> vector<64x128xf32>
    %add3A_42 = arith.addf %get3A_40, %dot_general3A_41 : vector<64x128xf32>
    %swap3A = arith.constant 0 : index
    %swap3A_43 = arith.constant 0 : index
    %swap3A_44 = vector.load %arg7[%swap3A, %swap3A_43] : memref<64x128xf32, #tpu.memory_space<vmem>>, vector<64x128xf32>
    tpu.vector_store %arg7[%swap3A, %swap3A_43], %add3A_42 {strides = array<i32>} : memref<64x128xf32, #tpu.memory_space<vmem>>, vector<64x128xf32>,
    %get3A_45 = arith.constant 0 : index
    %get3A_46 = arith.constant 0 : index
    %get3A_47 = vector.load %arg8[%get3A_45, %get3A_46] : memref<64x128xf32, #tpu.memory_space<vmem>>, vector<64x128xf32>
    %broadcast_in_dim3A = arith.constant 1.000000e+00 : f32
    %broadcast_in_dim3A_48 = vector.broadcast %broadcast_in_dim3A : f32 to vector<2000x128xf32>
    %dot_general3A_49 = arith.constant dense<0.000000e+00> : vector<64x128xf32>
    %dot_general3A_50 = tpu.matmul %convert_element_type3A_37, %broadcast_in_dim3A_48, %dot_general3A_49 {dimension_numbers = #tpu.dot_dimension_numbers<[0], [0], [1], [1], [0, 1, 1, 1], [], []>, transpose_lhs_hint = false} : vector<2000x64xf32>, vector<2000x128xf32>, vector<64x128xf32> -> vector<64x128xf32>
    %add3A_51 = arith.addf %get3A_47, %dot_general3A_50 : vector<64x128xf32>
    %swap3A_52 = arith.constant 0 : index
    %swap3A_53 = arith.constant 0 : index
    %swap3A_54 = vector.load %arg8[%swap3A_52, %swap3A_53] : memref<64x128xf32, #tpu.memory_space<vmem>>, vector<64x128xf32>
    tpu.vector_store %arg8[%swap3A_52, %swap3A_53], %add3A_51 {strides = array<i32>} : memref<64x128xf32, #tpu.memory_space<vmem>>, vector<64x128xf32>,
    %eq3A_55 = arith.constant 4 : i32
    %eq3A_56 = arith.cmpi eq, %arg0, %eq3A_55 : i32
    %convert_element_type3A_57 = arith.extui %eq3A_56 : i1 to i32
    %cond3A_58 = arith.constant 0 : i32
    %cond3A_59 = arith.cmpi ne, %convert_element_type3A_57, %cond3A_58 : i32
    scf.if %cond3A_59 {
      %get3A_60 = arith.constant 0 : index
      %get3A_61 = arith.constant 0 : index
      %get3A_62 = vector.load %arg7[%get3A_60, %get3A_61] : memref<64x128xf32, #tpu.memory_space<vmem>>, vector<64x128xf32>
      %get3A_63 = arith.constant 0 : index
      %get3A_64 = arith.constant 0 : index
      %get3A_65 = vector.load %arg8[%get3A_63, %get3A_64] : memref<64x128xf32, #tpu.memory_space<vmem>>, vector<64x128xf32>
      %jit3A = arith.constant 1.000000e+00 : f32
      %max3A = vector.broadcast %jit3A : f32 to vector<64x128xf32>
      %max3A_66 = arith.maximumf %max3A, %get3A_65 : vector<64x128xf32>
      %div3A_67 = arith.divf %get3A_62, %max3A_66 : vector<64x128xf32>
      %swap3A_68 = arith.constant 0 : index
      %swap3A_69 = arith.constant 0 : index
      %swap3A_70 = vector.load %arg6[%swap3A_68, %swap3A_69] : memref<64x128xf32, #tpu.memory_space<vmem>>, vector<64x128xf32>
      tpu.vector_store %arg6[%swap3A_68, %swap3A_69], %div3A_67 {strides = array<i32>} : memref<64x128xf32, #tpu.memory_space<vmem>>, vector<64x128xf32>,
    } else {
    }
    return
  }
  func.func @transform_0(%arg0: i32) -> (i32, i32) {
    %c0_i32 = arith.constant 0 : i32
    %c0_i32_0 = arith.constant 0 : i32
    return %arg0, %c0_i32 : i32, i32
  }
  func.func @transform_1(%arg0: i32) -> i32 {
    %c0_i32 = arith.constant 0 : i32
    %c0_i32_0 = arith.constant 0 : i32
    return %c0_i32 : i32
  }
  func.func @transform_2(%arg0: i32) -> (i32, i32) {
    %c0_i32 = arith.constant 0 : i32
    %c0_i32_0 = arith.constant 0 : i32
    %c0_i32_1 = arith.constant 0 : i32
    return %c0_i32, %c0_i32_0 : i32, i32
  }
  func.func @transform_3(%arg0: i32) -> (i32, i32) {
    %c0_i32 = arith.constant 0 : i32
    %c0_i32_0 = arith.constant 0 : i32
    %c0_i32_1 = arith.constant 0 : i32
    return %c0_i32, %c0_i32_0 : i32, i32
  }
  func.func @transform_4(%arg0: i32) -> (i32, i32) {
    %c0_i32 = arith.constant 0 : i32
    %c0_i32_0 = arith.constant 0 : i32
    return %arg0, %c0_i32 : i32, i32
  }
  func.func @transform_5(%arg0: i32) -> (i32, i32) {
    %c0_i32 = arith.constant 0 : i32
    %c0_i32_0 = arith.constant 0 : i32
    %c0_i32_1 = arith.constant 0 : i32
    return %c0_i32, %c0_i32_0 : i32, i32
  }
}

</mosaic_0001>

<sc_bundles>
// kernel: kernel.10.cloned.1.call-start
scs
__scs_entry_jumppad:
0x0: {  	(pc) =	sbr.rel $0x88, $3  }
0x1: {  	(tag) =	ssettag $0x0;
	lr =	simm.s32 $0x1  }
0x2: {  	[smem:$0x3F96] =	sst lr;
	_ =	strace $0xD0000000  }
0x3: {  	_ = 	snop  }
0x4: {  	_ = 	snop  }
0x5: {  	_ = 	snop  }
0x6: {  	_ = 	snop  }
0x7: {  	_ = 	snop  }
__scs_overlays_trampoline_lowered:
0x8: {  	[smem:$0x3FA5] =	sst s0  }
0x9: {  	[smem:$0x3FA6] =	sst s1  }
0xa: {  	[smem:$0x3FA7] =	sst s2  }
0xb: {  	[smem:$0x3FA8] =	sst s3  }
0xc: {  	[smem:$0x3FA9] =	sst s4  }
0xd: {  	[smem:$0x3FAA] =	sst s5  }
0xe: {  	[smem:$0x3FAB] =	sst s6  }
0xf: {  	[smem:$0x3FAC] =	sst s7  }
0x10: {  	[smem:$0x3FAD] =	sst s8  }
0x11: {  	[smem:$0x3FAE] =	sst s9;
	s0 =	simm.s32 @!p0 $0x0  }
0x12: {  	s1 =	sld [smem:$0x3F94];
	s0 =	simm.s32 @p0 $0x1  }
0x13: {  	[smem:$0x3FAF] =	sst s0;
	s0 =	simm.s32 @!p1 $0x0  }
0x14: {  	s2 =	sld [smem:$0x3F93];
	s0 =	simm.s32 @p1 $0x1  }
0x15: {  	[smem:$0x3FB0] =	sst s0;
	s0 =	simm.s32 @!p2 $0x0  }
0x16: {  	s3 =	sld [smem:$0x3FDB];
	s0 =	simm.s32 @p2 $0x1  }
0x17: {  	s4 =	simm.s32 $0x1BF5;
	[smem:$0x3FB2] =	sst s0  }
0x18: {  	s0 =	sld [smem:$0x3F95];
	_ =	swait.ge [sflag:s4], $0x0  }
0x19: {  	s7 =	sld [smem:$0x3F96]  }
0x1a: {  	s8 =	sadd.s32 $0xFFFFE003, lr  }
0x1b: {  	s9 =	sadd.s32 $0xFFFFFEF7, lr;
	s5 =	simm.s32 $0xFFFFFFFF;
	p2 =	slt.u32 s8, $0xFFFFF086  }
0x1c: {  	p1 =	slt.u32 s9, $0xF7A;
	s5 =	simm.s32 @!p2 $0x0  }
0x1d: {  	s5 =	simm.s32 @p1 $0x1;
	p0 =	seq.s32 s7, s2  }
0x1e: {  	s7 =	smul.u32 @!p0 $0xF7A, s2;
	p2 =	seq.s32 @!p0 s5, $0x0  }
0x1f: {  	s9 =	smul.u32 $0xF7A, s1;
	s8 =	simm.s32 @!p0 $0x1BF5;
	p2 =	por !p2, p0  }
0x20: {  	[sflag:s8] =	ssyncset.s32 @!p0 $0xFFFFF086;
	s6 =	sadd.s32 @!p0 s3, s7;
	s7 =	simm.s32 @!p0 $0x108  }
0x21: {  	s3 =	sadd.s32 s3, s9;
	s6 =	sadd.s32 @!p0 $0x88, s6;
	s7 =	simm.s32 @p2 $0x1082  }
0x22: {  	[simem:s7], [sflag:s8] =	dma.local @!p0 [hbm:s6], $0xF7A  }
0x23: {  	s9 =	sor.u32 $0xD0000000, s2;
	s6 =	simm.s32 $0x108;
	_ =	swait.ge @!p0 [sflag:s8], $0x0  }
0x24: {  	s3 =	sadd.s32 $0x88, s3;
	s6 =	simm.s32 @!p1 $0x1082;
	[sflag:s4] =	ssyncset.s32 $0xFFFFF086  }
0x25: {  	[simem:s6], [sflag:s4] =	dma.local [hbm:s3], $0xF7A  }
0x26: {  	[smem:$0x3F96] =	sst s1;
	(tag) =	ssettag s2;
	_ =	strace s9  }
0x27: {  	s1 =	sld [smem:$0x3FA6]  }
0x28: {  	s2 =	sld [smem:$0x3FA7]  }
0x29: {  	s4 =	sld [smem:$0x3FA9]  }
0x2a: {  	p0 =	seq.s32 s5, $0x0;
	s5 =	sld [smem:$0x3FAA]  }
0x2b: {  	s6 =	sld [smem:$0x3FAB]  }
0x2c: {  	s7 =	sld [smem:$0x3FAC]  }
0x2d: {  	s3 =	simm.s32 $0x108;
	s8 =	sld [smem:$0x3FAD]  }
0x2e: {  	s3 =	simm.s32 @!p0 $0x1082;
	s9 =	sld [smem:$0x3FAE]  }
0x2f: {  	lr =	sadd.s32 s0, s3;
	s0 =	sld [smem:$0x3FA5]  }
0x30: {  	s3 =	sld [smem:$0x3FA8]  }
0x31: {  	[smem:$0x3FB1] =	sst s10  }
0x32: {  	s10 =	sld [smem:$0x3FAF];
	_ =	sdelay $0x3  }
0x33: {  	p0 =	seq.s32 s10, $0x1;
	s10 =	sld [smem:$0x3FB1];
	_ =	sdelay $0x3  }
0x34: {  	[smem:$0x3FB1] =	sst s10  }
0x35: {  	s10 =	sld [smem:$0x3FB0];
	_ =	sdelay $0x3  }
0x36: {  	p1 =	seq.s32 s10, $0x1;
	s10 =	sld [smem:$0x3FB1];
	_ =	sdelay $0x3  }
0x37: {  	[smem:$0x3FB1] =	sst s10  }
0x38: {  	s10 =	sld [smem:$0x3FB2]  }
0x39: {  	_ = 	snop;
	(pc) =	sbr.ind lr, $3  }
0x3a: {  	_ = 	snop  }
0x3b: {  	_ = 	snop  }
0x3c: {  	p2 =	seq.s32 s10, $0x1;
	s10 =	sld [smem:$0x3FB1]  }
0x3d: {  	_ =	shalt  }
0x3e: {  	_ =	shalt  }
0x3f: {  	_ =	shalt  }
0x40: {  	_ =	shalt  }
0x41: {  	_ =	shalt  }
0x42: {  	_ =	shalt  }
0x43: {  	_ =	shalt  }
0x44: {  	_ =	shalt  }
0x45: {  	_ =	shalt  }
0x46: {  	_ =	shalt  }
0x47: {  	_ =	shalt  }
0x48: {  	_ =	shalt  }
0x49: {  	_ =	shalt  }
0x4a: {  	_ =	shalt  }
0x4b: {  	_ =	shalt  }
0x4c: {  	_ =	shalt  }
0x4d: {  	_ =	shalt  }
0x4e: {  	_ =	shalt  }
0x4f: {  	_ =	shalt  }
0x50: {  	_ =	shalt  }
0x51: {  	_ =	shalt  }
0x52: {  	_ =	shalt  }
0x53: {  	_ =	shalt  }
0x54: {  	_ =	shalt  }
0x55: {  	_ =	shalt  }
0x56: {  	_ =	shalt  }
0x57: {  	_ =	shalt  }
0x58: {  	_ =	shalt  }
0x59: {  	_ =	shalt  }
0x5a: {  	_ =	shalt  }
0x5b: {  	_ =	shalt  }
0x5c: {  	_ =	shalt  }
0x5d: {  	_ =	shalt  }
0x5e: {  	_ =	shalt  }
0x5f: {  	_ =	shalt  }
0x60: {  	_ =	shalt  }
0x61: {  	_ =	shalt  }
0x62: {  	_ =	shalt  }
0x63: {  	_ =	shalt  }
0x64: {  	_ =	shalt  }
0x65: {  	_ =	shalt  }
0x66: {  	_ =	shalt  }
0x67: {  	_ =	shalt  }
0x68: {  	_ =	shalt  }
0x69: {  	_ =	shalt  }
0x6a: {  	_ =	shalt  }
0x6b: {  	_ =	shalt  }
0x6c: {  	_ =	shalt  }
0x6d: {  	_ =	shalt  }
0x6e: {  	_ =	shalt  }
0x6f: {  	_ =	shalt  }
0x70: {  	_ =	shalt  }
0x71: {  	_ =	shalt  }
0x72: {  	_ =	shalt  }
0x73: {  	_ =	shalt  }
0x74: {  	_ =	shalt  }
0x75: {  	_ =	shalt  }
0x76: {  	_ =	shalt  }
0x77: {  	_ =	shalt  }
0x78: {  	_ =	shalt  }
0x79: {  	_ =	shalt  }
0x7a: {  	_ =	shalt  }
0x7b: {  	_ =	shalt  }
0x7c: {  	_ =	shalt  }
0x7d: {  	_ =	shalt  }
0x7e: {  	_ =	shalt  }
0x7f: {  	_ =	shalt  }
0x80: {  	_ =	shalt  }
0x81: {  	_ =	shalt  }
0x82: {  	_ =	shalt  }
0x83: {  	_ =	shalt  }
0x84: {  	_ =	shalt  }
0x85: {  	_ =	shalt  }
0x86: {  	_ =	shalt  }
0x87: {  	_ =	shalt  }
.Lfunc_end0:
.L_simem_size_0:
called_computation_lowered:
.L_overlay_start_0:
0x88: {  	s2 =	sld [smem:$0x3FD9]  }
0x89: {  	s3 =	sld [smem:$0x3FFE];
	_ =	sdelay $0x1  }
0x8a: {  	s1 =	srdreg.scid  }
0x8b: {  	s0 =	sand.u32 $0x1, s1  }
0x8c: {  	s16 =	sshll.u32 s0, $0xA;
	s2 =	sadd.s32 s3, s2  }
0x8d: {  	s2 =	sadd.s32 s2, s16  }
0x8e: {  	[smem:$0x3FBD] =	sst s2  }
0x8f: {  	_ = 	snop  }
0x90: {  	(tm) =	ssettm $0x1  }
0x91: {  	s17 =	sld [smem:$0x3FFB];
	_ =	sdelay $0x3  }
0x92: {  	_ =	strace s17  }
0x93: {  	s2 =	sld [smem:$0x3FFC];
	_ =	sdelay $0x3  }
0x94: {  	_ =	strace s2  }
0x95: {  	s2 =	sld [smem:$0x3FFD];
	_ =	sdelay $0x3  }
0x96: {  	_ =	strace s2  }
0x97: {  	_ =	strace $0x8FFFFFFF  }
0x98: {  	s18 =	sld [smem:$0x3FDB];
	_ =	sdelay $0x1  }
0x99: {  	s19 =	simm.s32 $_scs_section_size  }
0x9a: {  	s4 =	simm.s32 $_size__tile_overlayer_lowered;
	s5 =	simm.s32 $_tile_overlayer_lowered  }
0x9b: {  	s22 =	simm.s32 $0x1BFF;
	s21 =	sshll.u32 s5, $0x1;
	s2 =	sadd.s32 s19, s18  }
0x9c: {  	s6 =	simm.s32 $0x0;
	s20 =	sshll.u32 s4, $0x1;
	s4 =	sadd.s32 s21, s2  }
0x9d: {  	[timem:s6], [sflag:s22] =	dma.local [hbm:s4], s20  }
0x9e: {  	_ =	swait.ge [sflag:s22], s20  }
0x9f: {  	s3 =	ssub.s32 $0x0, s20;
	[sflag:s22] =	ssyncset.done $0x0  }
0xa0: {  	[sflag:s22] =	ssyncadd.s32 s3;
	_ =	sdelay $0x1  }
0xa1: {  	s23 =	simm.s32 $0x1B8B  }
0xa2: {  	_ =	swait.ge [sflag:s23], $0x1  }
0xa3: {  	[sflag:s23] =	ssyncset.done $0x0  }
0xa4: {  	s25 =	simm.s32 $0x1B8E;
	s24 =	sld [smem:$0x3FFE];
	[sflag:s23] =	ssyncadd.s32 $0xFFFFFFFF  }
0xa5: {  	s26 =	simm.s32 $execute0_lowered;
	[smem:$0x3FD2] =	sst s25  }
0xa6: {  	s4 =	sshll.u32 s26, $0x1;
	_ =	strace $0x80000046;
	[dreg:$0x1] =	wrdreg $0xFFFFFFFF  }
0xa7: {  	s28 =	simm.s32 $_size_execute0_lowered;
	s2 =	sadd.s32 s2, s4;
	[dreg:$0x0] =	wrdreg $0x0  }
0xa8: {  	s4 =	sshll.u32 s28, $0x1;
	[dreg:$0x2] =	wrdreg s2  }
0xa9: {  	[dreg:$0x3] =	wrdreg s4  }
0xaa: {  	[dreg:$0x4] =	wrdreg $0xC0  }
0xab: {  	_ =	task [dreg:s6], $0x5FFFF  }
0xac: {  	[dreg:$0x1] =	wrdreg $0xFFFFFFFF  }
0xad: {  	[dreg:$0x0] =	wrdreg $0x60  }
0xae: {  	[dreg:$0x2] =	wrdreg s24  }
0xaf: {  	[dreg:$0x3] =	wrdreg $0x43000  }
0xb0: {  	[dreg:$0x4] =	wrdreg $0x9  }
0xb1: {  	_ =	task.clear_ibuf [dreg:s6], $0x5FFFF;
	_ =	strace $0x90000046  }
0xb2: {  	s29 =	simm.s32 $0x9;
	_ =	strace $0x80000048  }
0xb3: {  	_ =	swait.ge [sflag:s29], $0x1  }
0xb4: {  	[sflag:s29] =	ssyncadd.s32 $0xFFFFFFFF  }
0xb5: {  	_ =	strace $0x90000048  }
0xb6: {  	_ =	sfence  }
0xb7: {  	s30 =	sld [smem:$0x0];
	_ =	sdelay $0x2  }
0xb8: {  	s31 =	sshll.u32 s1, $0xD;
	s1 =	sshrl.u32 s1, $0x2  }
0xb9: {  	s3 =	sand.u32 $0x4000, s31;
	s1 =	sadd.s32 s1, s30  }
0xba: {  	s0 =	sor.u32 s3, s0;
	s1 =	sshll.u32 s1, $0x11  }
0xbb: {  	s0 =	sor.u32 s1, s0  }
0xbc: {  	s0 =	sadd.s32 $0x8F2B, s0  }
0xbd: {  	[sflag:s0] =	ssyncadd.remote.s32 $0x1  }
0xbe: {  	_ =	sfence.sel $0xFFFF  }
0xbf: {  	[dreg:$0x0] =	wrdreg $0xFFFFFFFF;
	(pc) =	sbr.abs _section_cstart, $3  }
0xc0: {  	[dreg:$0x1] =	wrdreg $0xFFFFFFFF  }
0xc1: {  	_ =	task.clear_ibuf [dreg:s6], $0x2FFFF;
	_ =	strace $0x9FFFFFFF  }
0xc2: {  	(tm) =	ssettm $0x7FFFFFFF  }
0xc3: {  	_ =	shalt  }
tec
execute0_lowered:
.L_overlay_start_1:
0x0: {  	(tag) =	ssettag $0x1  }
0x1: {  	s4 =	rddreg [dreg:$0x0]  }
0x2: {  	s2 =	rddreg [dreg:$0x1]  }
0x3: {  	s0 =	rddreg [dreg:$0x2]  }
0x4: {  	s1 =	stileid.u32;
	s5 =	srdreg.scid  }
0x5: {  	s3 =	simm.s32 $0x0;
	s10 =	simm.s32 $0x50;
	s11 =	simm.s32 $0x4000  }
0x6: {  	s12 =	simm.s32 $0x1;
	s15 =	simm.s32 $0x20;
	s16 =	simm.s32 $0x10  }
0x7: {  	s17 =	simm.s32 $0x0;
	s5 =	sand.u32 $0x1, s5;
	s6 =	smul.u32 $0x500, s1  }
0x8: {  	[smem:$0x7FF] =	sst s3;
	s7 =	sshll.u32 s1, $0xB;
	s9 =	smul.u32 $0xA00, s1  }
0x9: {  	s13 =	sshll.u32 s1, $0x6;
	s8 =	sshll.u32 s5, $0x7;
	_ =	strace $0x80000047  }
0xa: {  	s7 =	sadd.s32 s7, s4;
	s29 =	ssub.s32 $0x2, s5;
	s5 =	sshll.u32 s5, $0xF  }
0xb: {  	s13 =	sor.u32 $0x1C02, s13;
	s6 =	sor.u32 s8, s6;
	s30 =	sshrl.u32 s29, $0x1  }
0xc: {  	s31 =	sshrl.u32 s9, $0x2;
	s5 =	sadd.s32 s5, s7;
	s9 =	simm.s32 $0x2  }
0xd: {  	s6 =	sshrl.u32 s6, $0x3;
	s8 =	ssub.s32 s29, s30;
	s5 =	sadd.s32 $0x2A00, s5  }
0xe: {  	s6 =	sadd.s32 s6, s4;
	s4 =	sadd.s32 s31, s2;
	s7 =	smax.u32 s8, $0x1  }
0xf: {  	v0 =	vimm.f32 $1.000000000e+00;
	v1 =	vimm.f32 $0.0e+00;
	s8 =	simm.s32 $0x4080;
	s6 =	sadd.s32 $0x12A00, s6;
	s14 =	sshrl.u32 s4, $0x3  }
.LBB2_1:
0x10: {  	[tilespmem:$0x4000] =	vst v0  }
0x11: {  	[tilespmem:$0x4010] =	vst v0  }
0x12: {  	[tilespmem:$0x4020] =	vst v0  }
0x13: {  	[tilespmem:$0x4030] =	vst v0  }
0x14: {  	[tilespmem:$0x4040] =	vst v0  }
0x15: {  	[tilespmem:$0x4080] =	vst v1  }
0x16: {  	[tilespmem:$0x4090] =	vst v1  }
0x17: {  	[tilespmem:$0x40A0] =	vst v1  }
0x18: {  	[tilespmem:$0x40B0] =	vst v1  }
0x19: {  	[tilespmem:$0x40C0] =	vst v1  }
0x1a: {  	[tilespmem:$0x40D0] =	vst v1  }
0x1b: {  	[tilespmem:$0x40E0] =	vst v1  }
0x1c: {  	[tilespmem:$0x40F0] =	vst v1  }
0x1d: {  	[tilespmem:$0x4100] =	vst v1  }
0x1e: {  	[tilespmem:$0x4110] =	vst v1  }
0x1f: {  	[tilespmem:$0x4120] =	vst v1  }
0x20: {  	[tilespmem:$0x4130] =	vst v1  }
0x21: {  	[tilespmem:$0x4140] =	vst v1  }
0x22: {  	[tilespmem:$0x4150] =	vst v1  }
0x23: {  	[tilespmem:$0x4160] =	vst v1  }
0x24: {  	[tilespmem:$0x4170] =	vst v1  }
0x25: {  	[tilespmem:$0x4180] =	vst v1  }
0x26: {  	[tilespmem:$0x4190] =	vst v1  }
0x27: {  	[tilespmem:$0x41A0] =	vst v1  }
0x28: {  	[tilespmem:$0x41B0] =	vst v1  }
0x29: {  	[tilespmem:$0x41C0] =	vst v1  }
0x2a: {  	[tilespmem:$0x41D0] =	vst v1  }
0x2b: {  	[tilespmem:$0x41E0] =	vst v1  }
0x2c: {  	[tilespmem:$0x41F0] =	vst v1  }
0x2d: {  	[tilespmem:$0x4200] =	vst v1  }
0x2e: {  	[tilespmem:$0x4210] =	vst v1  }
0x2f: {  	[tilespmem:$0x4220] =	vst v1  }
0x30: {  	[tilespmem:$0x4230] =	vst v1  }
0x31: {  	[tilespmem:$0x4240] =	vst v1  }
0x32: {  	[tilespmem:$0x4250] =	vst v1  }
0x33: {  	[tilespmem:$0x4260] =	vst v1  }
0x34: {  	[tilespmem:$0x4270] =	vst v1  }
0x35: {  	[tilespmem:$0x4280] =	vst v1  }
0x36: {  	[tilespmem:$0x4290] =	vst v1  }
0x37: {  	[tilespmem:$0x42A0] =	vst v1  }
0x38: {  	[tilespmem:$0x42B0] =	vst v1  }
0x39: {  	[tilespmem:$0x42C0] =	vst v1  }
0x3a: {  	[tilespmem:$0x42D0] =	vst v1  }
0x3b: {  	[tilespmem:$0x42E0] =	vst v1  }
0x3c: {  	[tilespmem:$0x42F0] =	vst v1  }
0x3d: {  	[spmem:s4] =	stream.linear.scatter [tilespmem:s8], [sflag:$0x2], $0x280, $0x38;
	[tilespmem:$0x4580] =	vst v63  }
0x3e: {  	_ =	swait.ge [sflag:s9], $0x280  }
0x3f: {  	[sflag:s9] =	ssyncset.done $0x0  }
0x40: {  	[sflag:s9] =	ssyncadd.s32 $0xFFFFFD80  }
0x41: {  	[tilespmem:s3], [sflag:$0x2] =	stream.linear.gather [hbm4b:s5+s3], $0x4000, $0x38;
	[tilespmem:$0x4580] =	vst v63  }
0x42: {  	_ =	swait.ge [sflag:s9], $0x4000  }
0x43: {  	[sflag:s9] =	ssyncset.done $0x0  }
0x44: {  	[sflag:s9] =	ssyncadd.s32 $0xFFFFC000  }
0x45: {  	s18 =	simm.s32 $0x0;
	[bflag:$0x0] =	sbarrier.arrive $0xFFFF  }
0x46: {  	[spmem:s2] =	stream.indirect.scatter.add.f32 [tilespmem:s11], [sflag:$0x1], $0x1, s18, s10, $0xb8;
	[tilespmem:$0x4580] =	vst v63  }
0x47: {  	s29 =	simm.s32 $0x80  }
0x48: {  	[spmem:s2] =	stream.indirect.scatter.add.f32 [tilespmem:s11], [sflag:$0x1], $0x1, s29, s10, $0xb8;
	[tilespmem:$0x4580] =	vst v63  }
0x49: {  	s30 =	simm.s32 $0x100  }
0x4a: {  	[spmem:s2] =	stream.indirect.scatter.add.f32 [tilespmem:s11], [sflag:$0x1], $0x1, s30, s10, $0xb8;
	[tilespmem:$0x4580] =	vst v63  }
0x4b: {  	s31 =	simm.s32 $0x180  }
0x4c: {  	[spmem:s2] =	stream.indirect.scatter.add.f32 [tilespmem:s11], [sflag:$0x1], $0x1, s31, s10, $0xb8;
	[tilespmem:$0x4580] =	vst v63  }
0x4d: {  	_ =	swait.ge [sflag:s12], $0x50  }
0x4e: {  	[sflag:s12] =	ssyncset.done $0x0  }
0x4f: {  	[sflag:s12] =	ssyncadd.s32 $0xFFFFFFB0  }
0x50: {  	_ =	swait.ge [sflag:s12], $0x50  }
0x51: {  	[sflag:s12] =	ssyncset.done $0x0  }
0x52: {  	[sflag:s12] =	ssyncadd.s32 $0xFFFFFFB0  }
0x53: {  	_ =	swait.ge [sflag:s12], $0x50  }
0x54: {  	[sflag:s12] =	ssyncset.done $0x0  }
0x55: {  	[sflag:s12] =	ssyncadd.s32 $0xFFFFFFB0  }
0x56: {  	_ =	swait.ge [sflag:s12], $0x50  }
0x57: {  	s19 =	simm.s32 $0x1000;
	s18 =	simm.s32 $0x800;
	[sflag:s12] =	ssyncset.done $0x0  }
.LBB2_2:
0x58: {  	s20 =	sshra.s32 s18, $0x2  }
0x59: {  	[sflag:s12] =	ssyncadd.s32 $0xFFFFFFB0;
	s18 =	smov.u32 s19;
	s21 =	sadd.s32 $0x800, s19  }
0x5a: {  	[spmem:s2] =	stream.indirect.scatter.add.f32 [tilespmem:s11], [sflag:$0x1], $0x1, s20, s10, $0xb8;
	[tilespmem:$0x4580] =	vst v63  }
0x5b: {  	p0 =	sne.s32 s19, $0xF800;
	s19 =	sadd.s32 $0x80, s20  }
0x5c: {  	[spmem:s2] =	stream.indirect.scatter.add.f32 [tilespmem:s11], [sflag:$0x1], $0x1, s19, s10, $0xb8;
	[tilespmem:$0x4580] =	vst v63  }
0x5d: {  	s19 =	sadd.s32 $0x100, s20  }
0x5e: {  	[spmem:s2] =	stream.indirect.scatter.add.f32 [tilespmem:s11], [sflag:$0x1], $0x1, s19, s10, $0xb8;
	[tilespmem:$0x4580] =	vst v63  }
0x5f: {  	s19 =	sadd.s32 $0x180, s20  }
0x60: {  	[spmem:s2] =	stream.indirect.scatter.add.f32 [tilespmem:s11], [sflag:$0x1], $0x1, s19, s10, $0xb8;
	[tilespmem:$0x4580] =	vst v63  }
0x61: {  	_ =	swait.ge [sflag:s12], $0x50  }
0x62: {  	[sflag:s12] =	ssyncset.done $0x0  }
0x63: {  	[sflag:s12] =	ssyncadd.s32 $0xFFFFFFB0  }
0x64: {  	_ =	swait.ge [sflag:s12], $0x50  }
0x65: {  	[sflag:s12] =	ssyncset.done $0x0  }
0x66: {  	[sflag:s12] =	ssyncadd.s32 $0xFFFFFFB0  }
.Ltmp0:
0x67: {  	_ =	swait.ge [sflag:s12], $0x50;
	(pc) =	sbr.rel @p0 .LBB2_2-.Ltmp0, $4  }
0x68: {  	[sflag:s12] =	ssyncset.done $0x0  }
0x69: {  	[sflag:s12] =	ssyncadd.s32 $0xFFFFFFB0  }
0x6a: {  	_ =	swait.ge [sflag:s12], $0x50  }
0x6b: {  	s19 =	smov.u32 s21;
	[sflag:s12] =	ssyncset.done $0x0  }
0x6c: {  	s18 =	sshra.s32 s18, $0x2;
	[sflag:s12] =	ssyncadd.s32 $0xFFFFFFB0  }
0x6d: {  	[spmem:s2] =	stream.indirect.scatter.add.f32 [tilespmem:s11], [sflag:$0x1], $0x1, s18, s10, $0xb8;
	[tilespmem:$0x4580] =	vst v63  }
0x6e: {  	s19 =	sadd.s32 $0x80, s18  }
0x6f: {  	[spmem:s2] =	stream.indirect.scatter.add.f32 [tilespmem:s11], [sflag:$0x1], $0x1, s19, s10, $0xb8;
	[tilespmem:$0x4580] =	vst v63  }
0x70: {  	s31 =	sadd.s32 $0x100, s18  }
0x71: {  	[spmem:s2] =	stream.indirect.scatter.add.f32 [tilespmem:s11], [sflag:$0x1], $0x1, s31, s10, $0xb8;
	[tilespmem:$0x4580] =	vst v63  }
0x72: {  	s18 =	sadd.s32 $0x180, s18  }
0x73: {  	[spmem:s2] =	stream.indirect.scatter.add.f32 [tilespmem:s11], [sflag:$0x1], $0x1, s18, s10, $0xb8;
	[tilespmem:$0x4580] =	vst v63  }
0x74: {  	_ =	swait.ge [sflag:s12], $0x50  }
0x75: {  	[sflag:s12] =	ssyncset.done $0x0  }
0x76: {  	[sflag:s12] =	ssyncadd.s32 $0xFFFFFFB0  }
0x77: {  	_ =	swait.ge [sflag:s12], $0x50  }
0x78: {  	[sflag:s12] =	ssyncset.done $0x0  }
0x79: {  	[sflag:s12] =	ssyncadd.s32 $0xFFFFFFB0  }
0x7a: {  	_ =	swait.ge [sflag:s12], $0x50  }
0x7b: {  	[sflag:s12] =	ssyncset.done $0x0  }
0x7c: {  	[sflag:s12] =	ssyncadd.s32 $0xFFFFFFB0  }
0x7d: {  	_ =	swait.ge [sflag:s12], $0x50  }
0x7e: {  	s17 =	sadd.s32 $0x1, s17;
	[sflag:s12] =	ssyncset.done $0x0  }
0x7f: {  	p0 =	sne.s32 s17, s7;
	[sflag:s12] =	ssyncadd.s32 $0xFFFFFFB0  }
.Ltmp1:
0x80: {  	[bflag:$0x0] =	sbarrier.arrive $0xFFFF;
	(pc) =	sbr.rel @p0 .LBB2_1-.Ltmp1, $4  }
0x81: {  	[hbm:s6@s15], [sflag:s13] =	dma.strided [spmem:s14@s16], $0x50, s12, $0x10   }
0x82: {  	_ =	swait.ge [sflag:s9], $0x50  }
0x83: {  	[sflag:s9] =	ssyncset.done $0x0  }
0x84: {  	[sflag:s9] =	ssyncadd.s32 $0xFFFFFFB0  }
0x85: {  	_ =	sfence.sel $0x180000  }
0x86: {  	[bflag:$0x0] =	sbarrier.arrive $0xFFFF  }
0x87: {  	p0 =	sne.s32 s1, $0x0;
	_ =	strace $0x90000047  }
0x88: {  	s0 =	sadd.s32 @!p0 $0x100000, s0;
	[bflag:$0x2] =	sbarrier.arrive $0xFFFF  }
0x89: {  	[sflag:s0] =	ssyncadd.tile.s32 @!p0 $0x1;
	_ =	shalt  }
.Lfunc_end2:
_tile_overlayer_lowered:
.L_overlay_start_2:
0x8a: {  	(tag) =	ssettag $0x2  }
0x8b: {  	s0 =	rddreg [dreg:$0x0];
	s2 =	stileid.u32  }
0x8c: {  	s1 =	rddreg [dreg:$0x1];
	p0 =	sne.s32 s2, $0x0  }
0x8d: {  	s3 =	rddreg [dreg:$0x2];
	[bflag:$0x3] =	sbarrier.arrive $0xFFFF;
	s2 =	simm.s32 @!p0 $0x1C02  }
0x8e: {  	[timem:s3], [sflag:s2] =	dma.local @!p0 [hbm:s0], s1  }
0x8f: {  	s0 =	simm.s32 @!p0 $0x2  }
0x90: {  	_ =	swait.ge @!p0 [sflag:s0], s1  }
0x91: {  	s1 =	ssub.s32 @!p0 $0x0, s1;
	[sflag:s0] =	ssyncset.done @!p0 $0x0  }
0x92: {  	[sflag:s0] =	ssyncadd.s32 @!p0 s1  }
0x93: {  	[bflag:$0x3] =	sbarrier.arrive $0xFFFF  }
0x94: {  	_ =	shalt  }

// kernel: kernel.13.cloned.1.call-start
scs
__scs_entry_jumppad:
0x0: {  	(pc) =	sbr.rel $0x88, $3  }
0x1: {  	(tag) =	ssettag $0x0;
	lr =	simm.s32 $0x1  }
0x2: {  	[smem:$0x3F96] =	sst lr;
	_ =	strace $0xD0000000  }
0x3: {  	_ = 	snop  }
0x4: {  	_ = 	snop  }
0x5: {  	_ = 	snop  }
0x6: {  	_ = 	snop  }
0x7: {  	_ = 	snop  }
__scs_overlays_trampoline_lowered:
0x8: {  	[smem:$0x3FA5] =	sst s0  }
0x9: {  	[smem:$0x3FA6] =	sst s1  }
0xa: {  	[smem:$0x3FA7] =	sst s2  }
0xb: {  	[smem:$0x3FA8] =	sst s3  }
0xc: {  	[smem:$0x3FA9] =	sst s4  }
0xd: {  	[smem:$0x3FAA] =	sst s5  }
0xe: {  	[smem:$0x3FAB] =	sst s6  }
0xf: {  	[smem:$0x3FAC] =	sst s7  }
0x10: {  	[smem:$0x3FAD] =	sst s8  }
0x11: {  	[smem:$0x3FAE] =	sst s9;
	s0 =	simm.s32 @!p0 $0x0  }
0x12: {  	s1 =	sld [smem:$0x3F94];
	s0 =	simm.s32 @p0 $0x1  }
0x13: {  	[smem:$0x3FAF] =	sst s0;
	s0 =	simm.s32 @!p1 $0x0  }
0x14: {  	s2 =	sld [smem:$0x3F93];
	s0 =	simm.s32 @p1 $0x1  }
0x15: {  	[smem:$0x3FB0] =	sst s0;
	s0 =	simm.s32 @!p2 $0x0  }
0x16: {  	s3 =	sld [smem:$0x3FDB];
	s0 =	simm.s32 @p2 $0x1  }
0x17: {  	s4 =	simm.s32 $0x1BF5;
	[smem:$0x3FB2] =	sst s0  }
0x18: {  	s0 =	sld [smem:$0x3F95];
	_ =	swait.ge [sflag:s4], $0x0  }
0x19: {  	s7 =	sld [smem:$0x3F96]  }
0x1a: {  	s8 =	sadd.s32 $0xFFFFE003, lr  }
0x1b: {  	s9 =	sadd.s32 $0xFFFFFEF7, lr;
	s5 =	simm.s32 $0xFFFFFFFF;
	p2 =	slt.u32 s8, $0xFFFFF086  }
0x1c: {  	p1 =	slt.u32 s9, $0xF7A;
	s5 =	simm.s32 @!p2 $0x0  }
0x1d: {  	s5 =	simm.s32 @p1 $0x1;
	p0 =	seq.s32 s7, s2  }
0x1e: {  	s7 =	smul.u32 @!p0 $0xF7A, s2;
	p2 =	seq.s32 @!p0 s5, $0x0  }
0x1f: {  	s9 =	smul.u32 $0xF7A, s1;
	s8 =	simm.s32 @!p0 $0x1BF5;
	p2 =	por !p2, p0  }
0x20: {  	[sflag:s8] =	ssyncset.s32 @!p0 $0xFFFFF086;
	s6 =	sadd.s32 @!p0 s3, s7;
	s7 =	simm.s32 @!p0 $0x108  }
0x21: {  	s3 =	sadd.s32 s3, s9;
	s6 =	sadd.s32 @!p0 $0x88, s6;
	s7 =	simm.s32 @p2 $0x1082  }
0x22: {  	[simem:s7], [sflag:s8] =	dma.local @!p0 [hbm:s6], $0xF7A  }
0x23: {  	s9 =	sor.u32 $0xD0000000, s2;
	s6 =	simm.s32 $0x108;
	_ =	swait.ge @!p0 [sflag:s8], $0x0  }
0x24: {  	s3 =	sadd.s32 $0x88, s3;
	s6 =	simm.s32 @!p1 $0x1082;
	[sflag:s4] =	ssyncset.s32 $0xFFFFF086  }
0x25: {  	[simem:s6], [sflag:s4] =	dma.local [hbm:s3], $0xF7A  }
0x26: {  	[smem:$0x3F96] =	sst s1;
	(tag) =	ssettag s2;
	_ =	strace s9  }
0x27: {  	s1 =	sld [smem:$0x3FA6]  }
0x28: {  	s2 =	sld [smem:$0x3FA7]  }
0x29: {  	s4 =	sld [smem:$0x3FA9]  }
0x2a: {  	p0 =	seq.s32 s5, $0x0;
	s5 =	sld [smem:$0x3FAA]  }
0x2b: {  	s6 =	sld [smem:$0x3FAB]  }
0x2c: {  	s7 =	sld [smem:$0x3FAC]  }
0x2d: {  	s3 =	simm.s32 $0x108;
	s8 =	sld [smem:$0x3FAD]  }
0x2e: {  	s3 =	simm.s32 @!p0 $0x1082;
	s9 =	sld [smem:$0x3FAE]  }
0x2f: {  	lr =	sadd.s32 s0, s3;
	s0 =	sld [smem:$0x3FA5]  }
0x30: {  	s3 =	sld [smem:$0x3FA8]  }
0x31: {  	[smem:$0x3FB1] =	sst s10  }
0x32: {  	s10 =	sld [smem:$0x3FAF];
	_ =	sdelay $0x3  }
0x33: {  	p0 =	seq.s32 s10, $0x1;
	s10 =	sld [smem:$0x3FB1];
	_ =	sdelay $0x3  }
0x34: {  	[smem:$0x3FB1] =	sst s10  }
0x35: {  	s10 =	sld [smem:$0x3FB0];
	_ =	sdelay $0x3  }
0x36: {  	p1 =	seq.s32 s10, $0x1;
	s10 =	sld [smem:$0x3FB1];
	_ =	sdelay $0x3  }
0x37: {  	[smem:$0x3FB1] =	sst s10  }
0x38: {  	s10 =	sld [smem:$0x3FB2]  }
0x39: {  	_ = 	snop;
	(pc) =	sbr.ind lr, $3  }
0x3a: {  	_ = 	snop  }
0x3b: {  	_ = 	snop  }
0x3c: {  	p2 =	seq.s32 s10, $0x1;
	s10 =	sld [smem:$0x3FB1]  }
0x3d: {  	_ =	shalt  }
0x3e: {  	_ =	shalt  }
0x3f: {  	_ =	shalt  }
0x40: {  	_ =	shalt  }
0x41: {  	_ =	shalt  }
0x42: {  	_ =	shalt  }
0x43: {  	_ =	shalt  }
0x44: {  	_ =	shalt  }
0x45: {  	_ =	shalt  }
0x46: {  	_ =	shalt  }
0x47: {  	_ =	shalt  }
0x48: {  	_ =	shalt  }
0x49: {  	_ =	shalt  }
0x4a: {  	_ =	shalt  }
0x4b: {  	_ =	shalt  }
0x4c: {  	_ =	shalt  }
0x4d: {  	_ =	shalt  }
0x4e: {  	_ =	shalt  }
0x4f: {  	_ =	shalt  }
0x50: {  	_ =	shalt  }
0x51: {  	_ =	shalt  }
0x52: {  	_ =	shalt  }
0x53: {  	_ =	shalt  }
0x54: {  	_ =	shalt  }
0x55: {  	_ =	shalt  }
0x56: {  	_ =	shalt  }
0x57: {  	_ =	shalt  }
0x58: {  	_ =	shalt  }
0x59: {  	_ =	shalt  }
0x5a: {  	_ =	shalt  }
0x5b: {  	_ =	shalt  }
0x5c: {  	_ =	shalt  }
0x5d: {  	_ =	shalt  }
0x5e: {  	_ =	shalt  }
0x5f: {  	_ =	shalt  }
0x60: {  	_ =	shalt  }
0x61: {  	_ =	shalt  }
0x62: {  	_ =	shalt  }
0x63: {  	_ =	shalt  }
0x64: {  	_ =	shalt  }
0x65: {  	_ =	shalt  }
0x66: {  	_ =	shalt  }
0x67: {  	_ =	shalt  }
0x68: {  	_ =	shalt  }
0x69: {  	_ =	shalt  }
0x6a: {  	_ =	shalt  }
0x6b: {  	_ =	shalt  }
0x6c: {  	_ =	shalt  }
0x6d: {  	_ =	shalt  }
0x6e: {  	_ =	shalt  }
0x6f: {  	_ =	shalt  }
0x70: {  	_ =	shalt  }
0x71: {  	_ =	shalt  }
0x72: {  	_ =	shalt  }
0x73: {  	_ =	shalt  }
0x74: {  	_ =	shalt  }
0x75: {  	_ =	shalt  }
0x76: {  	_ =	shalt  }
0x77: {  	_ =	shalt  }
0x78: {  	_ =	shalt  }
0x79: {  	_ =	shalt  }
0x7a: {  	_ =	shalt  }
0x7b: {  	_ =	shalt  }
0x7c: {  	_ =	shalt  }
0x7d: {  	_ =	shalt  }
0x7e: {  	_ =	shalt  }
0x7f: {  	_ =	shalt  }
0x80: {  	_ =	shalt  }
0x81: {  	_ =	shalt  }
0x82: {  	_ =	shalt  }
0x83: {  	_ =	shalt  }
0x84: {  	_ =	shalt  }
0x85: {  	_ =	shalt  }
0x86: {  	_ =	shalt  }
0x87: {  	_ =	shalt  }
.Lfunc_end0:
.L_simem_size_0:
called_computation.1_lowered:
.L_overlay_start_0:
0x88: {  	s2 =	sld [smem:$0x3FD9]  }
0x89: {  	s3 =	sld [smem:$0x3FFE];
	_ =	sdelay $0x1  }
0x8a: {  	s1 =	srdreg.scid  }
0x8b: {  	s0 =	sand.u32 $0x1, s1  }
0x8c: {  	s16 =	sshll.u32 s0, $0xA;
	s2 =	sadd.s32 s3, s2  }
0x8d: {  	s2 =	sadd.s32 s2, s16  }
0x8e: {  	[smem:$0x3FBD] =	sst s2  }
0x8f: {  	_ = 	snop  }
0x90: {  	(tm) =	ssettm $0x1  }
0x91: {  	s17 =	sld [smem:$0x3FFB];
	_ =	sdelay $0x3  }
0x92: {  	_ =	strace s17  }
0x93: {  	s2 =	sld [smem:$0x3FFC];
	_ =	sdelay $0x3  }
0x94: {  	_ =	strace s2  }
0x95: {  	s2 =	sld [smem:$0x3FFD];
	_ =	sdelay $0x3  }
0x96: {  	_ =	strace s2  }
0x97: {  	_ =	strace $0x8FFFFFFF  }
0x98: {  	s18 =	sld [smem:$0x3FDB];
	_ =	sdelay $0x1  }
0x99: {  	s19 =	simm.s32 $_scs_section_size  }
0x9a: {  	s4 =	simm.s32 $_size__tile_overlayer_lowered;
	s5 =	simm.s32 $_tile_overlayer_lowered  }
0x9b: {  	s22 =	simm.s32 $0x1BFF;
	s21 =	sshll.u32 s5, $0x1;
	s2 =	sadd.s32 s19, s18  }
0x9c: {  	s6 =	simm.s32 $0x0;
	s20 =	sshll.u32 s4, $0x1;
	s4 =	sadd.s32 s21, s2  }
0x9d: {  	[timem:s6], [sflag:s22] =	dma.local [hbm:s4], s20  }
0x9e: {  	_ =	swait.ge [sflag:s22], s20  }
0x9f: {  	s3 =	ssub.s32 $0x0, s20;
	[sflag:s22] =	ssyncset.done $0x0  }
0xa0: {  	[sflag:s22] =	ssyncadd.s32 s3;
	_ =	sdelay $0x1  }
0xa1: {  	s23 =	simm.s32 $0x1B8B  }
0xa2: {  	_ =	swait.ge [sflag:s23], $0x1  }
0xa3: {  	[sflag:s23] =	ssyncset.done $0x0  }
0xa4: {  	s25 =	simm.s32 $0x1B8E;
	s24 =	sld [smem:$0x3FFE];
	[sflag:s23] =	ssyncadd.s32 $0xFFFFFFFF  }
0xa5: {  	s26 =	simm.s32 $execute0_lowered;
	[smem:$0x3FD2] =	sst s25  }
0xa6: {  	s4 =	sshll.u32 s26, $0x1;
	_ =	strace $0x80000049;
	[dreg:$0x1] =	wrdreg $0xFFFFFFFF  }
0xa7: {  	s28 =	simm.s32 $_size_execute0_lowered;
	s2 =	sadd.s32 s2, s4;
	[dreg:$0x0] =	wrdreg $0x0  }
0xa8: {  	s4 =	sshll.u32 s28, $0x1;
	[dreg:$0x2] =	wrdreg s2  }
0xa9: {  	[dreg:$0x3] =	wrdreg s4  }
0xaa: {  	[dreg:$0x4] =	wrdreg $0xC0  }
0xab: {  	_ =	task [dreg:s6], $0x5FFFF  }
0xac: {  	[dreg:$0x1] =	wrdreg $0xFFFFFFFF  }
0xad: {  	[dreg:$0x0] =	wrdreg $0x60  }
0xae: {  	[dreg:$0x2] =	wrdreg s24  }
0xaf: {  	[dreg:$0x3] =	wrdreg $0xB0000  }
0xb0: {  	[dreg:$0x4] =	wrdreg $0x9  }
0xb1: {  	_ =	task.clear_ibuf [dreg:s6], $0x5FFFF;
	_ =	strace $0x90000049  }
0xb2: {  	s29 =	simm.s32 $0x9;
	_ =	strace $0x8000004B  }
0xb3: {  	_ =	swait.ge [sflag:s29], $0x1  }
0xb4: {  	[sflag:s29] =	ssyncadd.s32 $0xFFFFFFFF  }
0xb5: {  	_ =	strace $0x9000004B  }
0xb6: {  	_ =	sfence  }
0xb7: {  	s30 =	sld [smem:$0x0];
	_ =	sdelay $0x2  }
0xb8: {  	s31 =	sshll.u32 s1, $0xD;
	s1 =	sshrl.u32 s1, $0x2  }
0xb9: {  	s3 =	sand.u32 $0x4000, s31;
	s1 =	sadd.s32 s1, s30  }
0xba: {  	s0 =	sor.u32 s3, s0;
	s1 =	sshll.u32 s1, $0x11  }
0xbb: {  	s0 =	sor.u32 s1, s0  }
0xbc: {  	s0 =	sadd.s32 $0x8F2B, s0  }
0xbd: {  	[sflag:s0] =	ssyncadd.remote.s32 $0x1  }
0xbe: {  	_ =	sfence.sel $0xFFFF  }
0xbf: {  	[dreg:$0x0] =	wrdreg $0xFFFFFFFF;
	(pc) =	sbr.abs _section_cstart, $3  }
0xc0: {  	[dreg:$0x1] =	wrdreg $0xFFFFFFFF  }
0xc1: {  	_ =	task.clear_ibuf [dreg:s6], $0x2FFFF;
	_ =	strace $0x9FFFFFFF  }
0xc2: {  	(tm) =	ssettm $0x7FFFFFFF  }
0xc3: {  	_ =	shalt  }
tec
execute0_lowered:
.L_overlay_start_1:
0x0: {  	(tag) =	ssettag $0x1  }
0x1: {  	s0 =	rddreg [dreg:$0x0]  }
0x2: {  	s1 =	rddreg [dreg:$0x1];
	s2 =	srdreg.scid  }
0x3: {  	s3 =	simm.s32 $0x0;
	s8 =	stileid.u32;
	s18 =	simm.s32 $0x80  }
0x4: {  	s20 =	simm.s32 $0x100;
	s21 =	simm.s32 $0x180;
	[smem:$0x7FF] =	sst s3  }
0x5: {  	s23 =	simm.s32 $0x880;
	_ =	strace $0x8000004A;
	[dreg:$0x5] =	wrdreg s18  }
0x6: {  	s24 =	simm.s32 $0x200;
	s25 =	simm.s32 $0x900;
	[dreg:$0x6] =	wrdreg s20  }
0x7: {  	s10 =	simm.s32 $0x300;
	s12 =	simm.s32 $0xA00;
	[dreg:$0x7] =	wrdreg s21  }
0x8: {  	s14 =	simm.s32 $0x380;
	s28 =	simm.s32 $0x4;
	[dreg:$0x8] =	wrdreg s23  }
0x9: {  	s5 =	smul.u32 $0x14000, s8;
	s7 =	sshll.u32 s8, $0xB;
	[dreg:$0x9] =	wrdreg s24  }
0xa: {  	s19 =	smul.u32 $0x50000, s8;
	s8 =	simm.s32 $0x980;
	[dreg:$0xa] =	wrdreg s25  }
0xb: {  	s29 =	simm.s32 $0x7;
	s30 =	simm.s32 $0x8;
	[dreg:$0xc] =	wrdreg s8  }
0xc: {  	s31 =	simm.s32 $0xD00;
	s2 =	sand.u32 $0x1, s2;
	[dreg:$0xd] =	wrdreg s10  }
0xd: {  	s4 =	smul.u32 $0x140000, s2;
	s6 =	sshll.u32 s2, $0xF;
	[dreg:$0xe] =	wrdreg s12  }
0xe: {  	s2 =	ssub.s32 $0x2, s2;
	[dreg:$0xf] =	wrdreg s14;
	s18 =	simm.s32 $0x400  }
0xf: {  	s20 =	simm.s32 $0x480;
	s21 =	simm.s32 $0xB80;
	[dreg:$0x11] =	wrdreg s18  }
0x10: {  	s23 =	simm.s32 $0xC00;
	s24 =	simm.s32 $0x580;
	[dreg:$0x13] =	wrdreg s20  }
0x11: {  	s25 =	simm.s32 $0xC80;
	s8 =	simm.s32 $0x780;
	[dreg:$0x14] =	wrdreg s21  }
0x12: {  	s10 =	simm.s32 $0xF00;
	s6 =	sadd.s32 s6, s0;
	[dreg:$0x16] =	wrdreg s23  }
0x13: {  	s16 =	sshrl.u32 s2, $0x1;
	s22 =	sshrl.u32 s19, $0x2;
	[dreg:$0x17] =	wrdreg s24  }
0x14: {  	s19 =	simm.s32 $0xB00;
	[dreg:$0x18] =	wrdreg s25;
	s6 =	sadd.s32 s7, s6  }
0x15: {  	s2 =	ssub.s32 s2, s16;
	s16 =	simm.s32 $0xA80;
	[dreg:$0x12] =	wrdreg s19  }
0x16: {  	s12 =	simm.s32 $0x0;
	s15 =	sadd.s32 $0x2A00, s6;
	[dreg:$0x10] =	wrdreg s16  }
0x17: {  	s5 =	sadd.s32 s5, s4;
	s17 =	sadd.s32 $0x13400, s6;
	[dreg:$0x3] =	wrdreg s15  }
0x18: {  	s4 =	sadd.s32 $0x23400, s0;
	s2 =	smax.u32 s2, $0x1;
	[dreg:$0x4] =	wrdreg s17  }
0x19: {  	s5 =	sshrl.u32 s5, $0x3;
	s6 =	simm.s32 $0x280;
	[dreg:$0x1c] =	wrdreg s2  }
0x1a: {  	s0 =	sadd.s32 s5, s0;
	s5 =	sadd.s32 s22, s1;
	[dreg:$0xb] =	wrdreg s6  }
0x1b: {  	s18 =	simm.s32 $0x50;
	s22 =	simm.s32 $0x500;
	[dreg:$0x1b] =	wrdreg s5  }
0x1c: {  	s20 =	simm.s32 $0x6000;
	s0 =	sadd.s32 $0x4A600, s0;
	[dreg:$0x15] =	wrdreg s22  }
0x1d: {  	s21 =	simm.s32 $0x1;
	s26 =	sadd.s32 $0x2800, s5;
	[dreg:$0x1a] =	wrdreg s0  }
0x1e: {  	s23 =	simm.s32 $0x2;
	s7 =	sadd.s32 $0x5000, s5;
	[dreg:$0x1d] =	wrdreg s26  }
0x1f: {  	s24 =	simm.s32 $0x5;
	s9 =	sadd.s32 $0x7800, s5;
	[dreg:$0x1e] =	wrdreg s7  }
0x20: {  	s25 =	simm.s32 $0x3;
	s11 =	sadd.s32 $0xA000, s5;
	[dreg:$0x1f] =	wrdreg s9  }
0x21: {  	s19 =	simm.s32 $0x3800;
	s13 =	sadd.s32 $0xC800, s5;
	[smem:$0x7FA] =	sst s11  }
0x22: {  	s16 =	simm.s32 $0x9;
	s15 =	sadd.s32 $0xF000, s5;
	[smem:$0x7FB] =	sst s13  }
0x23: {  	s2 =	simm.s32 $0xD80;
	s17 =	sadd.s32 $0x11800, s5;
	[smem:$0x7FC] =	sst s15  }
0x24: {  	s22 =	simm.s32 $0x8800;
	s5 =	simm.s32 $0x700;
	[smem:$0x7FD] =	sst s17  }
0x25: {  	s15 =	simm.s32 $0x1000;
	s17 =	simm.s32 $0x800;
	s26 =	simm.s32 $0x600  }
0x26: {  	s0 =	simm.s32 $0x680;
	s7 =	simm.s32 $0xE00;
	s9 =	simm.s32 $0xE80  }
0x27: {  	v0 =	vimm.f32 $0.0e+00;
	s11 =	simm.s32 $0xF80;
	[dreg:$0x19] =	wrdreg s26;
	s26 =	simm.s32 $0x6  }
.LBB2_1:
0x28: {  	s13 =	simm.s32 $0x0;
	s14 =	simm.s32 $0x200  }
.LBB2_2:
0x29: {  	p0 =	sne.s32 s14, $0x9E00;
	[tilespmem:s13+$0x1070] =	vst v0  }
0x2a: {  	[tilespmem:s13+$0x1000] =	vst v0  }
0x2b: {  	[tilespmem:s13+$0x1010] =	vst v0  }
.Ltmp0:
0x2c: {  	[tilespmem:s13+$0x1020] =	vst v0;
	(pc) =	sbr.rel @p0 .LBB2_2-.Ltmp0, $4  }
0x2d: {  	[tilespmem:s13+$0x1030] =	vst v0  }
0x2e: {  	[tilespmem:s13+$0x1040] =	vst v0  }
0x2f: {  	[tilespmem:s13+$0x1050] =	vst v0  }
0x30: {  	[tilespmem:s13+$0x1060] =	vst v0;
	s13 =	sshra.s32 s14, $0x2;
	s14 =	sadd.s32 $0x200, s14  }
0x31: {  	[tilespmem:s13+$0x1070] =	vst v0  }
0x32: {  	[tilespmem:s13+$0x1000] =	vst v0  }
0x33: {  	[tilespmem:s13+$0x1010] =	vst v0  }
0x34: {  	[tilespmem:s13+$0x1020] =	vst v0  }
0x35: {  	[tilespmem:s13+$0x1030] =	vst v0  }
0x36: {  	[tilespmem:s13+$0x1040] =	vst v0  }
0x37: {  	[smem:$0x7F9] =	sst s12;
	[tilespmem:s13+$0x1050] =	vst v0  }
0x38: {  	[tilespmem:s13+$0x1060] =	vst v0;
	s6 =	rddreg [dreg:$0x1b]  }
0x39: {  	[spmem:s6] =	stream.linear.scatter [tilespmem:s15], [sflag:$0x9], $0x2800, $0x38;
	[tilespmem:$0x1F000] =	vst v63  }
0x3a: {  	_ =	swait.ge [sflag:s16], $0x2800  }
0x3b: {  	[sflag:s16] =	ssyncset.done $0x0  }
0x3c: {  	s14 =	rddreg [dreg:$0x1d];
	[sflag:s16] =	ssyncadd.s32 $0xFFFFD800  }
0x3d: {  	[spmem:s14] =	stream.linear.scatter [tilespmem:s15], [sflag:$0x9], $0x2800, $0x38;
	[tilespmem:$0x1F000] =	vst v63  }
0x3e: {  	_ =	swait.ge [sflag:s16], $0x2800  }
0x3f: {  	[sflag:s16] =	ssyncset.done $0x0  }
0x40: {  	s12 =	rddreg [dreg:$0x1e];
	[sflag:s16] =	ssyncadd.s32 $0xFFFFD800  }
0x41: {  	[spmem:s12] =	stream.linear.scatter [tilespmem:s15], [sflag:$0x9], $0x2800, $0x38;
	[tilespmem:$0x1F000] =	vst v63  }
0x42: {  	_ =	swait.ge [sflag:s16], $0x2800  }
0x43: {  	[sflag:s16] =	ssyncset.done $0x0  }
0x44: {  	s13 =	rddreg [dreg:$0x1f];
	[sflag:s16] =	ssyncadd.s32 $0xFFFFD800  }
0x45: {  	[spmem:s13] =	stream.linear.scatter [tilespmem:s15], [sflag:$0x9], $0x2800, $0x38;
	[tilespmem:$0x1F000] =	vst v63  }
0x46: {  	_ =	swait.ge [sflag:s16], $0x2800  }
0x47: {  	s14 =	sld [smem:$0x7FA]  }
0x48: {  	[sflag:s16] =	ssyncset.done $0x0  }
0x49: {  	[sflag:s16] =	ssyncadd.s32 $0xFFFFD800  }
0x4a: {  	[spmem:s14] =	stream.linear.scatter [tilespmem:s15], [sflag:$0x9], $0x2800, $0x38;
	[tilespmem:$0x1F000] =	vst v63  }
0x4b: {  	_ =	swait.ge [sflag:s16], $0x2800  }
0x4c: {  	s12 =	sld [smem:$0x7FB]  }
0x4d: {  	[sflag:s16] =	ssyncset.done $0x0  }
0x4e: {  	[sflag:s16] =	ssyncadd.s32 $0xFFFFD800  }
0x4f: {  	[spmem:s12] =	stream.linear.scatter [tilespmem:s15], [sflag:$0x9], $0x2800, $0x38;
	[tilespmem:$0x1F000] =	vst v63  }
0x50: {  	_ =	swait.ge [sflag:s16], $0x2800  }
0x51: {  	s13 =	sld [smem:$0x7FC]  }
0x52: {  	[sflag:s16] =	ssyncset.done $0x0  }
0x53: {  	[sflag:s16] =	ssyncadd.s32 $0xFFFFD800  }
0x54: {  	[spmem:s13] =	stream.linear.scatter [tilespmem:s15], [sflag:$0x9], $0x2800, $0x38;
	[tilespmem:$0x1F000] =	vst v63  }
0x55: {  	_ =	swait.ge [sflag:s16], $0x2800  }
0x56: {  	s14 =	sld [smem:$0x7FD]  }
0x57: {  	[sflag:s16] =	ssyncset.done $0x0  }
0x58: {  	[sflag:s16] =	ssyncadd.s32 $0xFFFFD800  }
0x59: {  	[spmem:s14] =	stream.linear.scatter [tilespmem:s15], [sflag:$0x9], $0x2800, $0x38;
	[tilespmem:$0x1F000] =	vst v63  }
0x5a: {  	_ =	swait.ge [sflag:s16], $0x2800  }
0x5b: {  	[sflag:s16] =	ssyncset.done $0x0  }
0x5c: {  	[sflag:s16] =	ssyncadd.s32 $0xFFFFD800  }
0x5d: {  	[bflag:$0x0] =	sbarrier.arrive $0xFFFF  }
0x5e: {  	s12 =	rddreg [dreg:$0x4]  }
0x5f: {  	s6 =	sadd.s32 $0x0, s12  }
0x60: {  	[tilespmem:s3], [sflag:$0x9] =	stream.linear.gather [hbm4b:s6+s3], $0x800, $0x38;
	[tilespmem:$0x1F000] =	vst v63  }
0x61: {  	_ =	swait.ge [sflag:s16], $0x800  }
0x62: {  	s13 =	rddreg [dreg:$0x3];
	[sflag:s16] =	ssyncset.done $0x0  }
0x63: {  	[sflag:s16] =	ssyncadd.s32 $0xFFFFF800;
	s6 =	sadd.s32 $0x0, s13  }
0x64: {  	[tilespmem:s17], [sflag:$0x9] =	stream.linear.gather [hbm4b:s6+s3], $0x800, $0x38;
	[tilespmem:$0x1F000] =	vst v63  }
0x65: {  	_ =	swait.ge [sflag:s16], $0x800  }
0x66: {  	[sflag:s16] =	ssyncset.done $0x0  }
0x67: {  	[sflag:s16] =	ssyncadd.s32 $0xFFFFF800  }
0x68: {  	[tilespmem:s15], [sflag:$0x1] =	stream.indirect.gather [hbm4b:s4+s18], $0x80, s3, s18, $0xb8;
	[tilespmem:$0x1F000] =	vst v63  }
0x69: {  	s14 =	rddreg [dreg:$0x5]  }
0x6a: {  	[tilespmem:s19], [sflag:$0x2] =	stream.indirect.gather [hbm4b:s4+s18], $0x80, s14, s18, $0xb8;
	[tilespmem:$0x1F000] =	vst v63  }
0x6b: {  	s12 =	rddreg [dreg:$0x6]  }
0x6c: {  	[tilespmem:s20], [sflag:$0x3] =	stream.indirect.gather [hbm4b:s4+s18], $0x80, s12, s18, $0xb8;
	[tilespmem:$0x1F000] =	vst v63  }
0x6d: {  	_ =	swait.ge [sflag:s21], $0x2800  }
0x6e: {  	[sflag:s21] =	ssyncset.done $0x0  }
0x6f: {  	[sflag:s21] =	ssyncadd.s32 $0xFFFFD800  }
0x70: {  	[spmem:s1] =	stream.indirect.scatter.add.f32 [tilespmem:s15], [sflag:$0x5], $0x80, s17, s18, $0xb8;
	[tilespmem:$0x1F000] =	vst v63  }
0x71: {  	s14 =	rddreg [dreg:$0x7]  }
0x72: {  	[tilespmem:s22], [sflag:$0x4] =	stream.indirect.gather [hbm4b:s4+s18], $0x80, s14, s18, $0xb8;
	[tilespmem:$0x1F000] =	vst v63  }
0x73: {  	_ =	swait.ge [sflag:s23], $0x2800  }
0x74: {  	[sflag:s23] =	ssyncset.done $0x0  }
0x75: {  	s12 =	rddreg [dreg:$0x8];
	[sflag:s23] =	ssyncadd.s32 $0xFFFFD800  }
0x76: {  	[spmem:s1] =	stream.indirect.scatter.add.f32 [tilespmem:s19], [sflag:$0x6], $0x80, s12, s18, $0xb8;
	[tilespmem:$0x1F000] =	vst v63  }
0x77: {  	_ =	swait.ge [sflag:s24], $0x2800  }
0x78: {  	[sflag:s24] =	ssyncset.done $0x0  }
0x79: {  	s13 =	rddreg [dreg:$0x9];
	[sflag:s24] =	ssyncadd.s32 $0xFFFFD800  }
0x7a: {  	[tilespmem:s15], [sflag:$0x1] =	stream.indirect.gather [hbm4b:s4+s18], $0x80, s13, s18, $0xb8;
	[tilespmem:$0x1F000] =	vst v63  }
0x7b: {  	_ =	swait.ge [sflag:s25], $0x2800  }
0x7c: {  	[sflag:s25] =	ssyncset.done $0x0  }
0x7d: {  	s14 =	rddreg [dreg:$0xa];
	[sflag:s25] =	ssyncadd.s32 $0xFFFFD800  }
0x7e: {  	[spmem:s1] =	stream.indirect.scatter.add.f32 [tilespmem:s20], [sflag:$0x7], $0x80, s14, s18, $0xb8;
	[tilespmem:$0x1F000] =	vst v63  }
0x7f: {  	_ =	swait.ge [sflag:s26], $0x2800  }
0x80: {  	[sflag:s26] =	ssyncset.done $0x0  }
0x81: {  	s12 =	rddreg [dreg:$0xb];
	[sflag:s26] =	ssyncadd.s32 $0xFFFFD800  }
0x82: {  	[tilespmem:s19], [sflag:$0x2] =	stream.indirect.gather [hbm4b:s4+s18], $0x80, s12, s18, $0xb8;
	[tilespmem:$0x1F000] =	vst v63  }
0x83: {  	_ =	swait.ge [sflag:s28], $0x2800  }
0x84: {  	[sflag:s28] =	ssyncset.done $0x0  }
0x85: {  	s13 =	rddreg [dreg:$0xc];
	[sflag:s28] =	ssyncadd.s32 $0xFFFFD800  }
0x86: {  	[spmem:s1] =	stream.indirect.scatter.add.f32 [tilespmem:s22], [sflag:$0x8], $0x80, s13, s18, $0xb8;
	[tilespmem:$0x1F000] =	vst v63  }
0x87: {  	_ =	swait.ge [sflag:s29], $0x2800  }
0x88: {  	[sflag:s29] =	ssyncset.done $0x0  }
0x89: {  	s14 =	rddreg [dreg:$0xd];
	[sflag:s29] =	ssyncadd.s32 $0xFFFFD800  }
0x8a: {  	[tilespmem:s20], [sflag:$0x3] =	stream.indirect.gather [hbm4b:s4+s18], $0x80, s14, s18, $0xb8;
	[tilespmem:$0x1F000] =	vst v63  }
0x8b: {  	_ =	swait.ge [sflag:s21], $0x2800  }
0x8c: {  	[sflag:s21] =	ssyncset.done $0x0  }
0x8d: {  	s12 =	rddreg [dreg:$0xe];
	[sflag:s21] =	ssyncadd.s32 $0xFFFFD800  }
0x8e: {  	[spmem:s1] =	stream.indirect.scatter.add.f32 [tilespmem:s15], [sflag:$0x5], $0x80, s12, s18, $0xb8;
	[tilespmem:$0x1F000] =	vst v63  }
0x8f: {  	_ =	swait.ge [sflag:s30], $0x2800  }
0x90: {  	[sflag:s30] =	ssyncset.done $0x0  }
0x91: {  	s13 =	rddreg [dreg:$0xf];
	[sflag:s30] =	ssyncadd.s32 $0xFFFFD800  }
0x92: {  	[tilespmem:s22], [sflag:$0x4] =	stream.indirect.gather [hbm4b:s4+s18], $0x80, s13, s18, $0xb8;
	[tilespmem:$0x1F000] =	vst v63  }
0x93: {  	_ =	swait.ge [sflag:s23], $0x2800  }
0x94: {  	[sflag:s23] =	ssyncset.done $0x0  }
0x95: {  	s14 =	rddreg [dreg:$0x10];
	[sflag:s23] =	ssyncadd.s32 $0xFFFFD800  }
0x96: {  	[spmem:s1] =	stream.indirect.scatter.add.f32 [tilespmem:s19], [sflag:$0x6], $0x80, s14, s18, $0xb8;
	[tilespmem:$0x1F000] =	vst v63  }
0x97: {  	_ =	swait.ge [sflag:s24], $0x2800  }
0x98: {  	[sflag:s24] =	ssyncset.done $0x0  }
0x99: {  	s12 =	rddreg [dreg:$0x11];
	[sflag:s24] =	ssyncadd.s32 $0xFFFFD800  }
0x9a: {  	[tilespmem:s15], [sflag:$0x1] =	stream.indirect.gather [hbm4b:s4+s18], $0x80, s12, s18, $0xb8;
	[tilespmem:$0x1F000] =	vst v63  }
0x9b: {  	_ =	swait.ge [sflag:s25], $0x2800  }
0x9c: {  	[sflag:s25] =	ssyncset.done $0x0  }
0x9d: {  	s13 =	rddreg [dreg:$0x12];
	[sflag:s25] =	ssyncadd.s32 $0xFFFFD800  }
0x9e: {  	[spmem:s1] =	stream.indirect.scatter.add.f32 [tilespmem:s20], [sflag:$0x7], $0x80, s13, s18, $0xb8;
	[tilespmem:$0x1F000] =	vst v63  }
0x9f: {  	_ =	swait.ge [sflag:s26], $0x2800  }
0xa0: {  	[sflag:s26] =	ssyncset.done $0x0  }
0xa1: {  	s14 =	rddreg [dreg:$0x13];
	[sflag:s26] =	ssyncadd.s32 $0xFFFFD800  }
0xa2: {  	[tilespmem:s19], [sflag:$0x2] =	stream.indirect.gather [hbm4b:s4+s18], $0x80, s14, s18, $0xb8;
	[tilespmem:$0x1F000] =	vst v63  }
0xa3: {  	_ =	swait.ge [sflag:s28], $0x2800  }
0xa4: {  	[sflag:s28] =	ssyncset.done $0x0  }
0xa5: {  	s12 =	rddreg [dreg:$0x14];
	[sflag:s28] =	ssyncadd.s32 $0xFFFFD800  }
0xa6: {  	[spmem:s1] =	stream.indirect.scatter.add.f32 [tilespmem:s22], [sflag:$0x8], $0x80, s12, s18, $0xb8;
	[tilespmem:$0x1F000] =	vst v63  }
0xa7: {  	_ =	swait.ge [sflag:s29], $0x2800  }
0xa8: {  	[sflag:s29] =	ssyncset.done $0x0  }
0xa9: {  	s13 =	rddreg [dreg:$0x15];
	[sflag:s29] =	ssyncadd.s32 $0xFFFFD800  }
0xaa: {  	[tilespmem:s20], [sflag:$0x3] =	stream.indirect.gather [hbm4b:s4+s18], $0x80, s13, s18, $0xb8;
	[tilespmem:$0x1F000] =	vst v63  }
0xab: {  	_ =	swait.ge [sflag:s21], $0x2800  }
0xac: {  	[sflag:s21] =	ssyncset.done $0x0  }
0xad: {  	s14 =	rddreg [dreg:$0x16];
	[sflag:s21] =	ssyncadd.s32 $0xFFFFD800  }
0xae: {  	[spmem:s1] =	stream.indirect.scatter.add.f32 [tilespmem:s15], [sflag:$0x5], $0x80, s14, s18, $0xb8;
	[tilespmem:$0x1F000] =	vst v63  }
0xaf: {  	_ =	swait.ge [sflag:s30], $0x2800  }
0xb0: {  	[sflag:s30] =	ssyncset.done $0x0  }
0xb1: {  	s12 =	rddreg [dreg:$0x17];
	[sflag:s30] =	ssyncadd.s32 $0xFFFFD800  }
0xb2: {  	[tilespmem:s22], [sflag:$0x4] =	stream.indirect.gather [hbm4b:s4+s18], $0x80, s12, s18, $0xb8;
	[tilespmem:$0x1F000] =	vst v63  }
0xb3: {  	_ =	swait.ge [sflag:s23], $0x2800  }
0xb4: {  	[sflag:s23] =	ssyncset.done $0x0  }
0xb5: {  	s13 =	rddreg [dreg:$0x18];
	[sflag:s23] =	ssyncadd.s32 $0xFFFFD800  }
0xb6: {  	[spmem:s1] =	stream.indirect.scatter.add.f32 [tilespmem:s19], [sflag:$0x6], $0x80, s13, s18, $0xb8;
	[tilespmem:$0x1F000] =	vst v63  }
0xb7: {  	_ =	swait.ge [sflag:s24], $0x2800  }
0xb8: {  	[sflag:s24] =	ssyncset.done $0x0  }
0xb9: {  	s14 =	rddreg [dreg:$0x19];
	[sflag:s24] =	ssyncadd.s32 $0xFFFFD800  }
0xba: {  	[tilespmem:s15], [sflag:$0x1] =	stream.indirect.gather [hbm4b:s4+s18], $0x80, s14, s18, $0xb8;
	[tilespmem:$0x1F000] =	vst v63  }
0xbb: {  	_ =	swait.ge [sflag:s25], $0x2800  }
0xbc: {  	[sflag:s25] =	ssyncset.done $0x0  }
0xbd: {  	[sflag:s25] =	ssyncadd.s32 $0xFFFFD800  }
0xbe: {  	[spmem:s1] =	stream.indirect.scatter.add.f32 [tilespmem:s20], [sflag:$0x7], $0x80, s31, s18, $0xb8;
	[tilespmem:$0x1F000] =	vst v63  }
0xbf: {  	_ =	swait.ge [sflag:s26], $0x2800  }
0xc0: {  	[sflag:s26] =	ssyncset.done $0x0  }
0xc1: {  	[sflag:s26] =	ssyncadd.s32 $0xFFFFD800  }
0xc2: {  	[tilespmem:s19], [sflag:$0x2] =	stream.indirect.gather [hbm4b:s4+s18], $0x80, s0, s18, $0xb8;
	[tilespmem:$0x1F000] =	vst v63  }
0xc3: {  	_ =	swait.ge [sflag:s28], $0x2800  }
0xc4: {  	[sflag:s28] =	ssyncset.done $0x0  }
0xc5: {  	[sflag:s28] =	ssyncadd.s32 $0xFFFFD800  }
0xc6: {  	[spmem:s1] =	stream.indirect.scatter.add.f32 [tilespmem:s22], [sflag:$0x8], $0x80, s2, s18, $0xb8;
	[tilespmem:$0x1F000] =	vst v63  }
0xc7: {  	_ =	swait.ge [sflag:s29], $0x2800  }
0xc8: {  	[sflag:s29] =	ssyncset.done $0x0  }
0xc9: {  	[sflag:s29] =	ssyncadd.s32 $0xFFFFD800  }
0xca: {  	[tilespmem:s20], [sflag:$0x3] =	stream.indirect.gather [hbm4b:s4+s18], $0x80, s5, s18, $0xb8;
	[tilespmem:$0x1F000] =	vst v63  }
0xcb: {  	_ =	swait.ge [sflag:s21], $0x2800  }
0xcc: {  	[sflag:s21] =	ssyncset.done $0x0  }
0xcd: {  	[sflag:s21] =	ssyncadd.s32 $0xFFFFD800  }
0xce: {  	[spmem:s1] =	stream.indirect.scatter.add.f32 [tilespmem:s15], [sflag:$0x5], $0x80, s7, s18, $0xb8;
	[tilespmem:$0x1F000] =	vst v63  }
0xcf: {  	_ =	swait.ge [sflag:s30], $0x2800  }
0xd0: {  	[sflag:s30] =	ssyncset.done $0x0  }
0xd1: {  	[sflag:s30] =	ssyncadd.s32 $0xFFFFD800  }
0xd2: {  	[tilespmem:s22], [sflag:$0x4] =	stream.indirect.gather [hbm4b:s4+s18], $0x80, s8, s18, $0xb8;
	[tilespmem:$0x1F000] =	vst v63  }
0xd3: {  	_ =	swait.ge [sflag:s23], $0x2800  }
0xd4: {  	[sflag:s23] =	ssyncset.done $0x0  }
0xd5: {  	[sflag:s23] =	ssyncadd.s32 $0xFFFFD800  }
0xd6: {  	[spmem:s1] =	stream.indirect.scatter.add.f32 [tilespmem:s19], [sflag:$0x6], $0x80, s9, s18, $0xb8;
	[tilespmem:$0x1F000] =	vst v63  }
0xd7: {  	_ =	swait.ge [sflag:s24], $0x2800  }
0xd8: {  	[sflag:s24] =	ssyncset.done $0x0  }
0xd9: {  	[sflag:s24] =	ssyncadd.s32 $0xFFFFD800  }
0xda: {  	_ =	swait.ge [sflag:s25], $0x2800  }
0xdb: {  	[sflag:s25] =	ssyncset.done $0x0  }
0xdc: {  	[sflag:s25] =	ssyncadd.s32 $0xFFFFD800  }
0xdd: {  	[spmem:s1] =	stream.indirect.scatter.add.f32 [tilespmem:s20], [sflag:$0x7], $0x80, s10, s18, $0xb8;
	[tilespmem:$0x1F000] =	vst v63  }
0xde: {  	_ =	swait.ge [sflag:s26], $0x2800  }
0xdf: {  	[sflag:s26] =	ssyncset.done $0x0  }
0xe0: {  	[sflag:s26] =	ssyncadd.s32 $0xFFFFD800  }
0xe1: {  	_ =	swait.ge [sflag:s28], $0x2800  }
0xe2: {  	[sflag:s28] =	ssyncset.done $0x0  }
0xe3: {  	[sflag:s28] =	ssyncadd.s32 $0xFFFFD800  }
0xe4: {  	[spmem:s1] =	stream.indirect.scatter.add.f32 [tilespmem:s22], [sflag:$0x8], $0x80, s11, s18, $0xb8;
	[tilespmem:$0x1F000] =	vst v63  }
0xe5: {  	_ =	swait.ge [sflag:s29], $0x2800  }
0xe6: {  	[sflag:s29] =	ssyncset.done $0x0  }
0xe7: {  	[sflag:s29] =	ssyncadd.s32 $0xFFFFD800  }
0xe8: {  	s13 =	simm.s32 $0x100;
	_ =	swait.ge [sflag:s30], $0x2800  }
0xe9: {  	s14 =	simm.s32 $0x200;
	s6 =	rddreg [dreg:$0x4];
	[sflag:s30] =	ssyncset.done $0x0  }
.LBB2_4:
0xea: {  	[sflag:s30] =	ssyncadd.s32 $0xFFFFD800;
	s6 =	sadd.s32 s13, s6  }
0xeb: {  	[tilespmem:s3], [sflag:$0x9] =	stream.linear.gather [hbm4b:s6+s3], $0x800, $0x38;
	[tilespmem:$0x1F000] =	vst v63  }
0xec: {  	_ =	swait.ge [sflag:s16], $0x800  }
0xed: {  	s6 =	rddreg [dreg:$0x3];
	[sflag:s16] =	ssyncset.done $0x0  }
0xee: {  	[sflag:s16] =	ssyncadd.s32 $0xFFFFF800;
	s6 =	sadd.s32 s13, s6  }
0xef: {  	[tilespmem:s17], [sflag:$0x9] =	stream.linear.gather [hbm4b:s6+s3], $0x800, $0x38;
	[tilespmem:$0x1F000] =	vst v63  }
0xf0: {  	_ =	swait.ge [sflag:s16], $0x800  }
0xf1: {  	[sflag:s16] =	ssyncset.done $0x0  }
0xf2: {  	[sflag:s16] =	ssyncadd.s32 $0xFFFFF800  }
0xf3: {  	[tilespmem:s15], [sflag:$0x1] =	stream.indirect.gather [hbm4b:s4+s18], $0x80, s3, s18, $0xb8;
	[tilespmem:$0x1F000] =	vst v63  }
0xf4: {  	s12 =	smov.u32 s14;
	s6 =	rddreg [dreg:$0x5]  }
0xf5: {  	[tilespmem:s19], [sflag:$0x2] =	stream.indirect.gather [hbm4b:s4+s18], $0x80, s6, s18, $0xb8;
	[tilespmem:$0x1F000] =	vst v63  }
0xf6: {  	s13 =	smov.u32 s12;
	s12 =	rddreg [dreg:$0x6]  }
0xf7: {  	[tilespmem:s20], [sflag:$0x3] =	stream.indirect.gather [hbm4b:s4+s18], $0x80, s12, s18, $0xb8;
	[tilespmem:$0x1F000] =	vst v63  }
0xf8: {  	_ =	swait.ge [sflag:s21], $0x2800  }
0xf9: {  	[sflag:s21] =	ssyncset.done $0x0  }
0xfa: {  	[sflag:s21] =	ssyncadd.s32 $0xFFFFD800  }
0xfb: {  	[spmem:s1] =	stream.indirect.scatter.add.f32 [tilespmem:s15], [sflag:$0x5], $0x80, s17, s18, $0xb8;
	[tilespmem:$0x1F000] =	vst v63  }
0xfc: {  	s12 =	rddreg [dreg:$0x7]  }
0xfd: {  	[tilespmem:s22], [sflag:$0x4] =	stream.indirect.gather [hbm4b:s4+s18], $0x80, s12, s18, $0xb8;
	[tilespmem:$0x1F000] =	vst v63  }
0xfe: {  	_ =	swait.ge [sflag:s23], $0x2800  }
0xff: {  	[sflag:s23] =	ssyncset.done $0x0  }
0x100: {  	s12 =	rddreg [dreg:$0x8];
	[sflag:s23] =	ssyncadd.s32 $0xFFFFD800  }
0x101: {  	[spmem:s1] =	stream.indirect.scatter.add.f32 [tilespmem:s19], [sflag:$0x6], $0x80, s12, s18, $0xb8;
	[tilespmem:$0x1F000] =	vst v63  }
0x102: {  	_ =	swait.ge [sflag:s24], $0x2800  }
0x103: {  	[sflag:s24] =	ssyncset.done $0x0  }
0x104: {  	s12 =	rddreg [dreg:$0x9];
	[sflag:s24] =	ssyncadd.s32 $0xFFFFD800  }
0x105: {  	[tilespmem:s15], [sflag:$0x1] =	stream.indirect.gather [hbm4b:s4+s18], $0x80, s12, s18, $0xb8;
	[tilespmem:$0x1F000] =	vst v63  }
0x106: {  	_ =	swait.ge [sflag:s25], $0x2800  }
0x107: {  	[sflag:s25] =	ssyncset.done $0x0  }
0x108: {  	s12 =	rddreg [dreg:$0xa];
	[sflag:s25] =	ssyncadd.s32 $0xFFFFD800  }
0x109: {  	[spmem:s1] =	stream.indirect.scatter.add.f32 [tilespmem:s20], [sflag:$0x7], $0x80, s12, s18, $0xb8;
	[tilespmem:$0x1F000] =	vst v63  }
0x10a: {  	_ =	swait.ge [sflag:s26], $0x2800  }
0x10b: {  	[sflag:s26] =	ssyncset.done $0x0  }
0x10c: {  	s12 =	rddreg [dreg:$0xb];
	[sflag:s26] =	ssyncadd.s32 $0xFFFFD800  }
0x10d: {  	[tilespmem:s19], [sflag:$0x2] =	stream.indirect.gather [hbm4b:s4+s18], $0x80, s12, s18, $0xb8;
	[tilespmem:$0x1F000] =	vst v63  }
0x10e: {  	_ =	swait.ge [sflag:s28], $0x2800  }
0x10f: {  	[sflag:s28] =	ssyncset.done $0x0  }
0x110: {  	s12 =	rddreg [dreg:$0xc];
	[sflag:s28] =	ssyncadd.s32 $0xFFFFD800  }
0x111: {  	[spmem:s1] =	stream.indirect.scatter.add.f32 [tilespmem:s22], [sflag:$0x8], $0x80, s12, s18, $0xb8;
	[tilespmem:$0x1F000] =	vst v63  }
0x112: {  	_ =	swait.ge [sflag:s29], $0x2800  }
0x113: {  	[sflag:s29] =	ssyncset.done $0x0  }
0x114: {  	s12 =	rddreg [dreg:$0xd];
	[sflag:s29] =	ssyncadd.s32 $0xFFFFD800  }
0x115: {  	[tilespmem:s20], [sflag:$0x3] =	stream.indirect.gather [hbm4b:s4+s18], $0x80, s12, s18, $0xb8;
	[tilespmem:$0x1F000] =	vst v63  }
0x116: {  	_ =	swait.ge [sflag:s21], $0x2800  }
0x117: {  	[sflag:s21] =	ssyncset.done $0x0  }
0x118: {  	s12 =	rddreg [dreg:$0xe];
	[sflag:s21] =	ssyncadd.s32 $0xFFFFD800  }
0x119: {  	[spmem:s1] =	stream.indirect.scatter.add.f32 [tilespmem:s15], [sflag:$0x5], $0x80, s12, s18, $0xb8;
	[tilespmem:$0x1F000] =	vst v63  }
0x11a: {  	_ =	swait.ge [sflag:s30], $0x2800  }
0x11b: {  	[sflag:s30] =	ssyncset.done $0x0  }
0x11c: {  	s12 =	rddreg [dreg:$0xf];
	[sflag:s30] =	ssyncadd.s32 $0xFFFFD800  }
0x11d: {  	[tilespmem:s22], [sflag:$0x4] =	stream.indirect.gather [hbm4b:s4+s18], $0x80, s12, s18, $0xb8;
	[tilespmem:$0x1F000] =	vst v63  }
0x11e: {  	_ =	swait.ge [sflag:s23], $0x2800  }
0x11f: {  	[sflag:s23] =	ssyncset.done $0x0  }
0x120: {  	s12 =	rddreg [dreg:$0x10];
	[sflag:s23] =	ssyncadd.s32 $0xFFFFD800  }
0x121: {  	[spmem:s1] =	stream.indirect.scatter.add.f32 [tilespmem:s19], [sflag:$0x6], $0x80, s12, s18, $0xb8;
	[tilespmem:$0x1F000] =	vst v63  }
0x122: {  	_ =	swait.ge [sflag:s24], $0x2800  }
0x123: {  	[sflag:s24] =	ssyncset.done $0x0  }
0x124: {  	s12 =	rddreg [dreg:$0x11];
	[sflag:s24] =	ssyncadd.s32 $0xFFFFD800  }
0x125: {  	[tilespmem:s15], [sflag:$0x1] =	stream.indirect.gather [hbm4b:s4+s18], $0x80, s12, s18, $0xb8;
	[tilespmem:$0x1F000] =	vst v63  }
0x126: {  	_ =	swait.ge [sflag:s25], $0x2800  }
0x127: {  	[sflag:s25] =	ssyncset.done $0x0  }
0x128: {  	s12 =	rddreg [dreg:$0x12];
	[sflag:s25] =	ssyncadd.s32 $0xFFFFD800  }
0x129: {  	[spmem:s1] =	stream.indirect.scatter.add.f32 [tilespmem:s20], [sflag:$0x7], $0x80, s12, s18, $0xb8;
	[tilespmem:$0x1F000] =	vst v63  }
0x12a: {  	_ =	swait.ge [sflag:s26], $0x2800  }
0x12b: {  	[sflag:s26] =	ssyncset.done $0x0  }
0x12c: {  	s12 =	rddreg [dreg:$0x13];
	[sflag:s26] =	ssyncadd.s32 $0xFFFFD800  }
0x12d: {  	[tilespmem:s19], [sflag:$0x2] =	stream.indirect.gather [hbm4b:s4+s18], $0x80, s12, s18, $0xb8;
	[tilespmem:$0x1F000] =	vst v63  }
0x12e: {  	_ =	swait.ge [sflag:s28], $0x2800  }
0x12f: {  	[sflag:s28] =	ssyncset.done $0x0  }
0x130: {  	s12 =	rddreg [dreg:$0x14];
	[sflag:s28] =	ssyncadd.s32 $0xFFFFD800  }
0x131: {  	[spmem:s1] =	stream.indirect.scatter.add.f32 [tilespmem:s22], [sflag:$0x8], $0x80, s12, s18, $0xb8;
	[tilespmem:$0x1F000] =	vst v63  }
0x132: {  	_ =	swait.ge [sflag:s29], $0x2800  }
0x133: {  	[sflag:s29] =	ssyncset.done $0x0  }
0x134: {  	s12 =	rddreg [dreg:$0x15];
	[sflag:s29] =	ssyncadd.s32 $0xFFFFD800  }
0x135: {  	[tilespmem:s20], [sflag:$0x3] =	stream.indirect.gather [hbm4b:s4+s18], $0x80, s12, s18, $0xb8;
	[tilespmem:$0x1F000] =	vst v63  }
0x136: {  	_ =	swait.ge [sflag:s21], $0x2800  }
0x137: {  	[sflag:s21] =	ssyncset.done $0x0  }
0x138: {  	s12 =	rddreg [dreg:$0x16];
	[sflag:s21] =	ssyncadd.s32 $0xFFFFD800  }
0x139: {  	[spmem:s1] =	stream.indirect.scatter.add.f32 [tilespmem:s15], [sflag:$0x5], $0x80, s12, s18, $0xb8;
	[tilespmem:$0x1F000] =	vst v63  }
0x13a: {  	_ =	swait.ge [sflag:s30], $0x2800  }
0x13b: {  	[sflag:s30] =	ssyncset.done $0x0  }
0x13c: {  	s12 =	rddreg [dreg:$0x17];
	[sflag:s30] =	ssyncadd.s32 $0xFFFFD800  }
0x13d: {  	[tilespmem:s22], [sflag:$0x4] =	stream.indirect.gather [hbm4b:s4+s18], $0x80, s12, s18, $0xb8;
	[tilespmem:$0x1F000] =	vst v63  }
0x13e: {  	_ =	swait.ge [sflag:s23], $0x2800  }
0x13f: {  	[sflag:s23] =	ssyncset.done $0x0  }
0x140: {  	s12 =	rddreg [dreg:$0x18];
	[sflag:s23] =	ssyncadd.s32 $0xFFFFD800  }
0x141: {  	[spmem:s1] =	stream.indirect.scatter.add.f32 [tilespmem:s19], [sflag:$0x6], $0x80, s12, s18, $0xb8;
	[tilespmem:$0x1F000] =	vst v63  }
0x142: {  	_ =	swait.ge [sflag:s24], $0x2800  }
0x143: {  	[sflag:s24] =	ssyncset.done $0x0  }
0x144: {  	s12 =	rddreg [dreg:$0x19];
	[sflag:s24] =	ssyncadd.s32 $0xFFFFD800  }
0x145: {  	[tilespmem:s15], [sflag:$0x1] =	stream.indirect.gather [hbm4b:s4+s18], $0x80, s12, s18, $0xb8;
	[tilespmem:$0x1F000] =	vst v63  }
0x146: {  	_ =	swait.ge [sflag:s25], $0x2800  }
0x147: {  	[sflag:s25] =	ssyncset.done $0x0  }
0x148: {  	[sflag:s25] =	ssyncadd.s32 $0xFFFFD800  }
0x149: {  	[spmem:s1] =	stream.indirect.scatter.add.f32 [tilespmem:s20], [sflag:$0x7], $0x80, s31, s18, $0xb8;
	[tilespmem:$0x1F000] =	vst v63  }
0x14a: {  	_ =	swait.ge [sflag:s26], $0x2800  }
0x14b: {  	[sflag:s26] =	ssyncset.done $0x0  }
0x14c: {  	[sflag:s26] =	ssyncadd.s32 $0xFFFFD800  }
0x14d: {  	[tilespmem:s19], [sflag:$0x2] =	stream.indirect.gather [hbm4b:s4+s18], $0x80, s0, s18, $0xb8;
	[tilespmem:$0x1F000] =	vst v63  }
0x14e: {  	_ =	swait.ge [sflag:s28], $0x2800  }
0x14f: {  	[sflag:s28] =	ssyncset.done $0x0  }
0x150: {  	[sflag:s28] =	ssyncadd.s32 $0xFFFFD800  }
0x151: {  	[spmem:s1] =	stream.indirect.scatter.add.f32 [tilespmem:s22], [sflag:$0x8], $0x80, s2, s18, $0xb8;
	[tilespmem:$0x1F000] =	vst v63  }
0x152: {  	_ =	swait.ge [sflag:s29], $0x2800  }
0x153: {  	[sflag:s29] =	ssyncset.done $0x0  }
0x154: {  	[sflag:s29] =	ssyncadd.s32 $0xFFFFD800  }
0x155: {  	[tilespmem:s20], [sflag:$0x3] =	stream.indirect.gather [hbm4b:s4+s18], $0x80, s5, s18, $0xb8;
	[tilespmem:$0x1F000] =	vst v63  }
0x156: {  	_ =	swait.ge [sflag:s21], $0x2800  }
0x157: {  	[sflag:s21] =	ssyncset.done $0x0  }
0x158: {  	[sflag:s21] =	ssyncadd.s32 $0xFFFFD800  }
0x159: {  	[spmem:s1] =	stream.indirect.scatter.add.f32 [tilespmem:s15], [sflag:$0x5], $0x80, s7, s18, $0xb8;
	[tilespmem:$0x1F000] =	vst v63  }
0x15a: {  	_ =	swait.ge [sflag:s30], $0x2800  }
0x15b: {  	[sflag:s30] =	ssyncset.done $0x0  }
0x15c: {  	[sflag:s30] =	ssyncadd.s32 $0xFFFFD800  }
0x15d: {  	[tilespmem:s22], [sflag:$0x4] =	stream.indirect.gather [hbm4b:s4+s18], $0x80, s8, s18, $0xb8;
	[tilespmem:$0x1F000] =	vst v63  }
0x15e: {  	_ =	swait.ge [sflag:s23], $0x2800  }
0x15f: {  	[sflag:s23] =	ssyncset.done $0x0  }
0x160: {  	[sflag:s23] =	ssyncadd.s32 $0xFFFFD800  }
0x161: {  	[spmem:s1] =	stream.indirect.scatter.add.f32 [tilespmem:s19], [sflag:$0x6], $0x80, s9, s18, $0xb8;
	[tilespmem:$0x1F000] =	vst v63  }
0x162: {  	_ =	swait.ge [sflag:s24], $0x2800  }
0x163: {  	[sflag:s24] =	ssyncset.done $0x0  }
0x164: {  	[sflag:s24] =	ssyncadd.s32 $0xFFFFD800  }
0x165: {  	_ =	swait.ge [sflag:s25], $0x2800  }
0x166: {  	[sflag:s25] =	ssyncset.done $0x0  }
0x167: {  	[sflag:s25] =	ssyncadd.s32 $0xFFFFD800  }
0x168: {  	[spmem:s1] =	stream.indirect.scatter.add.f32 [tilespmem:s20], [sflag:$0x7], $0x80, s10, s18, $0xb8;
	[tilespmem:$0x1F000] =	vst v63  }
0x169: {  	_ =	swait.ge [sflag:s26], $0x2800  }
0x16a: {  	[sflag:s26] =	ssyncset.done $0x0  }
0x16b: {  	[sflag:s26] =	ssyncadd.s32 $0xFFFFD800  }
0x16c: {  	_ =	swait.ge [sflag:s28], $0x2800  }
0x16d: {  	[sflag:s28] =	ssyncset.done $0x0  }
0x16e: {  	p0 =	sne.s32 s14, $0x700;
	[sflag:s28] =	ssyncadd.s32 $0xFFFFD800  }
0x16f: {  	[spmem:s1] =	stream.indirect.scatter.add.f32 [tilespmem:s22], [sflag:$0x8], $0x80, s11, s18, $0xb8;
	[tilespmem:$0x1F000] =	vst v63  }
.Ltmp1:
0x170: {  	_ =	swait.ge [sflag:s29], $0x2800;
	(pc) =	sbr.rel @p0 .LBB2_4-.Ltmp1, $4  }
0x171: {  	[sflag:s29] =	ssyncset.done $0x0  }
0x172: {  	[sflag:s29] =	ssyncadd.s32 $0xFFFFD800  }
0x173: {  	_ =	swait.ge [sflag:s30], $0x2800  }
0x174: {  	s14 =	sadd.s32 $0x100, s14;
	s6 =	rddreg [dreg:$0x4];
	[sflag:s30] =	ssyncset.done $0x0  }
0x175: {  	[sflag:s30] =	ssyncadd.s32 $0xFFFFD800;
	s6 =	sadd.s32 s13, s6  }
0x176: {  	[tilespmem:s3], [sflag:$0x9] =	stream.linear.gather [hbm4b:s6+s3], $0x800, $0x38;
	[tilespmem:$0x1F000] =	vst v63  }
0x177: {  	_ =	swait.ge [sflag:s16], $0x800  }
0x178: {  	s12 =	rddreg [dreg:$0x3];
	[sflag:s16] =	ssyncset.done $0x0  }
0x179: {  	[sflag:s16] =	ssyncadd.s32 $0xFFFFF800;
	s6 =	sadd.s32 s13, s12  }
0x17a: {  	[tilespmem:s17], [sflag:$0x9] =	stream.linear.gather [hbm4b:s6+s3], $0x800, $0x38;
	[tilespmem:$0x1F000] =	vst v63  }
0x17b: {  	_ =	swait.ge [sflag:s16], $0x800  }
0x17c: {  	[sflag:s16] =	ssyncset.done $0x0  }
0x17d: {  	[sflag:s16] =	ssyncadd.s32 $0xFFFFF800  }
0x17e: {  	[tilespmem:s15], [sflag:$0x1] =	stream.indirect.gather [hbm4b:s4+s18], $0x80, s3, s18, $0xb8;
	[tilespmem:$0x1F000] =	vst v63  }
0x17f: {  	s13 =	rddreg [dreg:$0x5]  }
0x180: {  	[tilespmem:s19], [sflag:$0x2] =	stream.indirect.gather [hbm4b:s4+s18], $0x80, s13, s18, $0xb8;
	[tilespmem:$0x1F000] =	vst v63  }
0x181: {  	s12 =	rddreg [dreg:$0x6]  }
0x182: {  	[tilespmem:s20], [sflag:$0x3] =	stream.indirect.gather [hbm4b:s4+s18], $0x80, s12, s18, $0xb8;
	[tilespmem:$0x1F000] =	vst v63  }
0x183: {  	_ =	swait.ge [sflag:s21], $0x2800  }
0x184: {  	[sflag:s21] =	ssyncset.done $0x0  }
0x185: {  	[sflag:s21] =	ssyncadd.s32 $0xFFFFD800  }
0x186: {  	[spmem:s1] =	stream.indirect.scatter.add.f32 [tilespmem:s15], [sflag:$0x5], $0x80, s17, s18, $0xb8;
	[tilespmem:$0x1F000] =	vst v63  }
0x187: {  	s14 =	rddreg [dreg:$0x7]  }
0x188: {  	[tilespmem:s22], [sflag:$0x4] =	stream.indirect.gather [hbm4b:s4+s18], $0x80, s14, s18, $0xb8;
	[tilespmem:$0x1F000] =	vst v63  }
0x189: {  	_ =	swait.ge [sflag:s23], $0x2800  }
0x18a: {  	[sflag:s23] =	ssyncset.done $0x0  }
0x18b: {  	s12 =	rddreg [dreg:$0x8];
	[sflag:s23] =	ssyncadd.s32 $0xFFFFD800  }
0x18c: {  	[spmem:s1] =	stream.indirect.scatter.add.f32 [tilespmem:s19], [sflag:$0x6], $0x80, s12, s18, $0xb8;
	[tilespmem:$0x1F000] =	vst v63  }
0x18d: {  	_ =	swait.ge [sflag:s24], $0x2800  }
0x18e: {  	[sflag:s24] =	ssyncset.done $0x0  }
0x18f: {  	s13 =	rddreg [dreg:$0x9];
	[sflag:s24] =	ssyncadd.s32 $0xFFFFD800  }
0x190: {  	[tilespmem:s15], [sflag:$0x1] =	stream.indirect.gather [hbm4b:s4+s18], $0x80, s13, s18, $0xb8;
	[tilespmem:$0x1F000] =	vst v63  }
0x191: {  	_ =	swait.ge [sflag:s25], $0x2800  }
0x192: {  	[sflag:s25] =	ssyncset.done $0x0  }
0x193: {  	s14 =	rddreg [dreg:$0xa];
	[sflag:s25] =	ssyncadd.s32 $0xFFFFD800  }
0x194: {  	[spmem:s1] =	stream.indirect.scatter.add.f32 [tilespmem:s20], [sflag:$0x7], $0x80, s14, s18, $0xb8;
	[tilespmem:$0x1F000] =	vst v63  }
0x195: {  	_ =	swait.ge [sflag:s26], $0x2800  }
0x196: {  	[sflag:s26] =	ssyncset.done $0x0  }
0x197: {  	s12 =	rddreg [dreg:$0xb];
	[sflag:s26] =	ssyncadd.s32 $0xFFFFD800  }
0x198: {  	[tilespmem:s19], [sflag:$0x2] =	stream.indirect.gather [hbm4b:s4+s18], $0x80, s12, s18, $0xb8;
	[tilespmem:$0x1F000] =	vst v63  }
0x199: {  	_ =	swait.ge [sflag:s28], $0x2800  }
0x19a: {  	[sflag:s28] =	ssyncset.done $0x0  }
0x19b: {  	s13 =	rddreg [dreg:$0xc];
	[sflag:s28] =	ssyncadd.s32 $0xFFFFD800  }
0x19c: {  	[spmem:s1] =	stream.indirect.scatter.add.f32 [tilespmem:s22], [sflag:$0x8], $0x80, s13, s18, $0xb8;
	[tilespmem:$0x1F000] =	vst v63  }
0x19d: {  	_ =	swait.ge [sflag:s29], $0x2800  }
0x19e: {  	[sflag:s29] =	ssyncset.done $0x0  }
0x19f: {  	s14 =	rddreg [dreg:$0xd];
	[sflag:s29] =	ssyncadd.s32 $0xFFFFD800  }
0x1a0: {  	[tilespmem:s20], [sflag:$0x3] =	stream.indirect.gather [hbm4b:s4+s18], $0x80, s14, s18, $0xb8;
	[tilespmem:$0x1F000] =	vst v63  }
0x1a1: {  	_ =	swait.ge [sflag:s21], $0x2800  }
0x1a2: {  	[sflag:s21] =	ssyncset.done $0x0  }
0x1a3: {  	s12 =	rddreg [dreg:$0xe];
	[sflag:s21] =	ssyncadd.s32 $0xFFFFD800  }
0x1a4: {  	[spmem:s1] =	stream.indirect.scatter.add.f32 [tilespmem:s15], [sflag:$0x5], $0x80, s12, s18, $0xb8;
	[tilespmem:$0x1F000] =	vst v63  }
0x1a5: {  	_ =	swait.ge [sflag:s30], $0x2800  }
0x1a6: {  	[sflag:s30] =	ssyncset.done $0x0  }
0x1a7: {  	s13 =	rddreg [dreg:$0xf];
	[sflag:s30] =	ssyncadd.s32 $0xFFFFD800  }
0x1a8: {  	[tilespmem:s22], [sflag:$0x4] =	stream.indirect.gather [hbm4b:s4+s18], $0x80, s13, s18, $0xb8;
	[tilespmem:$0x1F000] =	vst v63  }
0x1a9: {  	_ =	swait.ge [sflag:s23], $0x2800  }
0x1aa: {  	[sflag:s23] =	ssyncset.done $0x0  }
0x1ab: {  	s14 =	rddreg [dreg:$0x10];
	[sflag:s23] =	ssyncadd.s32 $0xFFFFD800  }
0x1ac: {  	[spmem:s1] =	stream.indirect.scatter.add.f32 [tilespmem:s19], [sflag:$0x6], $0x80, s14, s18, $0xb8;
	[tilespmem:$0x1F000] =	vst v63  }
0x1ad: {  	_ =	swait.ge [sflag:s24], $0x2800  }
0x1ae: {  	[sflag:s24] =	ssyncset.done $0x0  }
0x1af: {  	s12 =	rddreg [dreg:$0x11];
	[sflag:s24] =	ssyncadd.s32 $0xFFFFD800  }
0x1b0: {  	[tilespmem:s15], [sflag:$0x1] =	stream.indirect.gather [hbm4b:s4+s18], $0x80, s12, s18, $0xb8;
	[tilespmem:$0x1F000] =	vst v63  }
0x1b1: {  	_ =	swait.ge [sflag:s25], $0x2800  }
0x1b2: {  	[sflag:s25] =	ssyncset.done $0x0  }
0x1b3: {  	s13 =	rddreg [dreg:$0x12];
	[sflag:s25] =	ssyncadd.s32 $0xFFFFD800  }
0x1b4: {  	[spmem:s1] =	stream.indirect.scatter.add.f32 [tilespmem:s20], [sflag:$0x7], $0x80, s13, s18, $0xb8;
	[tilespmem:$0x1F000] =	vst v63  }
0x1b5: {  	_ =	swait.ge [sflag:s26], $0x2800  }
0x1b6: {  	[sflag:s26] =	ssyncset.done $0x0  }
0x1b7: {  	s14 =	rddreg [dreg:$0x13];
	[sflag:s26] =	ssyncadd.s32 $0xFFFFD800  }
0x1b8: {  	[tilespmem:s19], [sflag:$0x2] =	stream.indirect.gather [hbm4b:s4+s18], $0x80, s14, s18, $0xb8;
	[tilespmem:$0x1F000] =	vst v63  }
0x1b9: {  	_ =	swait.ge [sflag:s28], $0x2800  }
0x1ba: {  	[sflag:s28] =	ssyncset.done $0x0  }
0x1bb: {  	s12 =	rddreg [dreg:$0x14];
	[sflag:s28] =	ssyncadd.s32 $0xFFFFD800  }
0x1bc: {  	[spmem:s1] =	stream.indirect.scatter.add.f32 [tilespmem:s22], [sflag:$0x8], $0x80, s12, s18, $0xb8;
	[tilespmem:$0x1F000] =	vst v63  }
0x1bd: {  	_ =	swait.ge [sflag:s29], $0x2800  }
0x1be: {  	[sflag:s29] =	ssyncset.done $0x0  }
0x1bf: {  	s13 =	rddreg [dreg:$0x15];
	[sflag:s29] =	ssyncadd.s32 $0xFFFFD800  }
0x1c0: {  	[tilespmem:s20], [sflag:$0x3] =	stream.indirect.gather [hbm4b:s4+s18], $0x80, s13, s18, $0xb8;
	[tilespmem:$0x1F000] =	vst v63  }
0x1c1: {  	_ =	swait.ge [sflag:s21], $0x2800  }
0x1c2: {  	[sflag:s21] =	ssyncset.done $0x0  }
0x1c3: {  	s14 =	rddreg [dreg:$0x16];
	[sflag:s21] =	ssyncadd.s32 $0xFFFFD800  }
0x1c4: {  	[spmem:s1] =	stream.indirect.scatter.add.f32 [tilespmem:s15], [sflag:$0x5], $0x80, s14, s18, $0xb8;
	[tilespmem:$0x1F000] =	vst v63  }
0x1c5: {  	_ =	swait.ge [sflag:s30], $0x2800  }
0x1c6: {  	[sflag:s30] =	ssyncset.done $0x0  }
0x1c7: {  	s12 =	rddreg [dreg:$0x17];
	[sflag:s30] =	ssyncadd.s32 $0xFFFFD800  }
0x1c8: {  	[tilespmem:s22], [sflag:$0x4] =	stream.indirect.gather [hbm4b:s4+s18], $0x80, s12, s18, $0xb8;
	[tilespmem:$0x1F000] =	vst v63  }
0x1c9: {  	_ =	swait.ge [sflag:s23], $0x2800  }
0x1ca: {  	[sflag:s23] =	ssyncset.done $0x0  }
0x1cb: {  	s13 =	rddreg [dreg:$0x18];
	[sflag:s23] =	ssyncadd.s32 $0xFFFFD800  }
0x1cc: {  	[spmem:s1] =	stream.indirect.scatter.add.f32 [tilespmem:s19], [sflag:$0x6], $0x80, s13, s18, $0xb8;
	[tilespmem:$0x1F000] =	vst v63  }
0x1cd: {  	_ =	swait.ge [sflag:s24], $0x2800  }
0x1ce: {  	[sflag:s24] =	ssyncset.done $0x0  }
0x1cf: {  	s14 =	rddreg [dreg:$0x19];
	[sflag:s24] =	ssyncadd.s32 $0xFFFFD800  }
0x1d0: {  	[tilespmem:s15], [sflag:$0x1] =	stream.indirect.gather [hbm4b:s4+s18], $0x80, s14, s18, $0xb8;
	[tilespmem:$0x1F000] =	vst v63  }
0x1d1: {  	_ =	swait.ge [sflag:s25], $0x2800  }
0x1d2: {  	[sflag:s25] =	ssyncset.done $0x0  }
0x1d3: {  	[sflag:s25] =	ssyncadd.s32 $0xFFFFD800  }
0x1d4: {  	[spmem:s1] =	stream.indirect.scatter.add.f32 [tilespmem:s20], [sflag:$0x7], $0x80, s31, s18, $0xb8;
	[tilespmem:$0x1F000] =	vst v63  }
0x1d5: {  	_ =	swait.ge [sflag:s26], $0x2800  }
0x1d6: {  	[sflag:s26] =	ssyncset.done $0x0  }
0x1d7: {  	[sflag:s26] =	ssyncadd.s32 $0xFFFFD800  }
0x1d8: {  	[tilespmem:s19], [sflag:$0x2] =	stream.indirect.gather [hbm4b:s4+s18], $0x80, s0, s18, $0xb8;
	[tilespmem:$0x1F000] =	vst v63  }
0x1d9: {  	_ =	swait.ge [sflag:s28], $0x2800  }
0x1da: {  	[sflag:s28] =	ssyncset.done $0x0  }
0x1db: {  	[sflag:s28] =	ssyncadd.s32 $0xFFFFD800  }
0x1dc: {  	[spmem:s1] =	stream.indirect.scatter.add.f32 [tilespmem:s22], [sflag:$0x8], $0x80, s2, s18, $0xb8;
	[tilespmem:$0x1F000] =	vst v63  }
0x1dd: {  	_ =	swait.ge [sflag:s29], $0x2800  }
0x1de: {  	[sflag:s29] =	ssyncset.done $0x0  }
0x1df: {  	[sflag:s29] =	ssyncadd.s32 $0xFFFFD800  }
0x1e0: {  	[tilespmem:s20], [sflag:$0x3] =	stream.indirect.gather [hbm4b:s4+s18], $0x80, s5, s18, $0xb8;
	[tilespmem:$0x1F000] =	vst v63  }
0x1e1: {  	_ =	swait.ge [sflag:s21], $0x2800  }
0x1e2: {  	[sflag:s21] =	ssyncset.done $0x0  }
0x1e3: {  	[sflag:s21] =	ssyncadd.s32 $0xFFFFD800  }
0x1e4: {  	[spmem:s1] =	stream.indirect.scatter.add.f32 [tilespmem:s15], [sflag:$0x5], $0x80, s7, s18, $0xb8;
	[tilespmem:$0x1F000] =	vst v63  }
0x1e5: {  	_ =	swait.ge [sflag:s30], $0x2800  }
0x1e6: {  	[sflag:s30] =	ssyncset.done $0x0  }
0x1e7: {  	[sflag:s30] =	ssyncadd.s32 $0xFFFFD800  }
0x1e8: {  	[tilespmem:s22], [sflag:$0x4] =	stream.indirect.gather [hbm4b:s4+s18], $0x80, s8, s18, $0xb8;
	[tilespmem:$0x1F000] =	vst v63  }
0x1e9: {  	_ =	swait.ge [sflag:s23], $0x2800  }
0x1ea: {  	[sflag:s23] =	ssyncset.done $0x0  }
0x1eb: {  	[sflag:s23] =	ssyncadd.s32 $0xFFFFD800  }
0x1ec: {  	[spmem:s1] =	stream.indirect.scatter.add.f32 [tilespmem:s19], [sflag:$0x6], $0x80, s9, s18, $0xb8;
	[tilespmem:$0x1F000] =	vst v63  }
0x1ed: {  	_ =	swait.ge [sflag:s24], $0x2800  }
0x1ee: {  	[sflag:s24] =	ssyncset.done $0x0  }
0x1ef: {  	[sflag:s24] =	ssyncadd.s32 $0xFFFFD800  }
0x1f0: {  	_ =	swait.ge [sflag:s25], $0x2800  }
0x1f1: {  	[sflag:s25] =	ssyncset.done $0x0  }
0x1f2: {  	[sflag:s25] =	ssyncadd.s32 $0xFFFFD800  }
0x1f3: {  	[spmem:s1] =	stream.indirect.scatter.add.f32 [tilespmem:s20], [sflag:$0x7], $0x80, s10, s18, $0xb8;
	[tilespmem:$0x1F000] =	vst v63  }
0x1f4: {  	_ =	swait.ge [sflag:s26], $0x2800  }
0x1f5: {  	[sflag:s26] =	ssyncset.done $0x0  }
0x1f6: {  	[sflag:s26] =	ssyncadd.s32 $0xFFFFD800  }
0x1f7: {  	_ =	swait.ge [sflag:s28], $0x2800  }
0x1f8: {  	[sflag:s28] =	ssyncset.done $0x0  }
0x1f9: {  	[sflag:s28] =	ssyncadd.s32 $0xFFFFD800  }
0x1fa: {  	[spmem:s1] =	stream.indirect.scatter.add.f32 [tilespmem:s22], [sflag:$0x8], $0x80, s11, s18, $0xb8;
	[tilespmem:$0x1F000] =	vst v63  }
0x1fb: {  	_ =	swait.ge [sflag:s29], $0x2800  }
0x1fc: {  	[sflag:s29] =	ssyncset.done $0x0  }
0x1fd: {  	[sflag:s29] =	ssyncadd.s32 $0xFFFFD800  }
0x1fe: {  	_ =	swait.ge [sflag:s30], $0x2800  }
0x1ff: {  	[sflag:s30] =	ssyncset.done $0x0  }
0x200: {  	[sflag:s30] =	ssyncadd.s32 $0xFFFFD800  }
0x201: {  	s12 =	stileid.u32;
	[bflag:$0x0] =	sbarrier.arrive $0xFFFF  }
0x202: {  	s6 =	sshll.u32 s12, $0x6;
	s13 =	rddreg [dreg:$0x1b]  }
0x203: {  	s6 =	sor.u32 $0x1C09, s6;
	s14 =	rddreg [dreg:$0x1a];
	s12 =	sshrl.u32 s13, $0x3  }
0x204: {  	[hbm:s14], [sflag:s6] =	dma.local [spmem:s12], $0x2800  }
0x205: {  	_ =	swait.ge [sflag:s16], $0x2800  }
0x206: {  	s13 =	sld [smem:$0x7F9];
	_ =	sdelay $0x2  }
0x207: {  	s14 =	rddreg [dreg:$0x1c];
	s12 =	sadd.s32 $0x1, s13  }
0x208: {  	p0 =	sne.s32 s12, s14  }
.Ltmp2:
0x209: {  	_ = 	snop;
	(pc) =	sbr.rel @p0 .LBB2_1-.Ltmp2, $3  }
0x20a: {  	_ =	sdelay $0x1  }
0x20b: {  	[sflag:s16] =	ssyncset.done $0x0  }
0x20c: {  	[sflag:s16] =	ssyncadd.s32 $0xFFFFD800  }
0x20d: {  	_ =	sfence.sel $0x180000  }
0x20e: {  	[bflag:$0x0] =	sbarrier.arrive $0xFFFF  }
0x20f: {  	_ =	strace $0x9000004A  }
0x210: {  	s0 =	stileid.u32;
	[bflag:$0x2] =	sbarrier.arrive $0xFFFF  }
0x211: {  	p0 =	sne.s32 s0, $0x0;
	s0 =	rddreg [dreg:$0x2]  }
0x212: {  	s0 =	sadd.s32 @!p0 $0x100000, s0  }
0x213: {  	[sflag:s0] =	ssyncadd.tile.s32 @!p0 $0x1;
	_ =	shalt  }
.Lfunc_end2:
_tile_overlayer_lowered:
.L_overlay_start_2:
0x214: {  	(tag) =	ssettag $0x2  }
0x215: {  	s0 =	rddreg [dreg:$0x0];
	s2 =	stileid.u32  }
0x216: {  	s1 =	rddreg [dreg:$0x1];
	p0 =	sne.s32 s2, $0x0  }
0x217: {  	s3 =	rddreg [dreg:$0x2];
	[bflag:$0x3] =	sbarrier.arrive $0xFFFF;
	s2 =	simm.s32 @!p0 $0x1C09  }
0x218: {  	[timem:s3], [sflag:s2] =	dma.local @!p0 [hbm:s0], s1  }
0x219: {  	s0 =	simm.s32 @!p0 $0x9  }
0x21a: {  	_ =	swait.ge @!p0 [sflag:s0], s1  }
0x21b: {  	s1 =	ssub.s32 @!p0 $0x0, s1;
	[sflag:s0] =	ssyncset.done @!p0 $0x0  }
0x21c: {  	[sflag:s0] =	ssyncadd.s32 @!p0 s1  }
0x21d: {  	[bflag:$0x3] =	sbarrier.arrive $0xFFFF  }
0x21e: {  	_ =	shalt  }

// kernel: kernel.16.cloned.1.call-start
scs
__scs_entry_jumppad:
0x0: {  	(pc) =	sbr.rel $0x88, $3  }
0x1: {  	(tag) =	ssettag $0x0;
	lr =	simm.s32 $0x1  }
0x2: {  	[smem:$0x3F96] =	sst lr;
	_ =	strace $0xD0000000  }
0x3: {  	_ = 	snop  }
0x4: {  	_ = 	snop  }
0x5: {  	_ = 	snop  }
0x6: {  	_ = 	snop  }
0x7: {  	_ = 	snop  }
__scs_overlays_trampoline_lowered:
0x8: {  	[smem:$0x3FA5] =	sst s0  }
0x9: {  	[smem:$0x3FA6] =	sst s1  }
0xa: {  	[smem:$0x3FA7] =	sst s2  }
0xb: {  	[smem:$0x3FA8] =	sst s3  }
0xc: {  	[smem:$0x3FA9] =	sst s4  }
0xd: {  	[smem:$0x3FAA] =	sst s5  }
0xe: {  	[smem:$0x3FAB] =	sst s6  }
0xf: {  	[smem:$0x3FAC] =	sst s7  }
0x10: {  	[smem:$0x3FAD] =	sst s8  }
0x11: {  	[smem:$0x3FAE] =	sst s9;
	s0 =	simm.s32 @!p0 $0x0  }
0x12: {  	s1 =	sld [smem:$0x3F94];
	s0 =	simm.s32 @p0 $0x1  }
0x13: {  	[smem:$0x3FAF] =	sst s0;
	s0 =	simm.s32 @!p1 $0x0  }
0x14: {  	s2 =	sld [smem:$0x3F93];
	s0 =	simm.s32 @p1 $0x1  }
0x15: {  	[smem:$0x3FB0] =	sst s0;
	s0 =	simm.s32 @!p2 $0x0  }
0x16: {  	s3 =	sld [smem:$0x3FDB];
	s0 =	simm.s32 @p2 $0x1  }
0x17: {  	s4 =	simm.s32 $0x1BF5;
	[smem:$0x3FB2] =	sst s0  }
0x18: {  	s0 =	sld [smem:$0x3F95];
	_ =	swait.ge [sflag:s4], $0x0  }
0x19: {  	s7 =	sld [smem:$0x3F96]  }
0x1a: {  	s8 =	sadd.s32 $0xFFFFE003, lr  }
0x1b: {  	s9 =	sadd.s32 $0xFFFFFEF7, lr;
	s5 =	simm.s32 $0xFFFFFFFF;
	p2 =	slt.u32 s8, $0xFFFFF086  }
0x1c: {  	p1 =	slt.u32 s9, $0xF7A;
	s5 =	simm.s32 @!p2 $0x0  }
0x1d: {  	s5 =	simm.s32 @p1 $0x1;
	p0 =	seq.s32 s7, s2  }
0x1e: {  	s7 =	smul.u32 @!p0 $0xF7A, s2;
	p2 =	seq.s32 @!p0 s5, $0x0  }
0x1f: {  	s9 =	smul.u32 $0xF7A, s1;
	s8 =	simm.s32 @!p0 $0x1BF5;
	p2 =	por !p2, p0  }
0x20: {  	[sflag:s8] =	ssyncset.s32 @!p0 $0xFFFFF086;
	s6 =	sadd.s32 @!p0 s3, s7;
	s7 =	simm.s32 @!p0 $0x108  }
0x21: {  	s3 =	sadd.s32 s3, s9;
	s6 =	sadd.s32 @!p0 $0x88, s6;
	s7 =	simm.s32 @p2 $0x1082  }
0x22: {  	[simem:s7], [sflag:s8] =	dma.local @!p0 [hbm:s6], $0xF7A  }
0x23: {  	s9 =	sor.u32 $0xD0000000, s2;
	s6 =	simm.s32 $0x108;
	_ =	swait.ge @!p0 [sflag:s8], $0x0  }
0x24: {  	s3 =	sadd.s32 $0x88, s3;
	s6 =	simm.s32 @!p1 $0x1082;
	[sflag:s4] =	ssyncset.s32 $0xFFFFF086  }
0x25: {  	[simem:s6], [sflag:s4] =	dma.local [hbm:s3], $0xF7A  }
0x26: {  	[smem:$0x3F96] =	sst s1;
	(tag) =	ssettag s2;
	_ =	strace s9  }
0x27: {  	s1 =	sld [smem:$0x3FA6]  }
0x28: {  	s2 =	sld [smem:$0x3FA7]  }
0x29: {  	s4 =	sld [smem:$0x3FA9]  }
0x2a: {  	p0 =	seq.s32 s5, $0x0;
	s5 =	sld [smem:$0x3FAA]  }
0x2b: {  	s6 =	sld [smem:$0x3FAB]  }
0x2c: {  	s7 =	sld [smem:$0x3FAC]  }
0x2d: {  	s3 =	simm.s32 $0x108;
	s8 =	sld [smem:$0x3FAD]  }
0x2e: {  	s3 =	simm.s32 @!p0 $0x1082;
	s9 =	sld [smem:$0x3FAE]  }
0x2f: {  	lr =	sadd.s32 s0, s3;
	s0 =	sld [smem:$0x3FA5]  }
0x30: {  	s3 =	sld [smem:$0x3FA8]  }
0x31: {  	[smem:$0x3FB1] =	sst s10  }
0x32: {  	s10 =	sld [smem:$0x3FAF];
	_ =	sdelay $0x3  }
0x33: {  	p0 =	seq.s32 s10, $0x1;
	s10 =	sld [smem:$0x3FB1];
	_ =	sdelay $0x3  }
0x34: {  	[smem:$0x3FB1] =	sst s10  }
0x35: {  	s10 =	sld [smem:$0x3FB0];
	_ =	sdelay $0x3  }
0x36: {  	p1 =	seq.s32 s10, $0x1;
	s10 =	sld [smem:$0x3FB1];
	_ =	sdelay $0x3  }
0x37: {  	[smem:$0x3FB1] =	sst s10  }
0x38: {  	s10 =	sld [smem:$0x3FB2]  }
0x39: {  	_ = 	snop;
	(pc) =	sbr.ind lr, $3  }
0x3a: {  	_ = 	snop  }
0x3b: {  	_ = 	snop  }
0x3c: {  	p2 =	seq.s32 s10, $0x1;
	s10 =	sld [smem:$0x3FB1]  }
0x3d: {  	_ =	shalt  }
0x3e: {  	_ =	shalt  }
0x3f: {  	_ =	shalt  }
0x40: {  	_ =	shalt  }
0x41: {  	_ =	shalt  }
0x42: {  	_ =	shalt  }
0x43: {  	_ =	shalt  }
0x44: {  	_ =	shalt  }
0x45: {  	_ =	shalt  }
0x46: {  	_ =	shalt  }
0x47: {  	_ =	shalt  }
0x48: {  	_ =	shalt  }
0x49: {  	_ =	shalt  }
0x4a: {  	_ =	shalt  }
0x4b: {  	_ =	shalt  }
0x4c: {  	_ =	shalt  }
0x4d: {  	_ =	shalt  }
0x4e: {  	_ =	shalt  }
0x4f: {  	_ =	shalt  }
0x50: {  	_ =	shalt  }
0x51: {  	_ =	shalt  }
0x52: {  	_ =	shalt  }
0x53: {  	_ =	shalt  }
0x54: {  	_ =	shalt  }
0x55: {  	_ =	shalt  }
0x56: {  	_ =	shalt  }
0x57: {  	_ =	shalt  }
0x58: {  	_ =	shalt  }
0x59: {  	_ =	shalt  }
0x5a: {  	_ =	shalt  }
0x5b: {  	_ =	shalt  }
0x5c: {  	_ =	shalt  }
0x5d: {  	_ =	shalt  }
0x5e: {  	_ =	shalt  }
0x5f: {  	_ =	shalt  }
0x60: {  	_ =	shalt  }
0x61: {  	_ =	shalt  }
0x62: {  	_ =	shalt  }
0x63: {  	_ =	shalt  }
0x64: {  	_ =	shalt  }
0x65: {  	_ =	shalt  }
0x66: {  	_ =	shalt  }
0x67: {  	_ =	shalt  }
0x68: {  	_ =	shalt  }
0x69: {  	_ =	shalt  }
0x6a: {  	_ =	shalt  }
0x6b: {  	_ =	shalt  }
0x6c: {  	_ =	shalt  }
0x6d: {  	_ =	shalt  }
0x6e: {  	_ =	shalt  }
0x6f: {  	_ =	shalt  }
0x70: {  	_ =	shalt  }
0x71: {  	_ =	shalt  }
0x72: {  	_ =	shalt  }
0x73: {  	_ =	shalt  }
0x74: {  	_ =	shalt  }
0x75: {  	_ =	shalt  }
0x76: {  	_ =	shalt  }
0x77: {  	_ =	shalt  }
0x78: {  	_ =	shalt  }
0x79: {  	_ =	shalt  }
0x7a: {  	_ =	shalt  }
0x7b: {  	_ =	shalt  }
0x7c: {  	_ =	shalt  }
0x7d: {  	_ =	shalt  }
0x7e: {  	_ =	shalt  }
0x7f: {  	_ =	shalt  }
0x80: {  	_ =	shalt  }
0x81: {  	_ =	shalt  }
0x82: {  	_ =	shalt  }
0x83: {  	_ =	shalt  }
0x84: {  	_ =	shalt  }
0x85: {  	_ =	shalt  }
0x86: {  	_ =	shalt  }
0x87: {  	_ =	shalt  }
.Lfunc_end0:
.L_simem_size_0:
called_computation.2_lowered:
.L_overlay_start_0:
0x88: {  	s2 =	sld [smem:$0x3FD9]  }
0x89: {  	s3 =	sld [smem:$0x3FFE];
	_ =	sdelay $0x1  }
0x8a: {  	s1 =	srdreg.scid  }
0x8b: {  	s0 =	sand.u32 $0x1, s1  }
0x8c: {  	s16 =	sshll.u32 s0, $0xA;
	s2 =	sadd.s32 s3, s2  }
0x8d: {  	s2 =	sadd.s32 s2, s16  }
0x8e: {  	[smem:$0x3FBD] =	sst s2  }
0x8f: {  	_ = 	snop  }
0x90: {  	(tm) =	ssettm $0x1  }
0x91: {  	s17 =	sld [smem:$0x3FFB];
	_ =	sdelay $0x3  }
0x92: {  	_ =	strace s17  }
0x93: {  	s2 =	sld [smem:$0x3FFC];
	_ =	sdelay $0x3  }
0x94: {  	_ =	strace s2  }
0x95: {  	s2 =	sld [smem:$0x3FFD];
	_ =	sdelay $0x3  }
0x96: {  	_ =	strace s2  }
0x97: {  	_ =	strace $0x8FFFFFFF  }
0x98: {  	s18 =	sld [smem:$0x3FDB];
	_ =	sdelay $0x1  }
0x99: {  	s19 =	simm.s32 $_scs_section_size  }
0x9a: {  	s4 =	simm.s32 $_size__tile_overlayer_lowered;
	s5 =	simm.s32 $_tile_overlayer_lowered  }
0x9b: {  	s22 =	simm.s32 $0x1BFF;
	s21 =	sshll.u32 s5, $0x1;
	s2 =	sadd.s32 s19, s18  }
0x9c: {  	s6 =	simm.s32 $0x0;
	s20 =	sshll.u32 s4, $0x1;
	s4 =	sadd.s32 s21, s2  }
0x9d: {  	[timem:s6], [sflag:s22] =	dma.local [hbm:s4], s20  }
0x9e: {  	_ =	swait.ge [sflag:s22], s20  }
0x9f: {  	s3 =	ssub.s32 $0x0, s20;
	[sflag:s22] =	ssyncset.done $0x0  }
0xa0: {  	[sflag:s22] =	ssyncadd.s32 s3;
	_ =	sdelay $0x1  }
0xa1: {  	s23 =	simm.s32 $0x1B8B  }
0xa2: {  	_ =	swait.ge [sflag:s23], $0x1  }
0xa3: {  	[sflag:s23] =	ssyncset.done $0x0  }
0xa4: {  	s25 =	simm.s32 $0x1B8E;
	s24 =	sld [smem:$0x3FFE];
	[sflag:s23] =	ssyncadd.s32 $0xFFFFFFFF  }
0xa5: {  	s26 =	simm.s32 $execute0_lowered;
	[smem:$0x3FD2] =	sst s25  }
0xa6: {  	s4 =	sshll.u32 s26, $0x1;
	_ =	strace $0x8000004C;
	[dreg:$0x1] =	wrdreg $0xFFFFFFFF  }
0xa7: {  	s28 =	simm.s32 $_size_execute0_lowered;
	s2 =	sadd.s32 s2, s4;
	[dreg:$0x0] =	wrdreg $0x0  }
0xa8: {  	s4 =	sshll.u32 s28, $0x1;
	[dreg:$0x2] =	wrdreg s2  }
0xa9: {  	[dreg:$0x3] =	wrdreg s4  }
0xaa: {  	[dreg:$0x4] =	wrdreg $0xC0  }
0xab: {  	_ =	task [dreg:s6], $0x5FFFF  }
0xac: {  	[dreg:$0x1] =	wrdreg $0xFFFFFFFF  }
0xad: {  	[dreg:$0x0] =	wrdreg $0x60  }
0xae: {  	[dreg:$0x2] =	wrdreg s24  }
0xaf: {  	[dreg:$0x3] =	wrdreg $0xB0000  }
0xb0: {  	[dreg:$0x4] =	wrdreg $0x9  }
0xb1: {  	_ =	task.clear_ibuf [dreg:s6], $0x5FFFF;
	_ =	strace $0x9000004C  }
0xb2: {  	s29 =	simm.s32 $0x9;
	_ =	strace $0x8000004E  }
0xb3: {  	_ =	swait.ge [sflag:s29], $0x1  }
0xb4: {  	[sflag:s29] =	ssyncadd.s32 $0xFFFFFFFF  }
0xb5: {  	_ =	strace $0x9000004E  }
0xb6: {  	_ =	sfence  }
0xb7: {  	s30 =	sld [smem:$0x0];
	_ =	sdelay $0x2  }
0xb8: {  	s31 =	sshll.u32 s1, $0xD;
	s1 =	sshrl.u32 s1, $0x2  }
0xb9: {  	s3 =	sand.u32 $0x4000, s31;
	s1 =	sadd.s32 s1, s30  }
0xba: {  	s0 =	sor.u32 s3, s0;
	s1 =	sshll.u32 s1, $0x11  }
0xbb: {  	s0 =	sor.u32 s1, s0  }
0xbc: {  	s0 =	sadd.s32 $0x8F2B, s0  }
0xbd: {  	[sflag:s0] =	ssyncadd.remote.s32 $0x1  }
0xbe: {  	_ =	sfence.sel $0xFFFF  }
0xbf: {  	[dreg:$0x0] =	wrdreg $0xFFFFFFFF;
	(pc) =	sbr.abs _section_cstart, $3  }
0xc0: {  	[dreg:$0x1] =	wrdreg $0xFFFFFFFF  }
0xc1: {  	_ =	task.clear_ibuf [dreg:s6], $0x2FFFF;
	_ =	strace $0x9FFFFFFF  }
0xc2: {  	(tm) =	ssettm $0x7FFFFFFF  }
0xc3: {  	_ =	shalt  }
tec
execute0_lowered:
.L_overlay_start_1:
0x0: {  	(tag) =	ssettag $0x1  }
0x1: {  	s0 =	rddreg [dreg:$0x0]  }
0x2: {  	s1 =	rddreg [dreg:$0x1];
	s2 =	srdreg.scid  }
0x3: {  	s3 =	simm.s32 $0x0;
	s8 =	stileid.u32;
	s18 =	simm.s32 $0x80  }
0x4: {  	s20 =	simm.s32 $0x100;
	s21 =	simm.s32 $0x180;
	[smem:$0x7FF] =	sst s3  }
0x5: {  	s23 =	simm.s32 $0x880;
	_ =	strace $0x8000004D;
	[dreg:$0x5] =	wrdreg s18  }
0x6: {  	s24 =	simm.s32 $0x200;
	s25 =	simm.s32 $0x900;
	[dreg:$0x6] =	wrdreg s20  }
0x7: {  	s10 =	simm.s32 $0x300;
	s12 =	simm.s32 $0xA00;
	[dreg:$0x7] =	wrdreg s21  }
0x8: {  	s14 =	simm.s32 $0x380;
	s28 =	simm.s32 $0x4;
	[dreg:$0x8] =	wrdreg s23  }
0x9: {  	s5 =	smul.u32 $0x14000, s8;
	s7 =	sshll.u32 s8, $0xB;
	[dreg:$0x9] =	wrdreg s24  }
0xa: {  	s19 =	smul.u32 $0x50000, s8;
	s8 =	simm.s32 $0x980;
	[dreg:$0xa] =	wrdreg s25  }
0xb: {  	s29 =	simm.s32 $0x7;
	s30 =	simm.s32 $0x8;
	[dreg:$0xc] =	wrdreg s8  }
0xc: {  	s31 =	simm.s32 $0xD00;
	s2 =	sand.u32 $0x1, s2;
	[dreg:$0xd] =	wrdreg s10  }
0xd: {  	s4 =	smul.u32 $0x140000, s2;
	s6 =	sshll.u32 s2, $0xF;
	[dreg:$0xe] =	wrdreg s12  }
0xe: {  	s2 =	ssub.s32 $0x2, s2;
	[dreg:$0xf] =	wrdreg s14;
	s18 =	simm.s32 $0x400  }
0xf: {  	s20 =	simm.s32 $0x480;
	s21 =	simm.s32 $0xB80;
	[dreg:$0x11] =	wrdreg s18  }
0x10: {  	s23 =	simm.s32 $0xC00;
	s24 =	simm.s32 $0x580;
	[dreg:$0x13] =	wrdreg s20  }
0x11: {  	s25 =	simm.s32 $0xC80;
	s8 =	simm.s32 $0x780;
	[dreg:$0x14] =	wrdreg s21  }
0x12: {  	s10 =	simm.s32 $0xF00;
	s6 =	sadd.s32 s6, s0;
	[dreg:$0x16] =	wrdreg s23  }
0x13: {  	s16 =	sshrl.u32 s2, $0x1;
	s22 =	sshrl.u32 s19, $0x2;
	[dreg:$0x17] =	wrdreg s24  }
0x14: {  	s19 =	simm.s32 $0xB00;
	[dreg:$0x18] =	wrdreg s25;
	s6 =	sadd.s32 s7, s6  }
0x15: {  	s2 =	ssub.s32 s2, s16;
	s16 =	simm.s32 $0xA80;
	[dreg:$0x12] =	wrdreg s19  }
0x16: {  	s12 =	simm.s32 $0x0;
	s15 =	sadd.s32 $0x2A00, s6;
	[dreg:$0x10] =	wrdreg s16  }
0x17: {  	s5 =	sadd.s32 s5, s4;
	s17 =	sadd.s32 $0x13400, s6;
	[dreg:$0x3] =	wrdreg s15  }
0x18: {  	s4 =	sadd.s32 $0x23400, s0;
	s2 =	smax.u32 s2, $0x1;
	[dreg:$0x4] =	wrdreg s17  }
0x19: {  	s5 =	sshrl.u32 s5, $0x3;
	s6 =	simm.s32 $0x280;
	[dreg:$0x1c] =	wrdreg s2  }
0x1a: {  	s0 =	sadd.s32 s5, s0;
	s5 =	sadd.s32 s22, s1;
	[dreg:$0xb] =	wrdreg s6  }
0x1b: {  	s18 =	simm.s32 $0x50;
	s22 =	simm.s32 $0x500;
	[dreg:$0x1b] =	wrdreg s5  }
0x1c: {  	s20 =	simm.s32 $0x6000;
	s0 =	sadd.s32 $0x4A600, s0;
	[dreg:$0x15] =	wrdreg s22  }
0x1d: {  	s21 =	simm.s32 $0x1;
	s26 =	sadd.s32 $0x2800, s5;
	[dreg:$0x1a] =	wrdreg s0  }
0x1e: {  	s23 =	simm.s32 $0x2;
	s7 =	sadd.s32 $0x5000, s5;
	[dreg:$0x1d] =	wrdreg s26  }
0x1f: {  	s24 =	simm.s32 $0x5;
	s9 =	sadd.s32 $0x7800, s5;
	[dreg:$0x1e] =	wrdreg s7  }
0x20: {  	s25 =	simm.s32 $0x3;
	s11 =	sadd.s32 $0xA000, s5;
	[dreg:$0x1f] =	wrdreg s9  }
0x21: {  	s19 =	simm.s32 $0x3800;
	s13 =	sadd.s32 $0xC800, s5;
	[smem:$0x7FA] =	sst s11  }
0x22: {  	s16 =	simm.s32 $0x9;
	s15 =	sadd.s32 $0xF000, s5;
	[smem:$0x7FB] =	sst s13  }
0x23: {  	s2 =	simm.s32 $0xD80;
	s17 =	sadd.s32 $0x11800, s5;
	[smem:$0x7FC] =	sst s15  }
0x24: {  	s22 =	simm.s32 $0x8800;
	s5 =	simm.s32 $0x700;
	[smem:$0x7FD] =	sst s17  }
0x25: {  	s15 =	simm.s32 $0x1000;
	s17 =	simm.s32 $0x800;
	s26 =	simm.s32 $0x600  }
0x26: {  	s0 =	simm.s32 $0x680;
	s7 =	simm.s32 $0xE00;
	s9 =	simm.s32 $0xE80  }
0x27: {  	v0 =	vimm.f32 $0.0e+00;
	s11 =	simm.s32 $0xF80;
	[dreg:$0x19] =	wrdreg s26;
	s26 =	simm.s32 $0x6  }
.LBB2_1:
0x28: {  	s13 =	simm.s32 $0x0;
	s14 =	simm.s32 $0x200  }
.LBB2_2:
0x29: {  	p0 =	sne.s32 s14, $0x9E00;
	[tilespmem:s13+$0x1070] =	vst v0  }
0x2a: {  	[tilespmem:s13+$0x1000] =	vst v0  }
0x2b: {  	[tilespmem:s13+$0x1010] =	vst v0  }
.Ltmp0:
0x2c: {  	[tilespmem:s13+$0x1020] =	vst v0;
	(pc) =	sbr.rel @p0 .LBB2_2-.Ltmp0, $4  }
0x2d: {  	[tilespmem:s13+$0x1030] =	vst v0  }
0x2e: {  	[tilespmem:s13+$0x1040] =	vst v0  }
0x2f: {  	[tilespmem:s13+$0x1050] =	vst v0  }
0x30: {  	[tilespmem:s13+$0x1060] =	vst v0;
	s13 =	sshra.s32 s14, $0x2;
	s14 =	sadd.s32 $0x200, s14  }
0x31: {  	[tilespmem:s13+$0x1070] =	vst v0  }
0x32: {  	[tilespmem:s13+$0x1000] =	vst v0  }
0x33: {  	[tilespmem:s13+$0x1010] =	vst v0  }
0x34: {  	[tilespmem:s13+$0x1020] =	vst v0  }
0x35: {  	[tilespmem:s13+$0x1030] =	vst v0  }
0x36: {  	[tilespmem:s13+$0x1040] =	vst v0  }
0x37: {  	[smem:$0x7F9] =	sst s12;
	[tilespmem:s13+$0x1050] =	vst v0  }
0x38: {  	[tilespmem:s13+$0x1060] =	vst v0;
	s6 =	rddreg [dreg:$0x1b]  }
0x39: {  	[spmem:s6] =	stream.linear.scatter [tilespmem:s15], [sflag:$0x9], $0x2800, $0x38;
	[tilespmem:$0x1F000] =	vst v63  }
0x3a: {  	_ =	swait.ge [sflag:s16], $0x2800  }
0x3b: {  	[sflag:s16] =	ssyncset.done $0x0  }
0x3c: {  	s14 =	rddreg [dreg:$0x1d];
	[sflag:s16] =	ssyncadd.s32 $0xFFFFD800  }
0x3d: {  	[spmem:s14] =	stream.linear.scatter [tilespmem:s15], [sflag:$0x9], $0x2800, $0x38;
	[tilespmem:$0x1F000] =	vst v63  }
0x3e: {  	_ =	swait.ge [sflag:s16], $0x2800  }
0x3f: {  	[sflag:s16] =	ssyncset.done $0x0  }
0x40: {  	s12 =	rddreg [dreg:$0x1e];
	[sflag:s16] =	ssyncadd.s32 $0xFFFFD800  }
0x41: {  	[spmem:s12] =	stream.linear.scatter [tilespmem:s15], [sflag:$0x9], $0x2800, $0x38;
	[tilespmem:$0x1F000] =	vst v63  }
0x42: {  	_ =	swait.ge [sflag:s16], $0x2800  }
0x43: {  	[sflag:s16] =	ssyncset.done $0x0  }
0x44: {  	s13 =	rddreg [dreg:$0x1f];
	[sflag:s16] =	ssyncadd.s32 $0xFFFFD800  }
0x45: {  	[spmem:s13] =	stream.linear.scatter [tilespmem:s15], [sflag:$0x9], $0x2800, $0x38;
	[tilespmem:$0x1F000] =	vst v63  }
0x46: {  	_ =	swait.ge [sflag:s16], $0x2800  }
0x47: {  	s14 =	sld [smem:$0x7FA]  }
0x48: {  	[sflag:s16] =	ssyncset.done $0x0  }
0x49: {  	[sflag:s16] =	ssyncadd.s32 $0xFFFFD800  }
0x4a: {  	[spmem:s14] =	stream.linear.scatter [tilespmem:s15], [sflag:$0x9], $0x2800, $0x38;
	[tilespmem:$0x1F000] =	vst v63  }
0x4b: {  	_ =	swait.ge [sflag:s16], $0x2800  }
0x4c: {  	s12 =	sld [smem:$0x7FB]  }
0x4d: {  	[sflag:s16] =	ssyncset.done $0x0  }
0x4e: {  	[sflag:s16] =	ssyncadd.s32 $0xFFFFD800  }
0x4f: {  	[spmem:s12] =	stream.linear.scatter [tilespmem:s15], [sflag:$0x9], $0x2800, $0x38;
	[tilespmem:$0x1F000] =	vst v63  }
0x50: {  	_ =	swait.ge [sflag:s16], $0x2800  }
0x51: {  	s13 =	sld [smem:$0x7FC]  }
0x52: {  	[sflag:s16] =	ssyncset.done $0x0  }
0x53: {  	[sflag:s16] =	ssyncadd.s32 $0xFFFFD800  }
0x54: {  	[spmem:s13] =	stream.linear.scatter [tilespmem:s15], [sflag:$0x9], $0x2800, $0x38;
	[tilespmem:$0x1F000] =	vst v63  }
0x55: {  	_ =	swait.ge [sflag:s16], $0x2800  }
0x56: {  	s14 =	sld [smem:$0x7FD]  }
0x57: {  	[sflag:s16] =	ssyncset.done $0x0  }
0x58: {  	[sflag:s16] =	ssyncadd.s32 $0xFFFFD800  }
0x59: {  	[spmem:s14] =	stream.linear.scatter [tilespmem:s15], [sflag:$0x9], $0x2800, $0x38;
	[tilespmem:$0x1F000] =	vst v63  }
0x5a: {  	_ =	swait.ge [sflag:s16], $0x2800  }
0x5b: {  	[sflag:s16] =	ssyncset.done $0x0  }
0x5c: {  	[sflag:s16] =	ssyncadd.s32 $0xFFFFD800  }
0x5d: {  	[bflag:$0x0] =	sbarrier.arrive $0xFFFF  }
0x5e: {  	s12 =	rddreg [dreg:$0x4]  }
0x5f: {  	s6 =	sadd.s32 $0x0, s12  }
0x60: {  	[tilespmem:s3], [sflag:$0x9] =	stream.linear.gather [hbm4b:s6+s3], $0x800, $0x38;
	[tilespmem:$0x1F000] =	vst v63  }
0x61: {  	_ =	swait.ge [sflag:s16], $0x800  }
0x62: {  	s13 =	rddreg [dreg:$0x3];
	[sflag:s16] =	ssyncset.done $0x0  }
0x63: {  	[sflag:s16] =	ssyncadd.s32 $0xFFFFF800;
	s6 =	sadd.s32 $0x0, s13  }
0x64: {  	[tilespmem:s17], [sflag:$0x9] =	stream.linear.gather [hbm4b:s6+s3], $0x800, $0x38;
	[tilespmem:$0x1F000] =	vst v63  }
0x65: {  	_ =	swait.ge [sflag:s16], $0x800  }
0x66: {  	[sflag:s16] =	ssyncset.done $0x0  }
0x67: {  	[sflag:s16] =	ssyncadd.s32 $0xFFFFF800  }
0x68: {  	[tilespmem:s15], [sflag:$0x1] =	stream.indirect.gather [hbm4b:s4+s18], $0x80, s3, s18, $0xb8;
	[tilespmem:$0x1F000] =	vst v63  }
0x69: {  	s14 =	rddreg [dreg:$0x5]  }
0x6a: {  	[tilespmem:s19], [sflag:$0x2] =	stream.indirect.gather [hbm4b:s4+s18], $0x80, s14, s18, $0xb8;
	[tilespmem:$0x1F000] =	vst v63  }
0x6b: {  	s12 =	rddreg [dreg:$0x6]  }
0x6c: {  	[tilespmem:s20], [sflag:$0x3] =	stream.indirect.gather [hbm4b:s4+s18], $0x80, s12, s18, $0xb8;
	[tilespmem:$0x1F000] =	vst v63  }
0x6d: {  	_ =	swait.ge [sflag:s21], $0x2800  }
0x6e: {  	[sflag:s21] =	ssyncset.done $0x0  }
0x6f: {  	[sflag:s21] =	ssyncadd.s32 $0xFFFFD800  }
0x70: {  	[spmem:s1] =	stream.indirect.scatter.add.f32 [tilespmem:s15], [sflag:$0x5], $0x80, s17, s18, $0xb8;
	[tilespmem:$0x1F000] =	vst v63  }
0x71: {  	s14 =	rddreg [dreg:$0x7]  }
0x72: {  	[tilespmem:s22], [sflag:$0x4] =	stream.indirect.gather [hbm4b:s4+s18], $0x80, s14, s18, $0xb8;
	[tilespmem:$0x1F000] =	vst v63  }
0x73: {  	_ =	swait.ge [sflag:s23], $0x2800  }
0x74: {  	[sflag:s23] =	ssyncset.done $0x0  }
0x75: {  	s12 =	rddreg [dreg:$0x8];
	[sflag:s23] =	ssyncadd.s32 $0xFFFFD800  }
0x76: {  	[spmem:s1] =	stream.indirect.scatter.add.f32 [tilespmem:s19], [sflag:$0x6], $0x80, s12, s18, $0xb8;
	[tilespmem:$0x1F000] =	vst v63  }
0x77: {  	_ =	swait.ge [sflag:s24], $0x2800  }
0x78: {  	[sflag:s24] =	ssyncset.done $0x0  }
0x79: {  	s13 =	rddreg [dreg:$0x9];
	[sflag:s24] =	ssyncadd.s32 $0xFFFFD800  }
0x7a: {  	[tilespmem:s15], [sflag:$0x1] =	stream.indirect.gather [hbm4b:s4+s18], $0x80, s13, s18, $0xb8;
	[tilespmem:$0x1F000] =	vst v63  }
0x7b: {  	_ =	swait.ge [sflag:s25], $0x2800  }
0x7c: {  	[sflag:s25] =	ssyncset.done $0x0  }
0x7d: {  	s14 =	rddreg [dreg:$0xa];
	[sflag:s25] =	ssyncadd.s32 $0xFFFFD800  }
0x7e: {  	[spmem:s1] =	stream.indirect.scatter.add.f32 [tilespmem:s20], [sflag:$0x7], $0x80, s14, s18, $0xb8;
	[tilespmem:$0x1F000] =	vst v63  }
0x7f: {  	_ =	swait.ge [sflag:s26], $0x2800  }
0x80: {  	[sflag:s26] =	ssyncset.done $0x0  }
0x81: {  	s12 =	rddreg [dreg:$0xb];
	[sflag:s26] =	ssyncadd.s32 $0xFFFFD800  }
0x82: {  	[tilespmem:s19], [sflag:$0x2] =	stream.indirect.gather [hbm4b:s4+s18], $0x80, s12, s18, $0xb8;
	[tilespmem:$0x1F000] =	vst v63  }
0x83: {  	_ =	swait.ge [sflag:s28], $0x2800  }
0x84: {  	[sflag:s28] =	ssyncset.done $0x0  }
0x85: {  	s13 =	rddreg [dreg:$0xc];
	[sflag:s28] =	ssyncadd.s32 $0xFFFFD800  }
0x86: {  	[spmem:s1] =	stream.indirect.scatter.add.f32 [tilespmem:s22], [sflag:$0x8], $0x80, s13, s18, $0xb8;
	[tilespmem:$0x1F000] =	vst v63  }
0x87: {  	_ =	swait.ge [sflag:s29], $0x2800  }
0x88: {  	[sflag:s29] =	ssyncset.done $0x0  }
0x89: {  	s14 =	rddreg [dreg:$0xd];
	[sflag:s29] =	ssyncadd.s32 $0xFFFFD800  }
0x8a: {  	[tilespmem:s20], [sflag:$0x3] =	stream.indirect.gather [hbm4b:s4+s18], $0x80, s14, s18, $0xb8;
	[tilespmem:$0x1F000] =	vst v63  }
0x8b: {  	_ =	swait.ge [sflag:s21], $0x2800  }
0x8c: {  	[sflag:s21] =	ssyncset.done $0x0  }
0x8d: {  	s12 =	rddreg [dreg:$0xe];
	[sflag:s21] =	ssyncadd.s32 $0xFFFFD800  }
0x8e: {  	[spmem:s1] =	stream.indirect.scatter.add.f32 [tilespmem:s15], [sflag:$0x5], $0x80, s12, s18, $0xb8;
	[tilespmem:$0x1F000] =	vst v63  }
0x8f: {  	_ =	swait.ge [sflag:s30], $0x2800  }
0x90: {  	[sflag:s30] =	ssyncset.done $0x0  }
0x91: {  	s13 =	rddreg [dreg:$0xf];
	[sflag:s30] =	ssyncadd.s32 $0xFFFFD800  }
0x92: {  	[tilespmem:s22], [sflag:$0x4] =	stream.indirect.gather [hbm4b:s4+s18], $0x80, s13, s18, $0xb8;
	[tilespmem:$0x1F000] =	vst v63  }
0x93: {  	_ =	swait.ge [sflag:s23], $0x2800  }
0x94: {  	[sflag:s23] =	ssyncset.done $0x0  }
0x95: {  	s14 =	rddreg [dreg:$0x10];
	[sflag:s23] =	ssyncadd.s32 $0xFFFFD800  }
0x96: {  	[spmem:s1] =	stream.indirect.scatter.add.f32 [tilespmem:s19], [sflag:$0x6], $0x80, s14, s18, $0xb8;
	[tilespmem:$0x1F000] =	vst v63  }
0x97: {  	_ =	swait.ge [sflag:s24], $0x2800  }
0x98: {  	[sflag:s24] =	ssyncset.done $0x0  }
0x99: {  	s12 =	rddreg [dreg:$0x11];
	[sflag:s24] =	ssyncadd.s32 $0xFFFFD800  }
0x9a: {  	[tilespmem:s15], [sflag:$0x1] =	stream.indirect.gather [hbm4b:s4+s18], $0x80, s12, s18, $0xb8;
	[tilespmem:$0x1F000] =	vst v63  }
0x9b: {  	_ =	swait.ge [sflag:s25], $0x2800  }
0x9c: {  	[sflag:s25] =	ssyncset.done $0x0  }
0x9d: {  	s13 =	rddreg [dreg:$0x12];
	[sflag:s25] =	ssyncadd.s32 $0xFFFFD800  }
0x9e: {  	[spmem:s1] =	stream.indirect.scatter.add.f32 [tilespmem:s20], [sflag:$0x7], $0x80, s13, s18, $0xb8;
	[tilespmem:$0x1F000] =	vst v63  }
0x9f: {  	_ =	swait.ge [sflag:s26], $0x2800  }
0xa0: {  	[sflag:s26] =	ssyncset.done $0x0  }
0xa1: {  	s14 =	rddreg [dreg:$0x13];
	[sflag:s26] =	ssyncadd.s32 $0xFFFFD800  }
0xa2: {  	[tilespmem:s19], [sflag:$0x2] =	stream.indirect.gather [hbm4b:s4+s18], $0x80, s14, s18, $0xb8;
	[tilespmem:$0x1F000] =	vst v63  }
0xa3: {  	_ =	swait.ge [sflag:s28], $0x2800  }
0xa4: {  	[sflag:s28] =	ssyncset.done $0x0  }
0xa5: {  	s12 =	rddreg [dreg:$0x14];
	[sflag:s28] =	ssyncadd.s32 $0xFFFFD800  }
0xa6: {  	[spmem:s1] =	stream.indirect.scatter.add.f32 [tilespmem:s22], [sflag:$0x8], $0x80, s12, s18, $0xb8;
	[tilespmem:$0x1F000] =	vst v63  }
0xa7: {  	_ =	swait.ge [sflag:s29], $0x2800  }
0xa8: {  	[sflag:s29] =	ssyncset.done $0x0  }
0xa9: {  	s13 =	rddreg [dreg:$0x15];
	[sflag:s29] =	ssyncadd.s32 $0xFFFFD800  }
0xaa: {  	[tilespmem:s20], [sflag:$0x3] =	stream.indirect.gather [hbm4b:s4+s18], $0x80, s13, s18, $0xb8;
	[tilespmem:$0x1F000] =	vst v63  }
0xab: {  	_ =	swait.ge [sflag:s21], $0x2800  }
0xac: {  	[sflag:s21] =	ssyncset.done $0x0  }
0xad: {  	s14 =	rddreg [dreg:$0x16];
	[sflag:s21] =	ssyncadd.s32 $0xFFFFD800  }
0xae: {  	[spmem:s1] =	stream.indirect.scatter.add.f32 [tilespmem:s15], [sflag:$0x5], $0x80, s14, s18, $0xb8;
	[tilespmem:$0x1F000] =	vst v63  }
0xaf: {  	_ =	swait.ge [sflag:s30], $0x2800  }
0xb0: {  	[sflag:s30] =	ssyncset.done $0x0  }
0xb1: {  	s12 =	rddreg [dreg:$0x17];
	[sflag:s30] =	ssyncadd.s32 $0xFFFFD800  }
0xb2: {  	[tilespmem:s22], [sflag:$0x4] =	stream.indirect.gather [hbm4b:s4+s18], $0x80, s12, s18, $0xb8;
	[tilespmem:$0x1F000] =	vst v63  }
0xb3: {  	_ =	swait.ge [sflag:s23], $0x2800  }
0xb4: {  	[sflag:s23] =	ssyncset.done $0x0  }
0xb5: {  	s13 =	rddreg [dreg:$0x18];
	[sflag:s23] =	ssyncadd.s32 $0xFFFFD800  }
0xb6: {  	[spmem:s1] =	stream.indirect.scatter.add.f32 [tilespmem:s19], [sflag:$0x6], $0x80, s13, s18, $0xb8;
	[tilespmem:$0x1F000] =	vst v63  }
0xb7: {  	_ =	swait.ge [sflag:s24], $0x2800  }
0xb8: {  	[sflag:s24] =	ssyncset.done $0x0  }
0xb9: {  	s14 =	rddreg [dreg:$0x19];
	[sflag:s24] =	ssyncadd.s32 $0xFFFFD800  }
0xba: {  	[tilespmem:s15], [sflag:$0x1] =	stream.indirect.gather [hbm4b:s4+s18], $0x80, s14, s18, $0xb8;
	[tilespmem:$0x1F000] =	vst v63  }
0xbb: {  	_ =	swait.ge [sflag:s25], $0x2800  }
0xbc: {  	[sflag:s25] =	ssyncset.done $0x0  }
0xbd: {  	[sflag:s25] =	ssyncadd.s32 $0xFFFFD800  }
0xbe: {  	[spmem:s1] =	stream.indirect.scatter.add.f32 [tilespmem:s20], [sflag:$0x7], $0x80, s31, s18, $0xb8;
	[tilespmem:$0x1F000] =	vst v63  }
0xbf: {  	_ =	swait.ge [sflag:s26], $0x2800  }
0xc0: {  	[sflag:s26] =	ssyncset.done $0x0  }
0xc1: {  	[sflag:s26] =	ssyncadd.s32 $0xFFFFD800  }
0xc2: {  	[tilespmem:s19], [sflag:$0x2] =	stream.indirect.gather [hbm4b:s4+s18], $0x80, s0, s18, $0xb8;
	[tilespmem:$0x1F000] =	vst v63  }
0xc3: {  	_ =	swait.ge [sflag:s28], $0x2800  }
0xc4: {  	[sflag:s28] =	ssyncset.done $0x0  }
0xc5: {  	[sflag:s28] =	ssyncadd.s32 $0xFFFFD800  }
0xc6: {  	[spmem:s1] =	stream.indirect.scatter.add.f32 [tilespmem:s22], [sflag:$0x8], $0x80, s2, s18, $0xb8;
	[tilespmem:$0x1F000] =	vst v63  }
0xc7: {  	_ =	swait.ge [sflag:s29], $0x2800  }
0xc8: {  	[sflag:s29] =	ssyncset.done $0x0  }
0xc9: {  	[sflag:s29] =	ssyncadd.s32 $0xFFFFD800  }
0xca: {  	[tilespmem:s20], [sflag:$0x3] =	stream.indirect.gather [hbm4b:s4+s18], $0x80, s5, s18, $0xb8;
	[tilespmem:$0x1F000] =	vst v63  }
0xcb: {  	_ =	swait.ge [sflag:s21], $0x2800  }
0xcc: {  	[sflag:s21] =	ssyncset.done $0x0  }
0xcd: {  	[sflag:s21] =	ssyncadd.s32 $0xFFFFD800  }
0xce: {  	[spmem:s1] =	stream.indirect.scatter.add.f32 [tilespmem:s15], [sflag:$0x5], $0x80, s7, s18, $0xb8;
	[tilespmem:$0x1F000] =	vst v63  }
0xcf: {  	_ =	swait.ge [sflag:s30], $0x2800  }
0xd0: {  	[sflag:s30] =	ssyncset.done $0x0  }
0xd1: {  	[sflag:s30] =	ssyncadd.s32 $0xFFFFD800  }
0xd2: {  	[tilespmem:s22], [sflag:$0x4] =	stream.indirect.gather [hbm4b:s4+s18], $0x80, s8, s18, $0xb8;
	[tilespmem:$0x1F000] =	vst v63  }
0xd3: {  	_ =	swait.ge [sflag:s23], $0x2800  }
0xd4: {  	[sflag:s23] =	ssyncset.done $0x0  }
0xd5: {  	[sflag:s23] =	ssyncadd.s32 $0xFFFFD800  }
0xd6: {  	[spmem:s1] =	stream.indirect.scatter.add.f32 [tilespmem:s19], [sflag:$0x6], $0x80, s9, s18, $0xb8;
	[tilespmem:$0x1F000] =	vst v63  }
0xd7: {  	_ =	swait.ge [sflag:s24], $0x2800  }
0xd8: {  	[sflag:s24] =	ssyncset.done $0x0  }
0xd9: {  	[sflag:s24] =	ssyncadd.s32 $0xFFFFD800  }
0xda: {  	_ =	swait.ge [sflag:s25], $0x2800  }
0xdb: {  	[sflag:s25] =	ssyncset.done $0x0  }
0xdc: {  	[sflag:s25] =	ssyncadd.s32 $0xFFFFD800  }
0xdd: {  	[spmem:s1] =	stream.indirect.scatter.add.f32 [tilespmem:s20], [sflag:$0x7], $0x80, s10, s18, $0xb8;
	[tilespmem:$0x1F000] =	vst v63  }
0xde: {  	_ =	swait.ge [sflag:s26], $0x2800  }
0xdf: {  	[sflag:s26] =	ssyncset.done $0x0  }
0xe0: {  	[sflag:s26] =	ssyncadd.s32 $0xFFFFD800  }
0xe1: {  	_ =	swait.ge [sflag:s28], $0x2800  }
0xe2: {  	[sflag:s28] =	ssyncset.done $0x0  }
0xe3: {  	[sflag:s28] =	ssyncadd.s32 $0xFFFFD800  }
0xe4: {  	[spmem:s1] =	stream.indirect.scatter.add.f32 [tilespmem:s22], [sflag:$0x8], $0x80, s11, s18, $0xb8;
	[tilespmem:$0x1F000] =	vst v63  }
0xe5: {  	_ =	swait.ge [sflag:s29], $0x2800  }
0xe6: {  	[sflag:s29] =	ssyncset.done $0x0  }
0xe7: {  	[sflag:s29] =	ssyncadd.s32 $0xFFFFD800  }
0xe8: {  	s13 =	simm.s32 $0x100;
	_ =	swait.ge [sflag:s30], $0x2800  }
0xe9: {  	s14 =	simm.s32 $0x200;
	s6 =	rddreg [dreg:$0x4];
	[sflag:s30] =	ssyncset.done $0x0  }
.LBB2_4:
0xea: {  	[sflag:s30] =	ssyncadd.s32 $0xFFFFD800;
	s6 =	sadd.s32 s13, s6  }
0xeb: {  	[tilespmem:s3], [sflag:$0x9] =	stream.linear.gather [hbm4b:s6+s3], $0x800, $0x38;
	[tilespmem:$0x1F000] =	vst v63  }
0xec: {  	_ =	swait.ge [sflag:s16], $0x800  }
0xed: {  	s6 =	rddreg [dreg:$0x3];
	[sflag:s16] =	ssyncset.done $0x0  }
0xee: {  	[sflag:s16] =	ssyncadd.s32 $0xFFFFF800;
	s6 =	sadd.s32 s13, s6  }
0xef: {  	[tilespmem:s17], [sflag:$0x9] =	stream.linear.gather [hbm4b:s6+s3], $0x800, $0x38;
	[tilespmem:$0x1F000] =	vst v63  }
0xf0: {  	_ =	swait.ge [sflag:s16], $0x800  }
0xf1: {  	[sflag:s16] =	ssyncset.done $0x0  }
0xf2: {  	[sflag:s16] =	ssyncadd.s32 $0xFFFFF800  }
0xf3: {  	[tilespmem:s15], [sflag:$0x1] =	stream.indirect.gather [hbm4b:s4+s18], $0x80, s3, s18, $0xb8;
	[tilespmem:$0x1F000] =	vst v63  }
0xf4: {  	s12 =	smov.u32 s14;
	s6 =	rddreg [dreg:$0x5]  }
0xf5: {  	[tilespmem:s19], [sflag:$0x2] =	stream.indirect.gather [hbm4b:s4+s18], $0x80, s6, s18, $0xb8;
	[tilespmem:$0x1F000] =	vst v63  }
0xf6: {  	s13 =	smov.u32 s12;
	s12 =	rddreg [dreg:$0x6]  }
0xf7: {  	[tilespmem:s20], [sflag:$0x3] =	stream.indirect.gather [hbm4b:s4+s18], $0x80, s12, s18, $0xb8;
	[tilespmem:$0x1F000] =	vst v63  }
0xf8: {  	_ =	swait.ge [sflag:s21], $0x2800  }
0xf9: {  	[sflag:s21] =	ssyncset.done $0x0  }
0xfa: {  	[sflag:s21] =	ssyncadd.s32 $0xFFFFD800  }
0xfb: {  	[spmem:s1] =	stream.indirect.scatter.add.f32 [tilespmem:s15], [sflag:$0x5], $0x80, s17, s18, $0xb8;
	[tilespmem:$0x1F000] =	vst v63  }
0xfc: {  	s12 =	rddreg [dreg:$0x7]  }
0xfd: {  	[tilespmem:s22], [sflag:$0x4] =	stream.indirect.gather [hbm4b:s4+s18], $0x80, s12, s18, $0xb8;
	[tilespmem:$0x1F000] =	vst v63  }
0xfe: {  	_ =	swait.ge [sflag:s23], $0x2800  }
0xff: {  	[sflag:s23] =	ssyncset.done $0x0  }
0x100: {  	s12 =	rddreg [dreg:$0x8];
	[sflag:s23] =	ssyncadd.s32 $0xFFFFD800  }
0x101: {  	[spmem:s1] =	stream.indirect.scatter.add.f32 [tilespmem:s19], [sflag:$0x6], $0x80, s12, s18, $0xb8;
	[tilespmem:$0x1F000] =	vst v63  }
0x102: {  	_ =	swait.ge [sflag:s24], $0x2800  }
0x103: {  	[sflag:s24] =	ssyncset.done $0x0  }
0x104: {  	s12 =	rddreg [dreg:$0x9];
	[sflag:s24] =	ssyncadd.s32 $0xFFFFD800  }
0x105: {  	[tilespmem:s15], [sflag:$0x1] =	stream.indirect.gather [hbm4b:s4+s18], $0x80, s12, s18, $0xb8;
	[tilespmem:$0x1F000] =	vst v63  }
0x106: {  	_ =	swait.ge [sflag:s25], $0x2800  }
0x107: {  	[sflag:s25] =	ssyncset.done $0x0  }
0x108: {  	s12 =	rddreg [dreg:$0xa];
	[sflag:s25] =	ssyncadd.s32 $0xFFFFD800  }
0x109: {  	[spmem:s1] =	stream.indirect.scatter.add.f32 [tilespmem:s20], [sflag:$0x7], $0x80, s12, s18, $0xb8;
	[tilespmem:$0x1F000] =	vst v63  }
0x10a: {  	_ =	swait.ge [sflag:s26], $0x2800  }
0x10b: {  	[sflag:s26] =	ssyncset.done $0x0  }
0x10c: {  	s12 =	rddreg [dreg:$0xb];
	[sflag:s26] =	ssyncadd.s32 $0xFFFFD800  }
0x10d: {  	[tilespmem:s19], [sflag:$0x2] =	stream.indirect.gather [hbm4b:s4+s18], $0x80, s12, s18, $0xb8;
	[tilespmem:$0x1F000] =	vst v63  }
0x10e: {  	_ =	swait.ge [sflag:s28], $0x2800  }
0x10f: {  	[sflag:s28] =	ssyncset.done $0x0  }
0x110: {  	s12 =	rddreg [dreg:$0xc];
	[sflag:s28] =	ssyncadd.s32 $0xFFFFD800  }
0x111: {  	[spmem:s1] =	stream.indirect.scatter.add.f32 [tilespmem:s22], [sflag:$0x8], $0x80, s12, s18, $0xb8;
	[tilespmem:$0x1F000] =	vst v63  }
0x112: {  	_ =	swait.ge [sflag:s29], $0x2800  }
0x113: {  	[sflag:s29] =	ssyncset.done $0x0  }
0x114: {  	s12 =	rddreg [dreg:$0xd];
	[sflag:s29] =	ssyncadd.s32 $0xFFFFD800  }
0x115: {  	[tilespmem:s20], [sflag:$0x3] =	stream.indirect.gather [hbm4b:s4+s18], $0x80, s12, s18, $0xb8;
	[tilespmem:$0x1F000] =	vst v63  }
0x116: {  	_ =	swait.ge [sflag:s21], $0x2800  }
0x117: {  	[sflag:s21] =	ssyncset.done $0x0  }
0x118: {  	s12 =	rddreg [dreg:$0xe];
	[sflag:s21] =	ssyncadd.s32 $0xFFFFD800  }
0x119: {  	[spmem:s1] =	stream.indirect.scatter.add.f32 [tilespmem:s15], [sflag:$0x5], $0x80, s12, s18, $0xb8;
	[tilespmem:$0x1F000] =	vst v63  }
0x11a: {  	_ =	swait.ge [sflag:s30], $0x2800  }
0x11b: {  	[sflag:s30] =	ssyncset.done $0x0  }
0x11c: {  	s12 =	rddreg [dreg:$0xf];
	[sflag:s30] =	ssyncadd.s32 $0xFFFFD800  }
0x11d: {  	[tilespmem:s22], [sflag:$0x4] =	stream.indirect.gather [hbm4b:s4+s18], $0x80, s12, s18, $0xb8;
	[tilespmem:$0x1F000] =	vst v63  }
0x11e: {  	_ =	swait.ge [sflag:s23], $0x2800  }
0x11f: {  	[sflag:s23] =	ssyncset.done $0x0  }
0x120: {  	s12 =	rddreg [dreg:$0x10];
	[sflag:s23] =	ssyncadd.s32 $0xFFFFD800  }
0x121: {  	[spmem:s1] =	stream.indirect.scatter.add.f32 [tilespmem:s19], [sflag:$0x6], $0x80, s12, s18, $0xb8;
	[tilespmem:$0x1F000] =	vst v63  }
0x122: {  	_ =	swait.ge [sflag:s24], $0x2800  }
0x123: {  	[sflag:s24] =	ssyncset.done $0x0  }
0x124: {  	s12 =	rddreg [dreg:$0x11];
	[sflag:s24] =	ssyncadd.s32 $0xFFFFD800  }
0x125: {  	[tilespmem:s15], [sflag:$0x1] =	stream.indirect.gather [hbm4b:s4+s18], $0x80, s12, s18, $0xb8;
	[tilespmem:$0x1F000] =	vst v63  }
0x126: {  	_ =	swait.ge [sflag:s25], $0x2800  }
0x127: {  	[sflag:s25] =	ssyncset.done $0x0  }
0x128: {  	s12 =	rddreg [dreg:$0x12];
	[sflag:s25] =	ssyncadd.s32 $0xFFFFD800  }
0x129: {  	[spmem:s1] =	stream.indirect.scatter.add.f32 [tilespmem:s20], [sflag:$0x7], $0x80, s12, s18, $0xb8;
	[tilespmem:$0x1F000] =	vst v63  }
0x12a: {  	_ =	swait.ge [sflag:s26], $0x2800  }
0x12b: {  	[sflag:s26] =	ssyncset.done $0x0  }
0x12c: {  	s12 =	rddreg [dreg:$0x13];
	[sflag:s26] =	ssyncadd.s32 $0xFFFFD800  }
0x12d: {  	[tilespmem:s19], [sflag:$0x2] =	stream.indirect.gather [hbm4b:s4+s18], $0x80, s12, s18, $0xb8;
	[tilespmem:$0x1F000] =	vst v63  }
0x12e: {  	_ =	swait.ge [sflag:s28], $0x2800  }
0x12f: {  	[sflag:s28] =	ssyncset.done $0x0  }
0x130: {  	s12 =	rddreg [dreg:$0x14];
	[sflag:s28] =	ssyncadd.s32 $0xFFFFD800  }
0x131: {  	[spmem:s1] =	stream.indirect.scatter.add.f32 [tilespmem:s22], [sflag:$0x8], $0x80, s12, s18, $0xb8;
	[tilespmem:$0x1F000] =	vst v63  }
0x132: {  	_ =	swait.ge [sflag:s29], $0x2800  }
0x133: {  	[sflag:s29] =	ssyncset.done $0x0  }
0x134: {  	s12 =	rddreg [dreg:$0x15];
	[sflag:s29] =	ssyncadd.s32 $0xFFFFD800  }
0x135: {  	[tilespmem:s20], [sflag:$0x3] =	stream.indirect.gather [hbm4b:s4+s18], $0x80, s12, s18, $0xb8;
	[tilespmem:$0x1F000] =	vst v63  }
0x136: {  	_ =	swait.ge [sflag:s21], $0x2800  }
0x137: {  	[sflag:s21] =	ssyncset.done $0x0  }
0x138: {  	s12 =	rddreg [dreg:$0x16];
	[sflag:s21] =	ssyncadd.s32 $0xFFFFD800  }
0x139: {  	[spmem:s1] =	stream.indirect.scatter.add.f32 [tilespmem:s15], [sflag:$0x5], $0x80, s12, s18, $0xb8;
	[tilespmem:$0x1F000] =	vst v63  }
0x13a: {  	_ =	swait.ge [sflag:s30], $0x2800  }
0x13b: {  	[sflag:s30] =	ssyncset.done $0x0  }
0x13c: {  	s12 =	rddreg [dreg:$0x17];
	[sflag:s30] =	ssyncadd.s32 $0xFFFFD800  }
0x13d: {  	[tilespmem:s22], [sflag:$0x4] =	stream.indirect.gather [hbm4b:s4+s18], $0x80, s12, s18, $0xb8;
	[tilespmem:$0x1F000] =	vst v63  }
0x13e: {  	_ =	swait.ge [sflag:s23], $0x2800  }
0x13f: {  	[sflag:s23] =	ssyncset.done $0x0  }
0x140: {  	s12 =	rddreg [dreg:$0x18];
	[sflag:s23] =	ssyncadd.s32 $0xFFFFD800  }
0x141: {  	[spmem:s1] =	stream.indirect.scatter.add.f32 [tilespmem:s19], [sflag:$0x6], $0x80, s12, s18, $0xb8;
	[tilespmem:$0x1F000] =	vst v63  }
0x142: {  	_ =	swait.ge [sflag:s24], $0x2800  }
0x143: {  	[sflag:s24] =	ssyncset.done $0x0  }
0x144: {  	s12 =	rddreg [dreg:$0x19];
	[sflag:s24] =	ssyncadd.s32 $0xFFFFD800  }
0x145: {  	[tilespmem:s15], [sflag:$0x1] =	stream.indirect.gather [hbm4b:s4+s18], $0x80, s12, s18, $0xb8;
	[tilespmem:$0x1F000] =	vst v63  }
0x146: {  	_ =	swait.ge [sflag:s25], $0x2800  }
0x147: {  	[sflag:s25] =	ssyncset.done $0x0  }
0x148: {  	[sflag:s25] =	ssyncadd.s32 $0xFFFFD800  }
0x149: {  	[spmem:s1] =	stream.indirect.scatter.add.f32 [tilespmem:s20], [sflag:$0x7], $0x80, s31, s18, $0xb8;
	[tilespmem:$0x1F000] =	vst v63  }
0x14a: {  	_ =	swait.ge [sflag:s26], $0x2800  }
0x14b: {  	[sflag:s26] =	ssyncset.done $0x0  }
0x14c: {  	[sflag:s26] =	ssyncadd.s32 $0xFFFFD800  }
0x14d: {  	[tilespmem:s19], [sflag:$0x2] =	stream.indirect.gather [hbm4b:s4+s18], $0x80, s0, s18, $0xb8;
	[tilespmem:$0x1F000] =	vst v63  }
0x14e: {  	_ =	swait.ge [sflag:s28], $0x2800  }
0x14f: {  	[sflag:s28] =	ssyncset.done $0x0  }
0x150: {  	[sflag:s28] =	ssyncadd.s32 $0xFFFFD800  }
0x151: {  	[spmem:s1] =	stream.indirect.scatter.add.f32 [tilespmem:s22], [sflag:$0x8], $0x80, s2, s18, $0xb8;
	[tilespmem:$0x1F000] =	vst v63  }
0x152: {  	_ =	swait.ge [sflag:s29], $0x2800  }
0x153: {  	[sflag:s29] =	ssyncset.done $0x0  }
0x154: {  	[sflag:s29] =	ssyncadd.s32 $0xFFFFD800  }
0x155: {  	[tilespmem:s20], [sflag:$0x3] =	stream.indirect.gather [hbm4b:s4+s18], $0x80, s5, s18, $0xb8;
	[tilespmem:$0x1F000] =	vst v63  }
0x156: {  	_ =	swait.ge [sflag:s21], $0x2800  }
0x157: {  	[sflag:s21] =	ssyncset.done $0x0  }
0x158: {  	[sflag:s21] =	ssyncadd.s32 $0xFFFFD800  }
0x159: {  	[spmem:s1] =	stream.indirect.scatter.add.f32 [tilespmem:s15], [sflag:$0x5], $0x80, s7, s18, $0xb8;
	[tilespmem:$0x1F000] =	vst v63  }
0x15a: {  	_ =	swait.ge [sflag:s30], $0x2800  }
0x15b: {  	[sflag:s30] =	ssyncset.done $0x0  }
0x15c: {  	[sflag:s30] =	ssyncadd.s32 $0xFFFFD800  }
0x15d: {  	[tilespmem:s22], [sflag:$0x4] =	stream.indirect.gather [hbm4b:s4+s18], $0x80, s8, s18, $0xb8;
	[tilespmem:$0x1F000] =	vst v63  }
0x15e: {  	_ =	swait.ge [sflag:s23], $0x2800  }
0x15f: {  	[sflag:s23] =	ssyncset.done $0x0  }
0x160: {  	[sflag:s23] =	ssyncadd.s32 $0xFFFFD800  }
0x161: {  	[spmem:s1] =	stream.indirect.scatter.add.f32 [tilespmem:s19], [sflag:$0x6], $0x80, s9, s18, $0xb8;
	[tilespmem:$0x1F000] =	vst v63  }
0x162: {  	_ =	swait.ge [sflag:s24], $0x2800  }
0x163: {  	[sflag:s24] =	ssyncset.done $0x0  }
0x164: {  	[sflag:s24] =	ssyncadd.s32 $0xFFFFD800  }
0x165: {  	_ =	swait.ge [sflag:s25], $0x2800  }
0x166: {  	[sflag:s25] =	ssyncset.done $0x0  }
0x167: {  	[sflag:s25] =	ssyncadd.s32 $0xFFFFD800  }
0x168: {  	[spmem:s1] =	stream.indirect.scatter.add.f32 [tilespmem:s20], [sflag:$0x7], $0x80, s10, s18, $0xb8;
	[tilespmem:$0x1F000] =	vst v63  }
0x169: {  	_ =	swait.ge [sflag:s26], $0x2800  }
0x16a: {  	[sflag:s26] =	ssyncset.done $0x0  }
0x16b: {  	[sflag:s26] =	ssyncadd.s32 $0xFFFFD800  }
0x16c: {  	_ =	swait.ge [sflag:s28], $0x2800  }
0x16d: {  	[sflag:s28] =	ssyncset.done $0x0  }
0x16e: {  	p0 =	sne.s32 s14, $0x700;
	[sflag:s28] =	ssyncadd.s32 $0xFFFFD800  }
0x16f: {  	[spmem:s1] =	stream.indirect.scatter.add.f32 [tilespmem:s22], [sflag:$0x8], $0x80, s11, s18, $0xb8;
	[tilespmem:$0x1F000] =	vst v63  }
.Ltmp1:
0x170: {  	_ =	swait.ge [sflag:s29], $0x2800;
	(pc) =	sbr.rel @p0 .LBB2_4-.Ltmp1, $4  }
0x171: {  	[sflag:s29] =	ssyncset.done $0x0  }
0x172: {  	[sflag:s29] =	ssyncadd.s32 $0xFFFFD800  }
0x173: {  	_ =	swait.ge [sflag:s30], $0x2800  }
0x174: {  	s14 =	sadd.s32 $0x100, s14;
	s6 =	rddreg [dreg:$0x4];
	[sflag:s30] =	ssyncset.done $0x0  }
0x175: {  	[sflag:s30] =	ssyncadd.s32 $0xFFFFD800;
	s6 =	sadd.s32 s13, s6  }
0x176: {  	[tilespmem:s3], [sflag:$0x9] =	stream.linear.gather [hbm4b:s6+s3], $0x800, $0x38;
	[tilespmem:$0x1F000] =	vst v63  }
0x177: {  	_ =	swait.ge [sflag:s16], $0x800  }
0x178: {  	s12 =	rddreg [dreg:$0x3];
	[sflag:s16] =	ssyncset.done $0x0  }
0x179: {  	[sflag:s16] =	ssyncadd.s32 $0xFFFFF800;
	s6 =	sadd.s32 s13, s12  }
0x17a: {  	[tilespmem:s17], [sflag:$0x9] =	stream.linear.gather [hbm4b:s6+s3], $0x800, $0x38;
	[tilespmem:$0x1F000] =	vst v63  }
0x17b: {  	_ =	swait.ge [sflag:s16], $0x800  }
0x17c: {  	[sflag:s16] =	ssyncset.done $0x0  }
0x17d: {  	[sflag:s16] =	ssyncadd.s32 $0xFFFFF800  }
0x17e: {  	[tilespmem:s15], [sflag:$0x1] =	stream.indirect.gather [hbm4b:s4+s18], $0x80, s3, s18, $0xb8;
	[tilespmem:$0x1F000] =	vst v63  }
0x17f: {  	s13 =	rddreg [dreg:$0x5]  }
0x180: {  	[tilespmem:s19], [sflag:$0x2] =	stream.indirect.gather [hbm4b:s4+s18], $0x80, s13, s18, $0xb8;
	[tilespmem:$0x1F000] =	vst v63  }
0x181: {  	s12 =	rddreg [dreg:$0x6]  }
0x182: {  	[tilespmem:s20], [sflag:$0x3] =	stream.indirect.gather [hbm4b:s4+s18], $0x80, s12, s18, $0xb8;
	[tilespmem:$0x1F000] =	vst v63  }
0x183: {  	_ =	swait.ge [sflag:s21], $0x2800  }
0x184: {  	[sflag:s21] =	ssyncset.done $0x0  }
0x185: {  	[sflag:s21] =	ssyncadd.s32 $0xFFFFD800  }
0x186: {  	[spmem:s1] =	stream.indirect.scatter.add.f32 [tilespmem:s15], [sflag:$0x5], $0x80, s17, s18, $0xb8;
	[tilespmem:$0x1F000] =	vst v63  }
0x187: {  	s14 =	rddreg [dreg:$0x7]  }
0x188: {  	[tilespmem:s22], [sflag:$0x4] =	stream.indirect.gather [hbm4b:s4+s18], $0x80, s14, s18, $0xb8;
	[tilespmem:$0x1F000] =	vst v63  }
0x189: {  	_ =	swait.ge [sflag:s23], $0x2800  }
0x18a: {  	[sflag:s23] =	ssyncset.done $0x0  }
0x18b: {  	s12 =	rddreg [dreg:$0x8];
	[sflag:s23] =	ssyncadd.s32 $0xFFFFD800  }
0x18c: {  	[spmem:s1] =	stream.indirect.scatter.add.f32 [tilespmem:s19], [sflag:$0x6], $0x80, s12, s18, $0xb8;
	[tilespmem:$0x1F000] =	vst v63  }
0x18d: {  	_ =	swait.ge [sflag:s24], $0x2800  }
0x18e: {  	[sflag:s24] =	ssyncset.done $0x0  }
0x18f: {  	s13 =	rddreg [dreg:$0x9];
	[sflag:s24] =	ssyncadd.s32 $0xFFFFD800  }
0x190: {  	[tilespmem:s15], [sflag:$0x1] =	stream.indirect.gather [hbm4b:s4+s18], $0x80, s13, s18, $0xb8;
	[tilespmem:$0x1F000] =	vst v63  }
0x191: {  	_ =	swait.ge [sflag:s25], $0x2800  }
0x192: {  	[sflag:s25] =	ssyncset.done $0x0  }
0x193: {  	s14 =	rddreg [dreg:$0xa];
	[sflag:s25] =	ssyncadd.s32 $0xFFFFD800  }
0x194: {  	[spmem:s1] =	stream.indirect.scatter.add.f32 [tilespmem:s20], [sflag:$0x7], $0x80, s14, s18, $0xb8;
	[tilespmem:$0x1F000] =	vst v63  }
0x195: {  	_ =	swait.ge [sflag:s26], $0x2800  }
0x196: {  	[sflag:s26] =	ssyncset.done $0x0  }
0x197: {  	s12 =	rddreg [dreg:$0xb];
	[sflag:s26] =	ssyncadd.s32 $0xFFFFD800  }
0x198: {  	[tilespmem:s19], [sflag:$0x2] =	stream.indirect.gather [hbm4b:s4+s18], $0x80, s12, s18, $0xb8;
	[tilespmem:$0x1F000] =	vst v63  }
0x199: {  	_ =	swait.ge [sflag:s28], $0x2800  }
0x19a: {  	[sflag:s28] =	ssyncset.done $0x0  }
0x19b: {  	s13 =	rddreg [dreg:$0xc];
	[sflag:s28] =	ssyncadd.s32 $0xFFFFD800  }
0x19c: {  	[spmem:s1] =	stream.indirect.scatter.add.f32 [tilespmem:s22], [sflag:$0x8], $0x80, s13, s18, $0xb8;
	[tilespmem:$0x1F000] =	vst v63  }
0x19d: {  	_ =	swait.ge [sflag:s29], $0x2800  }
0x19e: {  	[sflag:s29] =	ssyncset.done $0x0  }
0x19f: {  	s14 =	rddreg [dreg:$0xd];
	[sflag:s29] =	ssyncadd.s32 $0xFFFFD800  }
0x1a0: {  	[tilespmem:s20], [sflag:$0x3] =	stream.indirect.gather [hbm4b:s4+s18], $0x80, s14, s18, $0xb8;
	[tilespmem:$0x1F000] =	vst v63  }
0x1a1: {  	_ =	swait.ge [sflag:s21], $0x2800  }
0x1a2: {  	[sflag:s21] =	ssyncset.done $0x0  }
0x1a3: {  	s12 =	rddreg [dreg:$0xe];
	[sflag:s21] =	ssyncadd.s32 $0xFFFFD800  }
0x1a4: {  	[spmem:s1] =	stream.indirect.scatter.add.f32 [tilespmem:s15], [sflag:$0x5], $0x80, s12, s18, $0xb8;
	[tilespmem:$0x1F000] =	vst v63  }
0x1a5: {  	_ =	swait.ge [sflag:s30], $0x2800  }
0x1a6: {  	[sflag:s30] =	ssyncset.done $0x0  }
0x1a7: {  	s13 =	rddreg [dreg:$0xf];
	[sflag:s30] =	ssyncadd.s32 $0xFFFFD800  }
0x1a8: {  	[tilespmem:s22], [sflag:$0x4] =	stream.indirect.gather [hbm4b:s4+s18], $0x80, s13, s18, $0xb8;
	[tilespmem:$0x1F000] =	vst v63  }
0x1a9: {  	_ =	swait.ge [sflag:s23], $0x2800  }
0x1aa: {  	[sflag:s23] =	ssyncset.done $0x0  }
0x1ab: {  	s14 =	rddreg [dreg:$0x10];
	[sflag:s23] =	ssyncadd.s32 $0xFFFFD800  }
0x1ac: {  	[spmem:s1] =	stream.indirect.scatter.add.f32 [tilespmem:s19], [sflag:$0x6], $0x80, s14, s18, $0xb8;
	[tilespmem:$0x1F000] =	vst v63  }
0x1ad: {  	_ =	swait.ge [sflag:s24], $0x2800  }
0x1ae: {  	[sflag:s24] =	ssyncset.done $0x0  }
0x1af: {  	s12 =	rddreg [dreg:$0x11];
	[sflag:s24] =	ssyncadd.s32 $0xFFFFD800  }
0x1b0: {  	[tilespmem:s15], [sflag:$0x1] =	stream.indirect.gather [hbm4b:s4+s18], $0x80, s12, s18, $0xb8;
	[tilespmem:$0x1F000] =	vst v63  }
0x1b1: {  	_ =	swait.ge [sflag:s25], $0x2800  }
0x1b2: {  	[sflag:s25] =	ssyncset.done $0x0  }
0x1b3: {  	s13 =	rddreg [dreg:$0x12];
	[sflag:s25] =	ssyncadd.s32 $0xFFFFD800  }
0x1b4: {  	[spmem:s1] =	stream.indirect.scatter.add.f32 [tilespmem:s20], [sflag:$0x7], $0x80, s13, s18, $0xb8;
	[tilespmem:$0x1F000] =	vst v63  }
0x1b5: {  	_ =	swait.ge [sflag:s26], $0x2800  }
0x1b6: {  	[sflag:s26] =	ssyncset.done $0x0  }
0x1b7: {  	s14 =	rddreg [dreg:$0x13];
	[sflag:s26] =	ssyncadd.s32 $0xFFFFD800  }
0x1b8: {  	[tilespmem:s19], [sflag:$0x2] =	stream.indirect.gather [hbm4b:s4+s18], $0x80, s14, s18, $0xb8;
	[tilespmem:$0x1F000] =	vst v63  }
0x1b9: {  	_ =	swait.ge [sflag:s28], $0x2800  }
0x1ba: {  	[sflag:s28] =	ssyncset.done $0x0  }
0x1bb: {  	s12 =	rddreg [dreg:$0x14];
	[sflag:s28] =	ssyncadd.s32 $0xFFFFD800  }
0x1bc: {  	[spmem:s1] =	stream.indirect.scatter.add.f32 [tilespmem:s22], [sflag:$0x8], $0x80, s12, s18, $0xb8;
	[tilespmem:$0x1F000] =	vst v63  }
0x1bd: {  	_ =	swait.ge [sflag:s29], $0x2800  }
0x1be: {  	[sflag:s29] =	ssyncset.done $0x0  }
0x1bf: {  	s13 =	rddreg [dreg:$0x15];
	[sflag:s29] =	ssyncadd.s32 $0xFFFFD800  }
0x1c0: {  	[tilespmem:s20], [sflag:$0x3] =	stream.indirect.gather [hbm4b:s4+s18], $0x80, s13, s18, $0xb8;
	[tilespmem:$0x1F000] =	vst v63  }
0x1c1: {  	_ =	swait.ge [sflag:s21], $0x2800  }
0x1c2: {  	[sflag:s21] =	ssyncset.done $0x0  }
0x1c3: {  	s14 =	rddreg [dreg:$0x16];
	[sflag:s21] =	ssyncadd.s32 $0xFFFFD800  }
0x1c4: {  	[spmem:s1] =	stream.indirect.scatter.add.f32 [tilespmem:s15], [sflag:$0x5], $0x80, s14, s18, $0xb8;
	[tilespmem:$0x1F000] =	vst v63  }
0x1c5: {  	_ =	swait.ge [sflag:s30], $0x2800  }
0x1c6: {  	[sflag:s30] =	ssyncset.done $0x0  }
0x1c7: {  	s12 =	rddreg [dreg:$0x17];
	[sflag:s30] =	ssyncadd.s32 $0xFFFFD800  }
0x1c8: {  	[tilespmem:s22], [sflag:$0x4] =	stream.indirect.gather [hbm4b:s4+s18], $0x80, s12, s18, $0xb8;
	[tilespmem:$0x1F000] =	vst v63  }
0x1c9: {  	_ =	swait.ge [sflag:s23], $0x2800  }
0x1ca: {  	[sflag:s23] =	ssyncset.done $0x0  }
0x1cb: {  	s13 =	rddreg [dreg:$0x18];
	[sflag:s23] =	ssyncadd.s32 $0xFFFFD800  }
0x1cc: {  	[spmem:s1] =	stream.indirect.scatter.add.f32 [tilespmem:s19], [sflag:$0x6], $0x80, s13, s18, $0xb8;
	[tilespmem:$0x1F000] =	vst v63  }
0x1cd: {  	_ =	swait.ge [sflag:s24], $0x2800  }
0x1ce: {  	[sflag:s24] =	ssyncset.done $0x0  }
0x1cf: {  	s14 =	rddreg [dreg:$0x19];
	[sflag:s24] =	ssyncadd.s32 $0xFFFFD800  }
0x1d0: {  	[tilespmem:s15], [sflag:$0x1] =	stream.indirect.gather [hbm4b:s4+s18], $0x80, s14, s18, $0xb8;
	[tilespmem:$0x1F000] =	vst v63  }
0x1d1: {  	_ =	swait.ge [sflag:s25], $0x2800  }
0x1d2: {  	[sflag:s25] =	ssyncset.done $0x0  }
0x1d3: {  	[sflag:s25] =	ssyncadd.s32 $0xFFFFD800  }
0x1d4: {  	[spmem:s1] =	stream.indirect.scatter.add.f32 [tilespmem:s20], [sflag:$0x7], $0x80, s31, s18, $0xb8;
	[tilespmem:$0x1F000] =	vst v63  }
0x1d5: {  	_ =	swait.ge [sflag:s26], $0x2800  }
0x1d6: {  	[sflag:s26] =	ssyncset.done $0x0  }
0x1d7: {  	[sflag:s26] =	ssyncadd.s32 $0xFFFFD800  }
0x1d8: {  	[tilespmem:s19], [sflag:$0x2] =	stream.indirect.gather [hbm4b:s4+s18], $0x80, s0, s18, $0xb8;
	[tilespmem:$0x1F000] =	vst v63  }
0x1d9: {  	_ =	swait.ge [sflag:s28], $0x2800  }
0x1da: {  	[sflag:s28] =	ssyncset.done $0x0  }
0x1db: {  	[sflag:s28] =	ssyncadd.s32 $0xFFFFD800  }
0x1dc: {  	[spmem:s1] =	stream.indirect.scatter.add.f32 [tilespmem:s22], [sflag:$0x8], $0x80, s2, s18, $0xb8;
	[tilespmem:$0x1F000] =	vst v63  }
0x1dd: {  	_ =	swait.ge [sflag:s29], $0x2800  }
0x1de: {  	[sflag:s29] =	ssyncset.done $0x0  }
0x1df: {  	[sflag:s29] =	ssyncadd.s32 $0xFFFFD800  }
0x1e0: {  	[tilespmem:s20], [sflag:$0x3] =	stream.indirect.gather [hbm4b:s4+s18], $0x80, s5, s18, $0xb8;
	[tilespmem:$0x1F000] =	vst v63  }
0x1e1: {  	_ =	swait.ge [sflag:s21], $0x2800  }
0x1e2: {  	[sflag:s21] =	ssyncset.done $0x0  }
0x1e3: {  	[sflag:s21] =	ssyncadd.s32 $0xFFFFD800  }
0x1e4: {  	[spmem:s1] =	stream.indirect.scatter.add.f32 [tilespmem:s15], [sflag:$0x5], $0x80, s7, s18, $0xb8;
	[tilespmem:$0x1F000] =	vst v63  }
0x1e5: {  	_ =	swait.ge [sflag:s30], $0x2800  }
0x1e6: {  	[sflag:s30] =	ssyncset.done $0x0  }
0x1e7: {  	[sflag:s30] =	ssyncadd.s32 $0xFFFFD800  }
0x1e8: {  	[tilespmem:s22], [sflag:$0x4] =	stream.indirect.gather [hbm4b:s4+s18], $0x80, s8, s18, $0xb8;
	[tilespmem:$0x1F000] =	vst v63  }
0x1e9: {  	_ =	swait.ge [sflag:s23], $0x2800  }
0x1ea: {  	[sflag:s23] =	ssyncset.done $0x0  }
0x1eb: {  	[sflag:s23] =	ssyncadd.s32 $0xFFFFD800  }
0x1ec: {  	[spmem:s1] =	stream.indirect.scatter.add.f32 [tilespmem:s19], [sflag:$0x6], $0x80, s9, s18, $0xb8;
	[tilespmem:$0x1F000] =	vst v63  }
0x1ed: {  	_ =	swait.ge [sflag:s24], $0x2800  }
0x1ee: {  	[sflag:s24] =	ssyncset.done $0x0  }
0x1ef: {  	[sflag:s24] =	ssyncadd.s32 $0xFFFFD800  }
0x1f0: {  	_ =	swait.ge [sflag:s25], $0x2800  }
0x1f1: {  	[sflag:s25] =	ssyncset.done $0x0  }
0x1f2: {  	[sflag:s25] =	ssyncadd.s32 $0xFFFFD800  }
0x1f3: {  	[spmem:s1] =	stream.indirect.scatter.add.f32 [tilespmem:s20], [sflag:$0x7], $0x80, s10, s18, $0xb8;
	[tilespmem:$0x1F000] =	vst v63  }
0x1f4: {  	_ =	swait.ge [sflag:s26], $0x2800  }
0x1f5: {  	[sflag:s26] =	ssyncset.done $0x0  }
0x1f6: {  	[sflag:s26] =	ssyncadd.s32 $0xFFFFD800  }
0x1f7: {  	_ =	swait.ge [sflag:s28], $0x2800  }
0x1f8: {  	[sflag:s28] =	ssyncset.done $0x0  }
0x1f9: {  	[sflag:s28] =	ssyncadd.s32 $0xFFFFD800  }
0x1fa: {  	[spmem:s1] =	stream.indirect.scatter.add.f32 [tilespmem:s22], [sflag:$0x8], $0x80, s11, s18, $0xb8;
	[tilespmem:$0x1F000] =	vst v63  }
0x1fb: {  	_ =	swait.ge [sflag:s29], $0x2800  }
0x1fc: {  	[sflag:s29] =	ssyncset.done $0x0  }
0x1fd: {  	[sflag:s29] =	ssyncadd.s32 $0xFFFFD800  }
0x1fe: {  	_ =	swait.ge [sflag:s30], $0x2800  }
0x1ff: {  	[sflag:s30] =	ssyncset.done $0x0  }
0x200: {  	[sflag:s30] =	ssyncadd.s32 $0xFFFFD800  }
0x201: {  	s12 =	stileid.u32;
	[bflag:$0x0] =	sbarrier.arrive $0xFFFF  }
0x202: {  	s6 =	sshll.u32 s12, $0x6;
	s13 =	rddreg [dreg:$0x1b]  }
0x203: {  	s6 =	sor.u32 $0x1C09, s6;
	s14 =	rddreg [dreg:$0x1a];
	s12 =	sshrl.u32 s13, $0x3  }
0x204: {  	[hbm:s14], [sflag:s6] =	dma.local [spmem:s12], $0x2800  }
0x205: {  	_ =	swait.ge [sflag:s16], $0x2800  }
0x206: {  	s13 =	sld [smem:$0x7F9];
	_ =	sdelay $0x2  }
0x207: {  	s14 =	rddreg [dreg:$0x1c];
	s12 =	sadd.s32 $0x1, s13  }
0x208: {  	p0 =	sne.s32 s12, s14  }
.Ltmp2:
0x209: {  	_ = 	snop;
	(pc) =	sbr.rel @p0 .LBB2_1-.Ltmp2, $3  }
0x20a: {  	_ =	sdelay $0x1  }
0x20b: {  	[sflag:s16] =	ssyncset.done $0x0  }
0x20c: {  	[sflag:s16] =	ssyncadd.s32 $0xFFFFD800  }
0x20d: {  	_ =	sfence.sel $0x180000  }
0x20e: {  	[bflag:$0x0] =	sbarrier.arrive $0xFFFF  }
0x20f: {  	_ =	strace $0x9000004D  }
0x210: {  	s0 =	stileid.u32;
	[bflag:$0x2] =	sbarrier.arrive $0xFFFF  }
0x211: {  	p0 =	sne.s32 s0, $0x0;
	s0 =	rddreg [dreg:$0x2]  }
0x212: {  	s0 =	sadd.s32 @!p0 $0x100000, s0  }
0x213: {  	[sflag:s0] =	ssyncadd.tile.s32 @!p0 $0x1;
	_ =	shalt  }
.Lfunc_end2:
_tile_overlayer_lowered:
.L_overlay_start_2:
0x214: {  	(tag) =	ssettag $0x2  }
0x215: {  	s0 =	rddreg [dreg:$0x0];
	s2 =	stileid.u32  }
0x216: {  	s1 =	rddreg [dreg:$0x1];
	p0 =	sne.s32 s2, $0x0  }
0x217: {  	s3 =	rddreg [dreg:$0x2];
	[bflag:$0x3] =	sbarrier.arrive $0xFFFF;
	s2 =	simm.s32 @!p0 $0x1C09  }
0x218: {  	[timem:s3], [sflag:s2] =	dma.local @!p0 [hbm:s0], s1  }
0x219: {  	s0 =	simm.s32 @!p0 $0x9  }
0x21a: {  	_ =	swait.ge @!p0 [sflag:s0], s1  }
0x21b: {  	s1 =	ssub.s32 @!p0 $0x0, s1;
	[sflag:s0] =	ssyncset.done @!p0 $0x0  }
0x21c: {  	[sflag:s0] =	ssyncadd.s32 @!p0 s1  }
0x21d: {  	[bflag:$0x3] =	sbarrier.arrive $0xFFFF  }
0x21e: {  	_ =	shalt  }

</sc_bundles>
